<compile_context>
chip_gen: v7x
topology: tpu7x:2x2x1
jax: 0.10.2.dev20260603
libtpu: 0.0.44.dev20260713+nightly
codegen_flags: <defaults>
</compile_context>

<pallas_src>
import functools

import jax
import jax.numpy as jnp
from jax import lax
from jax.experimental import pallas as pl
from jax.experimental.pallas import tpu as pltpu
from jax.experimental.pallas import tpu_sc as plsc

N = 10000
E = 320000
D = 128
DE = 16

NC = 2
NS = 16
NW = NC * NS
EPW = E // NW
K = 40
NBLK = EPW // K
STRIPE = 624
TAIL = N - NS * STRIPE



def _prep_body(x_ref, w1_ref, w2_ref, b_ref, a_ref, bout_ref):
    xb = x_ref[...]
    a_ref[...] = jnp.dot(xb, w1_ref[...], preferred_element_type=jnp.float32)
    bout_ref[...] = (
        jnp.dot(xb, w2_ref[...], preferred_element_type=jnp.float32)
        + b_ref[...]
    )


_PAR = pltpu.CompilerParams(dimension_semantics=("parallel",))


def _node_prep(x, w1, w2, b):
    bn = 2000
    return pl.pallas_call(
        _prep_body,
        grid=(N // bn,),
        compiler_params=_PAR,
        in_specs=[
            pl.BlockSpec((bn, D), lambda i: (i, 0)),
            pl.BlockSpec((D, D), lambda i: (0, 0)),
            pl.BlockSpec((D, D), lambda i: (0, 0)),
            pl.BlockSpec((1, D), lambda i: (0, 0)),
        ],
        out_specs=[
            pl.BlockSpec((bn, D), lambda i: (i, 0)),
            pl.BlockSpec((bn, D), lambda i: (i, 0)),
        ],
        out_shape=[
            jax.ShapeDtypeStruct((N, D), jnp.float32),
            jax.ShapeDtypeStruct((N, D), jnp.float32),
        ],
    )(x, w1, w2, b.reshape(1, D))


def _cmsg_body(eat_ref, w3_ref, c_ref):
    c_ref[...] = jax.lax.dot_general(
        eat_ref[...], w3_ref[...],
        dimension_numbers=(((0,), (0,)), ((), ())),
        preferred_element_type=jnp.float32)


def _edge_prep(ea, w3):
    be = 12800
    ea_t = ea.T
    return pl.pallas_call(
        _cmsg_body,
        grid=(E // be,),
        compiler_params=_PAR,
        in_specs=[
            pl.BlockSpec((DE, be), lambda i: (0, i)),
            pl.BlockSpec((DE, D), lambda i: (0, 0)),
        ],
        out_specs=pl.BlockSpec((be, D), lambda i: (i, 0)),
        out_shape=jax.ShapeDtypeStruct((E, D), jnp.float32),
    )(ea_t, w3)


def _update_body(x_ref, g0_ref, g1_ref, wu1_ref, wu2_ref, b_ref, o_ref):
    xb = x_ref[...]
    agg = g0_ref[...] + g1_ref[...]
    h = (
        jnp.dot(xb, wu1_ref[...], preferred_element_type=jnp.float32)
        + jnp.dot(agg, wu2_ref[...], preferred_element_type=jnp.float32)
        + b_ref[...]
    )
    o_ref[...] = xb + jnp.maximum(h, 0.0)


def _node_update(x, g0, g1, wu1, wu2, b):
    bn = 2000
    return pl.pallas_call(
        _update_body,
        grid=(N // bn,),
        compiler_params=_PAR,
        in_specs=[
            pl.BlockSpec((bn, D), lambda i: (i, 0)),
            pl.BlockSpec((bn, D), lambda i: (i, 0)),
            pl.BlockSpec((bn, D), lambda i: (i, 0)),
            pl.BlockSpec((D, D), lambda i: (0, 0)),
            pl.BlockSpec((D, D), lambda i: (0, 0)),
            pl.BlockSpec((1, D), lambda i: (0, 0)),
        ],
        out_specs=pl.BlockSpec((bn, D), lambda i: (i, 0)),
        out_shape=jax.ShapeDtypeStruct((N, D), jnp.float32),
    )(x, g0, g1, wu1, wu2, b.reshape(1, D))



def _sc_edges(a, b, c, senders, receivers):
    mesh = plsc.VectorSubcoreMesh(core_axis_name="c", subcore_axis_name="s")
    @functools.partial(
        pl.kernel,
        mesh=mesh,
        compiler_params=pltpu.CompilerParams(use_tc_tiling_on_sc=True),
        out_type=jax.ShapeDtypeStruct((NC, N, D), jnp.float32),
        scratch_types=[
            pltpu.VMEM((4, K), jnp.int32),
            pltpu.VMEM((4, K), jnp.int32),
            pltpu.VMEM((2, K, D), jnp.float32),
            pltpu.VMEM((2, K, D), jnp.float32),
            pltpu.VMEM((2, K, D), jnp.float32),
            pltpu.VMEM_SHARED((N, D), jnp.float32),
            pltpu.SemaphoreType.DMA,
            pltpu.SemaphoreType.DMA,
            pltpu.SemaphoreType.DMA,
            pltpu.SemaphoreType.DMA,
            pltpu.SemaphoreType.DMA,
        ],
    )
    def sc_kernel(a_hbm, b_hbm, c_hbm, s_hbm, r_hbm, out_hbm,
                  sidx, ridx, av2, bv2, cv2, agg,
                  sem_a, sem_b, sem_c, sem_si, sem_ri):
        cid = lax.axis_index("c")
        sid = lax.axis_index("s")
        wid = sid * NC + cid

        z = av2.at[0]

        @pl.loop(0, K)
        def _(i):
            for j in range(D // 16):
                z[i, pl.ds(j * 16, 16)] = jnp.zeros((16,), jnp.float32)

        base_row = sid * STRIPE
        full, rem = divmod(STRIPE, K)

        @pl.loop(0, full)
        def _(t):
            pltpu.sync_copy(z, agg.at[pl.ds(base_row + t * K, K)])

        if rem:
            pltpu.sync_copy(z.at[pl.ds(0, rem)],
                            agg.at[pl.ds(base_row + full * K, rem)])

        @pl.when(sid == NS - 1)
        def _():
            pltpu.sync_copy(z.at[pl.ds(0, TAIL)],
                            agg.at[pl.ds(NS * STRIPE, TAIL)])

        plsc.subcore_barrier()

        def issue_idx(t, slot):
            ebase = wid * EPW + t * K
            pltpu.async_copy(s_hbm.at[pl.ds(ebase, K)], sidx.at[slot],
                             sem_si)
            pltpu.async_copy(r_hbm.at[pl.ds(ebase, K)], ridx.at[slot],
                             sem_ri)

        def wait_idx(t, slot):
            ebase = wid * EPW + t * K
            pltpu.make_async_copy(s_hbm.at[pl.ds(ebase, K)], sidx.at[slot],
                                  sem_si).wait()
            pltpu.make_async_copy(r_hbm.at[pl.ds(ebase, K)], ridx.at[slot],
                                  sem_ri).wait()

        def issue(t, slot, bf):
            ebase = wid * EPW + t * K
            pltpu.async_copy(a_hbm.at[sidx.at[slot]], av2.at[bf], sem_a)
            pltpu.async_copy(b_hbm.at[ridx.at[slot]], bv2.at[bf], sem_b)
            pltpu.async_copy(c_hbm.at[pl.ds(ebase, K)], cv2.at[bf], sem_c)

        def drain(t, slot, bf):
            ebase = wid * EPW + t * K
            pltpu.make_async_copy(a_hbm.at[sidx.at[slot]], av2.at[bf],
                                  sem_a).wait()
            pltpu.make_async_copy(b_hbm.at[ridx.at[slot]], bv2.at[bf],
                                  sem_b).wait()
            pltpu.make_async_copy(c_hbm.at[pl.ds(ebase, K)], cv2.at[bf],
                                  sem_c).wait()

        issue_idx(0, 0)
        issue_idx(1, 1)
        wait_idx(0, 0)
        issue(0, 0, 0)

        @pl.loop(0, NBLK + 2, step=4)
        def _(t0):
            for u in range(4):
                t = t0 + u
                slot = u & 3
                bf = u & 1

                @pl.when(t < NBLK)
                def _():
                    @pl.when(t + 1 < NBLK)
                    def _():
                        wait_idx(t + 1, (u + 1) & 3)
                        issue(t + 1, (u + 1) & 3, (u + 1) & 1)

                    @pl.when(t + 2 < NBLK)
                    def _():
                        issue_idx(t + 2, (u + 2) & 3)

                    drain(t, slot, bf)
                    m = av2.at[bf]
                    bb = bv2.at[bf]
                    cc = cv2.at[bf]

                    @pl.loop(0, K)
                    def _(i):
                        for j in range(D // 16):
                            sl = pl.ds(j * 16, 16)
                            m[i, sl] = jnp.maximum(
                                m[i, sl] + bb[i, sl] + cc[i, sl], 0.0)

                    pltpu.sync_copy(m, agg.at[ridx.at[slot]], add=True)

        plsc.subcore_barrier()

        pltpu.sync_copy(agg.at[pl.ds(base_row, STRIPE)],
                        out_hbm.at[cid, pl.ds(base_row, STRIPE)])

        @pl.when(sid == NS - 1)
        def _():
            pltpu.sync_copy(agg.at[pl.ds(NS * STRIPE, TAIL)],
                            out_hbm.at[cid, pl.ds(NS * STRIPE, TAIL)])

    return sc_kernel(a, b, c, senders, receivers)



@jax.jit
def kernel(x, edge_index, edge_attr, W_msg, b_msg, W_upd, b_upd):
    assert x.shape == (N, D) and edge_attr.shape == (E, DE)
    w1 = W_msg[:D]
    w2 = W_msg[D:2 * D]
    w3 = W_msg[2 * D:]
    senders = edge_index[0]
    receivers = edge_index[1]

    a, b = _node_prep(x, w1, w2, b_msg)
    c = _edge_prep(edge_attr, w3)
    partials = _sc_edges(a, b, c, senders, receivers)
    return _node_update(x, partials[0], partials[1],
                        W_upd[:D], W_upd[D:], b_upd)

# --- scband reference (transcript-rebuilt; emitter-appended) ---
"""Pipeline reference for scband-orb-model-30176440222233 (READ-ONLY COPY).

The authoritative reference and input builder live on the scoring server;
editing this copy changes nothing except your own understanding.
"""

import jax, jax.numpy as jnp
import numpy as np

N = 10000
E = 320000
D = 128
DE = 16

def setup_inputs(seed: int = 0) -> dict:
    key = jax.random.key(seed)
    ks = jax.random.split(key, 8)
    x = jax.random.normal(ks[0], (N, D), dtype=jnp.float32)
    edge_index = jax.random.randint(ks[1], (2, E), 0, N, dtype=jnp.int32)
    edge_attr = 0.1 * jax.random.normal(ks[2], (E, DE), dtype=jnp.float32)
    # learned parameters (message MLP and node-update MLP of one ORB-style MP layer)
    W_msg = jax.random.normal(ks[3], (2 * D + DE, D), dtype=jnp.float32) / np.sqrt(2 * D + DE)
    b_msg = jnp.zeros((D,), dtype=jnp.float32)
    W_upd = jax.random.normal(ks[4], (2 * D, D), dtype=jnp.float32) / np.sqrt(2 * D)
    b_upd = jnp.zeros((D,), dtype=jnp.float32)
    return {"x": x, "edge_index": edge_index, "edge_attr": edge_attr,
            "W_msg": W_msg, "b_msg": b_msg, "W_upd": W_upd, "b_upd": b_upd}

def reference(x, edge_index, edge_attr, W_msg, b_msg, W_upd, b_upd):
    # One GNS/ORB-style message-passing block:
    # gather sender/receiver node states, build edge messages, scatter-add to receivers,
    # update node states with a residual connection.
    senders = edge_index[0]
    receivers = edge_index[1]
    h_src = jnp.take(x, senders, axis=0)      # gather [E, D]
    h_dst = jnp.take(x, receivers, axis=0)    # gather [E, D]
    m_in = jnp.concatenate([h_src, h_dst, edge_attr], axis=-1)  # [E, 2D+DE]
    m = jax.nn.relu(m_in @ W_msg + b_msg)     # [E, D]
    agg = jax.ops.segment_sum(m, receivers, num_segments=x.shape[0])  # scatter-add [N, D]
    u_in = jnp.concatenate([x, agg], axis=-1)  # [N, 2D]
    h = jax.nn.relu(u_in @ W_upd + b_upd)
    return x + h

if __name__ == "__main__":
    import jax
    _d = setup_inputs()
    print(jax.jit(kernel)(*tuple(_d.values())))

</pallas_src>

<mosaic_0001>
#map = affine_map<(d0, d1) -> (0, 0)>
#map1 = affine_map<(d0, d1) -> (0)>
#map2 = affine_map<(d0, d1) -> (0, 0, 0)>
module attributes {stable_mosaic.version = 14 : i64} {
  func.func @sc_kernel(%arg0: i32, %arg1: i32, %arg2: memref<10000x128xf32, #tpu.memory_space<hbm>>, %arg3: memref<10000x128xf32, #tpu.memory_space<hbm>>, %arg4: memref<320000x128xf32, #tpu.memory_space<hbm>>, %arg5: memref<320000xi32, #tpu.memory_space<hbm>>, %arg6: memref<320000xi32, #tpu.memory_space<hbm>>, %arg7: memref<2x10000x128xf32, #tpu.memory_space<hbm>>, %arg8: memref<4x40xi32, #tpu.memory_space<vmem>>, %arg9: memref<4x40xi32, #tpu.memory_space<vmem>>, %arg10: memref<2x40x128xf32, #tpu.memory_space<vmem>>, %arg11: memref<2x40x128xf32, #tpu.memory_space<vmem>>, %arg12: memref<2x40x128xf32, #tpu.memory_space<vmem>>, %arg13: memref<10000x128xf32, #tpu.memory_space<vmem_shared>>, %arg14: memref<!tpu.dma_semaphore, #tpu.memory_space<semaphore_mem>>, %arg15: memref<!tpu.dma_semaphore, #tpu.memory_space<semaphore_mem>>, %arg16: memref<!tpu.dma_semaphore, #tpu.memory_space<semaphore_mem>>, %arg17: memref<!tpu.dma_semaphore, #tpu.memory_space<semaphore_mem>>, %arg18: memref<!tpu.dma_semaphore, #tpu.memory_space<semaphore_mem>>) attributes {dimension_semantics = [#tpu.dimension_semantics<core_parallel>, #tpu.dimension_semantics<subcore_parallel>], iteration_bounds = array<i64: 2, 16>, scalar_prefetch = 0 : i64, scratch_operands = 11 : i64, tpu.core_type = #tpu.core_type<sc_vector_subcore>, window_params = [{transform_indices = #map}, {transform_indices = #map}, {transform_indices = #map}, {transform_indices = #map1}, {transform_indices = #map1}, {transform_indices = #map2}]} {
    %mul3A = arith.constant 2 : i32
    %mul3A_0 = arith.muli %arg1, %mul3A : i32
    %add3A = arith.addi %mul3A_0, %arg0 : i32
    %scan3A = arith.constant 0 : i32
    %scan3A_1 = arith.constant 0 : i32
    %scan3A_2 = arith.constant 40 : i32
    %scan3A_3 = arith.addi %scan3A_1, %scan3A_2 : i32
    %scan3A_4 = arith.constant 1 : i32
    scf.for %scan3A_135 = %scan3A_1 to %scan3A_3 step %scan3A_4  : i32 {
      %mul3A_136 = arith.constant 1 : i32
      %mul3A_137 = arith.muli %scan3A_135, %mul3A_136 : i32
      %add3A_138 = arith.constant 0 : i32
      %add3A_139 = arith.addi %add3A_138, %mul3A_137 : i32
      %broadcast_in_dim3A = arith.constant 0.000000e+00 : f32
      %broadcast_in_dim3A_140 = vector.broadcast %broadcast_in_dim3A : f32 to vector<16xf32>
      %swap3A = arith.constant 0 : i32
      %swap3A_141 = arith.constant 0 : i32
      %swap3A_142 = tpu.memref_slice %arg10[%scan3A, %swap3A, %swap3A_141] : memref<2x40x128xf32, #tpu.memory_space<vmem>> -> memref<1x40x128xf32, #tpu.memory_space<vmem>>
      %swap3A_143 = tpu.memref_squeeze %swap3A_142 : memref<1x40x128xf32, #tpu.memory_space<vmem>> -> memref<40x128xf32, #tpu.memory_space<vmem>>
      %swap3A_144 = arith.index_cast %add3A_139 : i32 to index
      %swap3A_145 = arith.constant 0 : index
      %swap3A_146 = tpu.vector_load %swap3A_143[%swap3A_144, %swap3A_145] {strides = array<i32>} : memref<40x128xf32, #tpu.memory_space<vmem>>, vector<1x16xf32>,
      %swap3A_147 = vector.shape_cast %swap3A_146 : vector<1x16xf32> to vector<16xf32>
      %swap3A_148 = vector.shape_cast %broadcast_in_dim3A_140 : vector<16xf32> to vector<1x16xf32>
      tpu.vector_store %swap3A_143[%swap3A_144, %swap3A_145], %swap3A_148 {strides = array<i32>} : memref<40x128xf32, #tpu.memory_space<vmem>>, vector<1x16xf32>,
      %broadcast_in_dim3A_149 = arith.constant 0.000000e+00 : f32
      %broadcast_in_dim3A_150 = vector.broadcast %broadcast_in_dim3A_149 : f32 to vector<16xf32>
      %swap3A_151 = arith.constant 0 : i32
      %swap3A_152 = arith.constant 0 : i32
      %swap3A_153 = tpu.memref_slice %arg10[%scan3A, %swap3A_151, %swap3A_152] : memref<2x40x128xf32, #tpu.memory_space<vmem>> -> memref<1x40x128xf32, #tpu.memory_space<vmem>>
      %swap3A_154 = tpu.memref_squeeze %swap3A_153 : memref<1x40x128xf32, #tpu.memory_space<vmem>> -> memref<40x128xf32, #tpu.memory_space<vmem>>
      %swap3A_155 = arith.index_cast %add3A_139 : i32 to index
      %swap3A_156 = arith.constant 16 : index
      %swap3A_157 = tpu.vector_load %swap3A_154[%swap3A_155, %swap3A_156] {strides = array<i32>} : memref<40x128xf32, #tpu.memory_space<vmem>>, vector<1x16xf32>,
      %swap3A_158 = vector.shape_cast %swap3A_157 : vector<1x16xf32> to vector<16xf32>
      %swap3A_159 = vector.shape_cast %broadcast_in_dim3A_150 : vector<16xf32> to vector<1x16xf32>
      tpu.vector_store %swap3A_154[%swap3A_155, %swap3A_156], %swap3A_159 {strides = array<i32>} : memref<40x128xf32, #tpu.memory_space<vmem>>, vector<1x16xf32>,
      %broadcast_in_dim3A_160 = arith.constant 0.000000e+00 : f32
      %broadcast_in_dim3A_161 = vector.broadcast %broadcast_in_dim3A_160 : f32 to vector<16xf32>
      %swap3A_162 = arith.constant 0 : i32
      %swap3A_163 = arith.constant 0 : i32
      %swap3A_164 = tpu.memref_slice %arg10[%scan3A, %swap3A_162, %swap3A_163] : memref<2x40x128xf32, #tpu.memory_space<vmem>> -> memref<1x40x128xf32, #tpu.memory_space<vmem>>
      %swap3A_165 = tpu.memref_squeeze %swap3A_164 : memref<1x40x128xf32, #tpu.memory_space<vmem>> -> memref<40x128xf32, #tpu.memory_space<vmem>>
      %swap3A_166 = arith.index_cast %add3A_139 : i32 to index
      %swap3A_167 = arith.constant 32 : index
      %swap3A_168 = tpu.vector_load %swap3A_165[%swap3A_166, %swap3A_167] {strides = array<i32>} : memref<40x128xf32, #tpu.memory_space<vmem>>, vector<1x16xf32>,
      %swap3A_169 = vector.shape_cast %swap3A_168 : vector<1x16xf32> to vector<16xf32>
      %swap3A_170 = vector.shape_cast %broadcast_in_dim3A_161 : vector<16xf32> to vector<1x16xf32>
      tpu.vector_store %swap3A_165[%swap3A_166, %swap3A_167], %swap3A_170 {strides = array<i32>} : memref<40x128xf32, #tpu.memory_space<vmem>>, vector<1x16xf32>,
      %broadcast_in_dim3A_171 = arith.constant 0.000000e+00 : f32
      %broadcast_in_dim3A_172 = vector.broadcast %broadcast_in_dim3A_171 : f32 to vector<16xf32>
      %swap3A_173 = arith.constant 0 : i32
      %swap3A_174 = arith.constant 0 : i32
      %swap3A_175 = tpu.memref_slice %arg10[%scan3A, %swap3A_173, %swap3A_174] : memref<2x40x128xf32, #tpu.memory_space<vmem>> -> memref<1x40x128xf32, #tpu.memory_space<vmem>>
      %swap3A_176 = tpu.memref_squeeze %swap3A_175 : memref<1x40x128xf32, #tpu.memory_space<vmem>> -> memref<40x128xf32, #tpu.memory_space<vmem>>
      %swap3A_177 = arith.index_cast %add3A_139 : i32 to index
      %swap3A_178 = arith.constant 48 : index
      %swap3A_179 = tpu.vector_load %swap3A_176[%swap3A_177, %swap3A_178] {strides = array<i32>} : memref<40x128xf32, #tpu.memory_space<vmem>>, vector<1x16xf32>,
      %swap3A_180 = vector.shape_cast %swap3A_179 : vector<1x16xf32> to vector<16xf32>
      %swap3A_181 = vector.shape_cast %broadcast_in_dim3A_172 : vector<16xf32> to vector<1x16xf32>
      tpu.vector_store %swap3A_176[%swap3A_177, %swap3A_178], %swap3A_181 {strides = array<i32>} : memref<40x128xf32, #tpu.memory_space<vmem>>, vector<1x16xf32>,
      %broadcast_in_dim3A_182 = arith.constant 0.000000e+00 : f32
      %broadcast_in_dim3A_183 = vector.broadcast %broadcast_in_dim3A_182 : f32 to vector<16xf32>
      %swap3A_184 = arith.constant 0 : i32
      %swap3A_185 = arith.constant 0 : i32
      %swap3A_186 = tpu.memref_slice %arg10[%scan3A, %swap3A_184, %swap3A_185] : memref<2x40x128xf32, #tpu.memory_space<vmem>> -> memref<1x40x128xf32, #tpu.memory_space<vmem>>
      %swap3A_187 = tpu.memref_squeeze %swap3A_186 : memref<1x40x128xf32, #tpu.memory_space<vmem>> -> memref<40x128xf32, #tpu.memory_space<vmem>>
      %swap3A_188 = arith.index_cast %add3A_139 : i32 to index
      %swap3A_189 = arith.constant 64 : index
      %swap3A_190 = tpu.vector_load %swap3A_187[%swap3A_188, %swap3A_189] {strides = array<i32>} : memref<40x128xf32, #tpu.memory_space<vmem>>, vector<1x16xf32>,
      %swap3A_191 = vector.shape_cast %swap3A_190 : vector<1x16xf32> to vector<16xf32>
      %swap3A_192 = vector.shape_cast %broadcast_in_dim3A_183 : vector<16xf32> to vector<1x16xf32>
      tpu.vector_store %swap3A_187[%swap3A_188, %swap3A_189], %swap3A_192 {strides = array<i32>} : memref<40x128xf32, #tpu.memory_space<vmem>>, vector<1x16xf32>,
      %broadcast_in_dim3A_193 = arith.constant 0.000000e+00 : f32
      %broadcast_in_dim3A_194 = vector.broadcast %broadcast_in_dim3A_193 : f32 to vector<16xf32>
      %swap3A_195 = arith.constant 0 : i32
      %swap3A_196 = arith.constant 0 : i32
      %swap3A_197 = tpu.memref_slice %arg10[%scan3A, %swap3A_195, %swap3A_196] : memref<2x40x128xf32, #tpu.memory_space<vmem>> -> memref<1x40x128xf32, #tpu.memory_space<vmem>>
      %swap3A_198 = tpu.memref_squeeze %swap3A_197 : memref<1x40x128xf32, #tpu.memory_space<vmem>> -> memref<40x128xf32, #tpu.memory_space<vmem>>
      %swap3A_199 = arith.index_cast %add3A_139 : i32 to index
      %swap3A_200 = arith.constant 80 : index
      %swap3A_201 = tpu.vector_load %swap3A_198[%swap3A_199, %swap3A_200] {strides = array<i32>} : memref<40x128xf32, #tpu.memory_space<vmem>>, vector<1x16xf32>,
      %swap3A_202 = vector.shape_cast %swap3A_201 : vector<1x16xf32> to vector<16xf32>
      %swap3A_203 = vector.shape_cast %broadcast_in_dim3A_194 : vector<16xf32> to vector<1x16xf32>
      tpu.vector_store %swap3A_198[%swap3A_199, %swap3A_200], %swap3A_203 {strides = array<i32>} : memref<40x128xf32, #tpu.memory_space<vmem>>, vector<1x16xf32>,
      %broadcast_in_dim3A_204 = arith.constant 0.000000e+00 : f32
      %broadcast_in_dim3A_205 = vector.broadcast %broadcast_in_dim3A_204 : f32 to vector<16xf32>
      %swap3A_206 = arith.constant 0 : i32
      %swap3A_207 = arith.constant 0 : i32
      %swap3A_208 = tpu.memref_slice %arg10[%scan3A, %swap3A_206, %swap3A_207] : memref<2x40x128xf32, #tpu.memory_space<vmem>> -> memref<1x40x128xf32, #tpu.memory_space<vmem>>
      %swap3A_209 = tpu.memref_squeeze %swap3A_208 : memref<1x40x128xf32, #tpu.memory_space<vmem>> -> memref<40x128xf32, #tpu.memory_space<vmem>>
      %swap3A_210 = arith.index_cast %add3A_139 : i32 to index
      %swap3A_211 = arith.constant 96 : index
      %swap3A_212 = tpu.vector_load %swap3A_209[%swap3A_210, %swap3A_211] {strides = array<i32>} : memref<40x128xf32, #tpu.memory_space<vmem>>, vector<1x16xf32>,
      %swap3A_213 = vector.shape_cast %swap3A_212 : vector<1x16xf32> to vector<16xf32>
      %swap3A_214 = vector.shape_cast %broadcast_in_dim3A_205 : vector<16xf32> to vector<1x16xf32>
      tpu.vector_store %swap3A_209[%swap3A_210, %swap3A_211], %swap3A_214 {strides = array<i32>} : memref<40x128xf32, #tpu.memory_space<vmem>>, vector<1x16xf32>,
      %broadcast_in_dim3A_215 = arith.constant 0.000000e+00 : f32
      %broadcast_in_dim3A_216 = vector.broadcast %broadcast_in_dim3A_215 : f32 to vector<16xf32>
      %swap3A_217 = arith.constant 0 : i32
      %swap3A_218 = arith.constant 0 : i32
      %swap3A_219 = tpu.memref_slice %arg10[%scan3A, %swap3A_217, %swap3A_218] : memref<2x40x128xf32, #tpu.memory_space<vmem>> -> memref<1x40x128xf32, #tpu.memory_space<vmem>>
      %swap3A_220 = tpu.memref_squeeze %swap3A_219 : memref<1x40x128xf32, #tpu.memory_space<vmem>> -> memref<40x128xf32, #tpu.memory_space<vmem>>
      %swap3A_221 = arith.index_cast %add3A_139 : i32 to index
      %swap3A_222 = arith.constant 112 : index
      %swap3A_223 = tpu.vector_load %swap3A_220[%swap3A_221, %swap3A_222] {strides = array<i32>} : memref<40x128xf32, #tpu.memory_space<vmem>>, vector<1x16xf32>,
      %swap3A_224 = vector.shape_cast %swap3A_223 : vector<1x16xf32> to vector<16xf32>
      %swap3A_225 = vector.shape_cast %broadcast_in_dim3A_216 : vector<16xf32> to vector<1x16xf32>
      tpu.vector_store %swap3A_220[%swap3A_221, %swap3A_222], %swap3A_225 {strides = array<i32>} : memref<40x128xf32, #tpu.memory_space<vmem>>, vector<1x16xf32>,
    }
    %scan3A_5 = arith.constant 40 : i32
    %mul3A_6 = arith.constant 624 : i32
    %mul3A_7 = arith.muli %arg1, %mul3A_6 : i32
    %scan3A_8 = arith.constant 0 : i32
    %scan3A_9 = arith.constant 0 : i32
    %scan3A_10 = arith.constant 15 : i32
    %scan3A_11 = arith.addi %scan3A_9, %scan3A_10 : i32
    %scan3A_12 = arith.constant 1 : i32
    scf.for %scan3A_135 = %scan3A_9 to %scan3A_11 step %scan3A_12  : i32 {
      %mul3A_136 = arith.constant 1 : i32
      %mul3A_137 = arith.muli %scan3A_135, %mul3A_136 : i32
      %add3A_138 = arith.constant 0 : i32
      %add3A_139 = arith.addi %add3A_138, %mul3A_137 : i32
      %mul3A_140 = arith.constant 40 : i32
      %mul3A_141 = arith.muli %add3A_139, %mul3A_140 : i32
      %add3A_142 = arith.addi %mul3A_7, %mul3A_141 : i32
      "tpu.region"() ({
        %run_scoped3A_143 = tpu.sem_alloc : memref<!tpu.dma_semaphore, #tpu.memory_space<semaphore_mem>>
        %dma_start3A_144 = arith.constant 0 : i32
        %dma_start3A_145 = arith.constant 0 : i32
        %dma_start3A_146 = tpu.memref_slice %arg10[%scan3A_8, %dma_start3A_144, %dma_start3A_145] : memref<2x40x128xf32, #tpu.memory_space<vmem>> -> memref<1x40x128xf32, #tpu.memory_space<vmem>>
        %dma_start3A_147 = tpu.memref_squeeze %dma_start3A_146 : memref<1x40x128xf32, #tpu.memory_space<vmem>> -> memref<40x128xf32, #tpu.memory_space<vmem>>
        %dma_start3A_148 = arith.constant 0 : i32
        %dma_start3A_149 = tpu.memref_slice %arg13[%add3A_142, %dma_start3A_148] : memref<10000x128xf32, #tpu.memory_space<vmem_shared>> -> memref<40x128xf32, #tpu.memory_space<vmem_shared>>
        %dma_start3A_150 = arith.constant 0 : i32
        %dma_start3A_151 = tpu.memref_slice %arg13[%add3A_142, %dma_start3A_150] : memref<10000x128xf32, #tpu.memory_space<vmem_shared>> -> memref<40x128xf32, #tpu.memory_space<vmem_shared>>
        %dma_start3A_152 = arith.constant 0 : i32
        %dma_start3A_153 = arith.constant 0 : i32
        %dma_start3A_154 = tpu.memref_slice %arg10[%scan3A_8, %dma_start3A_152, %dma_start3A_153] : memref<2x40x128xf32, #tpu.memory_space<vmem>> -> memref<1x40x128xf32, #tpu.memory_space<vmem>>
        %dma_start3A_155 = tpu.memref_squeeze %dma_start3A_154 : memref<1x40x128xf32, #tpu.memory_space<vmem>> -> memref<40x128xf32, #tpu.memory_space<vmem>>
        tpu.enqueue_dma source(%dma_start3A_155 : memref<40x128xf32, #tpu.memory_space<vmem>>) target(%dma_start3A_151 : memref<40x128xf32, #tpu.memory_space<vmem_shared>>) target_semaphore(%run_scoped3A_143 : memref<!tpu.dma_semaphore, #tpu.memory_space<semaphore_mem>>)
        %dma_wait3A_156 = arith.constant 0 : i32
        %dma_wait3A_157 = arith.constant 0 : i32
        %dma_wait3A_158 = tpu.memref_slice %arg10[%scan3A_8, %dma_wait3A_156, %dma_wait3A_157] : memref<2x40x128xf32, #tpu.memory_space<vmem>> -> memref<1x40x128xf32, #tpu.memory_space<vmem>>
        %dma_wait3A_159 = tpu.memref_squeeze %dma_wait3A_158 : memref<1x40x128xf32, #tpu.memory_space<vmem>> -> memref<40x128xf32, #tpu.memory_space<vmem>>
        %dma_wait3A_160 = arith.constant 0 : i32
        %dma_wait3A_161 = tpu.memref_slice %arg13[%add3A_142, %dma_wait3A_160] : memref<10000x128xf32, #tpu.memory_space<vmem_shared>> -> memref<40x128xf32, #tpu.memory_space<vmem_shared>>
        %dma_wait3A_162 = arith.constant 0 : i32
        %dma_wait3A_163 = tpu.memref_slice %arg13[%add3A_142, %dma_wait3A_162] : memref<10000x128xf32, #tpu.memory_space<vmem_shared>> -> memref<40x128xf32, #tpu.memory_space<vmem_shared>>
        %dma_wait3A_164 = arith.constant 0 : i32
        %dma_wait3A_165 = arith.constant 0 : i32
        %dma_wait3A_166 = tpu.memref_slice %arg10[%scan3A_8, %dma_wait3A_164, %dma_wait3A_165] : memref<2x40x128xf32, #tpu.memory_space<vmem>> -> memref<1x40x128xf32, #tpu.memory_space<vmem>>
        %dma_wait3A_167 = tpu.memref_squeeze %dma_wait3A_166 : memref<1x40x128xf32, #tpu.memory_space<vmem>> -> memref<40x128xf32, #tpu.memory_space<vmem>>
        tpu.wait_dma2 semaphore(%run_scoped3A_143 : memref<!tpu.dma_semaphore, #tpu.memory_space<semaphore_mem>>) src(%dma_wait3A_167 : memref<40x128xf32, #tpu.memory_space<vmem>>) dst(%dma_wait3A_163 : memref<40x128xf32, #tpu.memory_space<vmem_shared>>)
        tpu.yield
      }) : () -> ()
    }
    %scan3A_13 = arith.constant 15 : i32
    %add3A_14 = arith.constant 600 : i32
    %add3A_15 = arith.addi %mul3A_7, %add3A_14 : i32
    %run_scoped3A = arith.constant 0 : i32
    "tpu.region"() ({
      %run_scoped3A_135 = tpu.sem_alloc : memref<!tpu.dma_semaphore, #tpu.memory_space<semaphore_mem>>
      %dma_start3A_136 = arith.constant 0 : i32
      %dma_start3A_137 = arith.constant 0 : i32
      %dma_start3A_138 = tpu.memref_slice %arg10[%run_scoped3A, %dma_start3A_136, %dma_start3A_137] : memref<2x40x128xf32, #tpu.memory_space<vmem>> -> memref<1x40x128xf32, #tpu.memory_space<vmem>>
      %dma_start3A_139 = tpu.memref_squeeze %dma_start3A_138 : memref<1x40x128xf32, #tpu.memory_space<vmem>> -> memref<40x128xf32, #tpu.memory_space<vmem>>
      %dma_start3A_140 = arith.constant 0 : i32
      %dma_start3A_141 = arith.constant 0 : i32
      %dma_start3A_142 = tpu.memref_slice %dma_start3A_139[%dma_start3A_140, %dma_start3A_141] : memref<40x128xf32, #tpu.memory_space<vmem>> -> memref<24x128xf32, #tpu.memory_space<vmem>>
      %dma_start3A_143 = arith.constant 0 : i32
      %dma_start3A_144 = tpu.memref_slice %arg13[%add3A_15, %dma_start3A_143] : memref<10000x128xf32, #tpu.memory_space<vmem_shared>> -> memref<24x128xf32, #tpu.memory_space<vmem_shared>>
      %dma_start3A_145 = arith.constant 0 : i32
      %dma_start3A_146 = tpu.memref_slice %arg13[%add3A_15, %dma_start3A_145] : memref<10000x128xf32, #tpu.memory_space<vmem_shared>> -> memref<24x128xf32, #tpu.memory_space<vmem_shared>>
      %dma_start3A_147 = arith.constant 0 : i32
      %dma_start3A_148 = arith.constant 0 : i32
      %dma_start3A_149 = tpu.memref_slice %arg10[%run_scoped3A, %dma_start3A_147, %dma_start3A_148] : memref<2x40x128xf32, #tpu.memory_space<vmem>> -> memref<1x40x128xf32, #tpu.memory_space<vmem>>
      %dma_start3A_150 = tpu.memref_squeeze %dma_start3A_149 : memref<1x40x128xf32, #tpu.memory_space<vmem>> -> memref<40x128xf32, #tpu.memory_space<vmem>>
      %dma_start3A_151 = arith.constant 0 : i32
      %dma_start3A_152 = arith.constant 0 : i32
      %dma_start3A_153 = tpu.memref_slice %dma_start3A_150[%dma_start3A_151, %dma_start3A_152] : memref<40x128xf32, #tpu.memory_space<vmem>> -> memref<24x128xf32, #tpu.memory_space<vmem>>
      tpu.enqueue_dma source(%dma_start3A_153 : memref<24x128xf32, #tpu.memory_space<vmem>>) target(%dma_start3A_146 : memref<24x128xf32, #tpu.memory_space<vmem_shared>>) target_semaphore(%run_scoped3A_135 : memref<!tpu.dma_semaphore, #tpu.memory_space<semaphore_mem>>)
      %dma_wait3A_154 = arith.constant 0 : i32
      %dma_wait3A_155 = arith.constant 0 : i32
      %dma_wait3A_156 = tpu.memref_slice %arg10[%run_scoped3A, %dma_wait3A_154, %dma_wait3A_155] : memref<2x40x128xf32, #tpu.memory_space<vmem>> -> memref<1x40x128xf32, #tpu.memory_space<vmem>>
      %dma_wait3A_157 = tpu.memref_squeeze %dma_wait3A_156 : memref<1x40x128xf32, #tpu.memory_space<vmem>> -> memref<40x128xf32, #tpu.memory_space<vmem>>
      %dma_wait3A_158 = arith.constant 0 : i32
      %dma_wait3A_159 = arith.constant 0 : i32
      %dma_wait3A_160 = tpu.memref_slice %dma_wait3A_157[%dma_wait3A_158, %dma_wait3A_159] : memref<40x128xf32, #tpu.memory_space<vmem>> -> memref<24x128xf32, #tpu.memory_space<vmem>>
      %dma_wait3A_161 = arith.constant 0 : i32
      %dma_wait3A_162 = tpu.memref_slice %arg13[%add3A_15, %dma_wait3A_161] : memref<10000x128xf32, #tpu.memory_space<vmem_shared>> -> memref<24x128xf32, #tpu.memory_space<vmem_shared>>
      %dma_wait3A_163 = arith.constant 0 : i32
      %dma_wait3A_164 = tpu.memref_slice %arg13[%add3A_15, %dma_wait3A_163] : memref<10000x128xf32, #tpu.memory_space<vmem_shared>> -> memref<24x128xf32, #tpu.memory_space<vmem_shared>>
      %dma_wait3A_165 = arith.constant 0 : i32
      %dma_wait3A_166 = arith.constant 0 : i32
      %dma_wait3A_167 = tpu.memref_slice %arg10[%run_scoped3A, %dma_wait3A_165, %dma_wait3A_166] : memref<2x40x128xf32, #tpu.memory_space<vmem>> -> memref<1x40x128xf32, #tpu.memory_space<vmem>>
      %dma_wait3A_168 = tpu.memref_squeeze %dma_wait3A_167 : memref<1x40x128xf32, #tpu.memory_space<vmem>> -> memref<40x128xf32, #tpu.memory_space<vmem>>
      %dma_wait3A_169 = arith.constant 0 : i32
      %dma_wait3A_170 = arith.constant 0 : i32
      %dma_wait3A_171 = tpu.memref_slice %dma_wait3A_168[%dma_wait3A_169, %dma_wait3A_170] : memref<40x128xf32, #tpu.memory_space<vmem>> -> memref<24x128xf32, #tpu.memory_space<vmem>>
      tpu.wait_dma2 semaphore(%run_scoped3A_135 : memref<!tpu.dma_semaphore, #tpu.memory_space<semaphore_mem>>) src(%dma_wait3A_171 : memref<24x128xf32, #tpu.memory_space<vmem>>) dst(%dma_wait3A_164 : memref<24x128xf32, #tpu.memory_space<vmem_shared>>)
      tpu.yield
    }) : () -> ()
    %eq3A = arith.constant 15 : i32
    %eq3A_16 = arith.cmpi eq, %arg1, %eq3A : i32
    %convert_element_type3A = arith.extui %eq3A_16 : i1 to i32
    %cond3A = arith.constant 0 : i32
    %cond3A_17 = arith.constant 0 : i32
    %cond3A_18 = arith.cmpi ne, %convert_element_type3A, %cond3A_17 : i32
    scf.if %cond3A_18 {
      "tpu.region"() ({
        %run_scoped3A_135 = tpu.sem_alloc : memref<!tpu.dma_semaphore, #tpu.memory_space<semaphore_mem>>
        %dma_start3A_136 = arith.constant 0 : i32
        %dma_start3A_137 = arith.constant 0 : i32
        %dma_start3A_138 = tpu.memref_slice %arg10[%cond3A, %dma_start3A_136, %dma_start3A_137] : memref<2x40x128xf32, #tpu.memory_space<vmem>> -> memref<1x40x128xf32, #tpu.memory_space<vmem>>
        %dma_start3A_139 = tpu.memref_squeeze %dma_start3A_138 : memref<1x40x128xf32, #tpu.memory_space<vmem>> -> memref<40x128xf32, #tpu.memory_space<vmem>>
        %dma_start3A_140 = arith.constant 0 : i32
        %dma_start3A_141 = arith.constant 0 : i32
        %dma_start3A_142 = tpu.memref_slice %dma_start3A_139[%dma_start3A_140, %dma_start3A_141] : memref<40x128xf32, #tpu.memory_space<vmem>> -> memref<16x128xf32, #tpu.memory_space<vmem>>
        %dma_start3A_143 = arith.constant 9984 : i32
        %dma_start3A_144 = arith.constant 0 : i32
        %dma_start3A_145 = tpu.memref_slice %arg13[%dma_start3A_143, %dma_start3A_144] : memref<10000x128xf32, #tpu.memory_space<vmem_shared>> -> memref<16x128xf32, #tpu.memory_space<vmem_shared>>
        %dma_start3A_146 = arith.constant 9984 : i32
        %dma_start3A_147 = arith.constant 0 : i32
        %dma_start3A_148 = tpu.memref_slice %arg13[%dma_start3A_146, %dma_start3A_147] : memref<10000x128xf32, #tpu.memory_space<vmem_shared>> -> memref<16x128xf32, #tpu.memory_space<vmem_shared>>
        %dma_start3A_149 = arith.constant 0 : i32
        %dma_start3A_150 = arith.constant 0 : i32
        %dma_start3A_151 = tpu.memref_slice %arg10[%cond3A, %dma_start3A_149, %dma_start3A_150] : memref<2x40x128xf32, #tpu.memory_space<vmem>> -> memref<1x40x128xf32, #tpu.memory_space<vmem>>
        %dma_start3A_152 = tpu.memref_squeeze %dma_start3A_151 : memref<1x40x128xf32, #tpu.memory_space<vmem>> -> memref<40x128xf32, #tpu.memory_space<vmem>>
        %dma_start3A_153 = arith.constant 0 : i32
        %dma_start3A_154 = arith.constant 0 : i32
        %dma_start3A_155 = tpu.memref_slice %dma_start3A_152[%dma_start3A_153, %dma_start3A_154] : memref<40x128xf32, #tpu.memory_space<vmem>> -> memref<16x128xf32, #tpu.memory_space<vmem>>
        tpu.enqueue_dma source(%dma_start3A_155 : memref<16x128xf32, #tpu.memory_space<vmem>>) target(%dma_start3A_148 : memref<16x128xf32, #tpu.memory_space<vmem_shared>>) target_semaphore(%run_scoped3A_135 : memref<!tpu.dma_semaphore, #tpu.memory_space<semaphore_mem>>)
        %dma_wait3A_156 = arith.constant 0 : i32
        %dma_wait3A_157 = arith.constant 0 : i32
        %dma_wait3A_158 = tpu.memref_slice %arg10[%cond3A, %dma_wait3A_156, %dma_wait3A_157] : memref<2x40x128xf32, #tpu.memory_space<vmem>> -> memref<1x40x128xf32, #tpu.memory_space<vmem>>
        %dma_wait3A_159 = tpu.memref_squeeze %dma_wait3A_158 : memref<1x40x128xf32, #tpu.memory_space<vmem>> -> memref<40x128xf32, #tpu.memory_space<vmem>>
        %dma_wait3A_160 = arith.constant 0 : i32
        %dma_wait3A_161 = arith.constant 0 : i32
        %dma_wait3A_162 = tpu.memref_slice %dma_wait3A_159[%dma_wait3A_160, %dma_wait3A_161] : memref<40x128xf32, #tpu.memory_space<vmem>> -> memref<16x128xf32, #tpu.memory_space<vmem>>
        %dma_wait3A_163 = arith.constant 9984 : i32
        %dma_wait3A_164 = arith.constant 0 : i32
        %dma_wait3A_165 = tpu.memref_slice %arg13[%dma_wait3A_163, %dma_wait3A_164] : memref<10000x128xf32, #tpu.memory_space<vmem_shared>> -> memref<16x128xf32, #tpu.memory_space<vmem_shared>>
        %dma_wait3A_166 = arith.constant 9984 : i32
        %dma_wait3A_167 = arith.constant 0 : i32
        %dma_wait3A_168 = tpu.memref_slice %arg13[%dma_wait3A_166, %dma_wait3A_167] : memref<10000x128xf32, #tpu.memory_space<vmem_shared>> -> memref<16x128xf32, #tpu.memory_space<vmem_shared>>
        %dma_wait3A_169 = arith.constant 0 : i32
        %dma_wait3A_170 = arith.constant 0 : i32
        %dma_wait3A_171 = tpu.memref_slice %arg10[%cond3A, %dma_wait3A_169, %dma_wait3A_170] : memref<2x40x128xf32, #tpu.memory_space<vmem>> -> memref<1x40x128xf32, #tpu.memory_space<vmem>>
        %dma_wait3A_172 = tpu.memref_squeeze %dma_wait3A_171 : memref<1x40x128xf32, #tpu.memory_space<vmem>> -> memref<40x128xf32, #tpu.memory_space<vmem>>
        %dma_wait3A_173 = arith.constant 0 : i32
        %dma_wait3A_174 = arith.constant 0 : i32
        %dma_wait3A_175 = tpu.memref_slice %dma_wait3A_172[%dma_wait3A_173, %dma_wait3A_174] : memref<40x128xf32, #tpu.memory_space<vmem>> -> memref<16x128xf32, #tpu.memory_space<vmem>>
        tpu.wait_dma2 semaphore(%run_scoped3A_135 : memref<!tpu.dma_semaphore, #tpu.memory_space<semaphore_mem>>) src(%dma_wait3A_175 : memref<16x128xf32, #tpu.memory_space<vmem>>) dst(%dma_wait3A_168 : memref<16x128xf32, #tpu.memory_space<vmem_shared>>)
        tpu.yield
      }) : () -> ()
    } else {
    }
    %barrier3A = arith.constant 0 : index
    tpu.barrier barrier_id(%barrier3A)
    %mul3A_19 = arith.constant 10000 : i32
    %mul3A_20 = arith.muli %add3A, %mul3A_19 : i32
    %add3A_21 = arith.constant 0 : i32
    %add3A_22 = arith.addi %mul3A_20, %add3A_21 : i32
    %dma_start3A = arith.constant 0 : i32
    %dma_start3A_23 = arith.constant 0 : i32
    %dma_start3A_24 = tpu.memref_slice %arg8[%dma_start3A, %dma_start3A_23] : memref<4x40xi32, #tpu.memory_space<vmem>> -> memref<1x40xi32, #tpu.memory_space<vmem>>
    %dma_start3A_25 = tpu.memref_squeeze %dma_start3A_24 : memref<1x40xi32, #tpu.memory_space<vmem>> -> memref<40xi32, #tpu.memory_space<vmem>>
    %dma_start3A_26 = tpu.memref_slice %arg5[%add3A_22] : memref<320000xi32, #tpu.memory_space<hbm>> -> memref<40xi32, #tpu.memory_space<hbm>>
    %dma_start3A_27 = arith.constant 0 : i32
    %dma_start3A_28 = tpu.memref_slice %arg8[%dma_start3A, %dma_start3A_27] : memref<4x40xi32, #tpu.memory_space<vmem>> -> memref<1x40xi32, #tpu.memory_space<vmem>>
    %dma_start3A_29 = tpu.memref_squeeze %dma_start3A_28 : memref<1x40xi32, #tpu.memory_space<vmem>> -> memref<40xi32, #tpu.memory_space<vmem>>
    %dma_start3A_30 = tpu.memref_slice %arg5[%add3A_22] : memref<320000xi32, #tpu.memory_space<hbm>> -> memref<40xi32, #tpu.memory_space<hbm>>
    tpu.enqueue_dma source(%dma_start3A_30 : memref<40xi32, #tpu.memory_space<hbm>>) target(%dma_start3A_29 : memref<40xi32, #tpu.memory_space<vmem>>) target_semaphore(%arg17 : memref<!tpu.dma_semaphore, #tpu.memory_space<semaphore_mem>>)
    %dma_start3A_31 = arith.constant 0 : i32
    %dma_start3A_32 = arith.constant 0 : i32
    %dma_start3A_33 = tpu.memref_slice %arg9[%dma_start3A_31, %dma_start3A_32] : memref<4x40xi32, #tpu.memory_space<vmem>> -> memref<1x40xi32, #tpu.memory_space<vmem>>
    %dma_start3A_34 = tpu.memref_squeeze %dma_start3A_33 : memref<1x40xi32, #tpu.memory_space<vmem>> -> memref<40xi32, #tpu.memory_space<vmem>>
    %dma_start3A_35 = tpu.memref_slice %arg6[%add3A_22] : memref<320000xi32, #tpu.memory_space<hbm>> -> memref<40xi32, #tpu.memory_space<hbm>>
    %dma_start3A_36 = arith.constant 0 : i32
    %dma_start3A_37 = tpu.memref_slice %arg9[%dma_start3A_31, %dma_start3A_36] : memref<4x40xi32, #tpu.memory_space<vmem>> -> memref<1x40xi32, #tpu.memory_space<vmem>>
    %dma_start3A_38 = tpu.memref_squeeze %dma_start3A_37 : memref<1x40xi32, #tpu.memory_space<vmem>> -> memref<40xi32, #tpu.memory_space<vmem>>
    %dma_start3A_39 = tpu.memref_slice %arg6[%add3A_22] : memref<320000xi32, #tpu.memory_space<hbm>> -> memref<40xi32, #tpu.memory_space<hbm>>
    tpu.enqueue_dma source(%dma_start3A_39 : memref<40xi32, #tpu.memory_space<hbm>>) target(%dma_start3A_38 : memref<40xi32, #tpu.memory_space<vmem>>) target_semaphore(%arg18 : memref<!tpu.dma_semaphore, #tpu.memory_space<semaphore_mem>>)
    %mul3A_40 = arith.constant 10000 : i32
    %mul3A_41 = arith.muli %add3A, %mul3A_40 : i32
    %add3A_42 = arith.constant 40 : i32
    %add3A_43 = arith.addi %mul3A_41, %add3A_42 : i32
    %dma_start3A_44 = arith.constant 1 : i32
    %dma_start3A_45 = arith.constant 0 : i32
    %dma_start3A_46 = tpu.memref_slice %arg8[%dma_start3A_44, %dma_start3A_45] : memref<4x40xi32, #tpu.memory_space<vmem>> -> memref<1x40xi32, #tpu.memory_space<vmem>>
    %dma_start3A_47 = tpu.memref_squeeze %dma_start3A_46 : memref<1x40xi32, #tpu.memory_space<vmem>> -> memref<40xi32, #tpu.memory_space<vmem>>
    %dma_start3A_48 = tpu.memref_slice %arg5[%add3A_43] : memref<320000xi32, #tpu.memory_space<hbm>> -> memref<40xi32, #tpu.memory_space<hbm>>
    %dma_start3A_49 = arith.constant 0 : i32
    %dma_start3A_50 = tpu.memref_slice %arg8[%dma_start3A_44, %dma_start3A_49] : memref<4x40xi32, #tpu.memory_space<vmem>> -> memref<1x40xi32, #tpu.memory_space<vmem>>
    %dma_start3A_51 = tpu.memref_squeeze %dma_start3A_50 : memref<1x40xi32, #tpu.memory_space<vmem>> -> memref<40xi32, #tpu.memory_space<vmem>>
    %dma_start3A_52 = tpu.memref_slice %arg5[%add3A_43] : memref<320000xi32, #tpu.memory_space<hbm>> -> memref<40xi32, #tpu.memory_space<hbm>>
    tpu.enqueue_dma source(%dma_start3A_52 : memref<40xi32, #tpu.memory_space<hbm>>) target(%dma_start3A_51 : memref<40xi32, #tpu.memory_space<vmem>>) target_semaphore(%arg17 : memref<!tpu.dma_semaphore, #tpu.memory_space<semaphore_mem>>)
    %dma_start3A_53 = arith.constant 1 : i32
    %dma_start3A_54 = arith.constant 0 : i32
    %dma_start3A_55 = tpu.memref_slice %arg9[%dma_start3A_53, %dma_start3A_54] : memref<4x40xi32, #tpu.memory_space<vmem>> -> memref<1x40xi32, #tpu.memory_space<vmem>>
    %dma_start3A_56 = tpu.memref_squeeze %dma_start3A_55 : memref<1x40xi32, #tpu.memory_space<vmem>> -> memref<40xi32, #tpu.memory_space<vmem>>
    %dma_start3A_57 = tpu.memref_slice %arg6[%add3A_43] : memref<320000xi32, #tpu.memory_space<hbm>> -> memref<40xi32, #tpu.memory_space<hbm>>
    %dma_start3A_58 = arith.constant 0 : i32
    %dma_start3A_59 = tpu.memref_slice %arg9[%dma_start3A_53, %dma_start3A_58] : memref<4x40xi32, #tpu.memory_space<vmem>> -> memref<1x40xi32, #tpu.memory_space<vmem>>
    %dma_start3A_60 = tpu.memref_squeeze %dma_start3A_59 : memref<1x40xi32, #tpu.memory_space<vmem>> -> memref<40xi32, #tpu.memory_space<vmem>>
    %dma_start3A_61 = tpu.memref_slice %arg6[%add3A_43] : memref<320000xi32, #tpu.memory_space<hbm>> -> memref<40xi32, #tpu.memory_space<hbm>>
    tpu.enqueue_dma source(%dma_start3A_61 : memref<40xi32, #tpu.memory_space<hbm>>) target(%dma_start3A_60 : memref<40xi32, #tpu.memory_space<vmem>>) target_semaphore(%arg18 : memref<!tpu.dma_semaphore, #tpu.memory_space<semaphore_mem>>)
    %mul3A_62 = arith.constant 10000 : i32
    %mul3A_63 = arith.muli %add3A, %mul3A_62 : i32
    %add3A_64 = arith.constant 0 : i32
    %add3A_65 = arith.addi %mul3A_63, %add3A_64 : i32
    %dma_wait3A = arith.constant 0 : i32
    %dma_wait3A_66 = arith.constant 0 : i32
    %dma_wait3A_67 = tpu.memref_slice %arg8[%dma_wait3A, %dma_wait3A_66] : memref<4x40xi32, #tpu.memory_space<vmem>> -> memref<1x40xi32, #tpu.memory_space<vmem>>
    %dma_wait3A_68 = tpu.memref_squeeze %dma_wait3A_67 : memref<1x40xi32, #tpu.memory_space<vmem>> -> memref<40xi32, #tpu.memory_space<vmem>>
    %dma_wait3A_69 = tpu.memref_slice %arg5[%add3A_65] : memref<320000xi32, #tpu.memory_space<hbm>> -> memref<40xi32, #tpu.memory_space<hbm>>
    %dma_wait3A_70 = arith.constant 0 : i32
    %dma_wait3A_71 = tpu.memref_slice %arg8[%dma_wait3A, %dma_wait3A_70] : memref<4x40xi32, #tpu.memory_space<vmem>> -> memref<1x40xi32, #tpu.memory_space<vmem>>
    %dma_wait3A_72 = tpu.memref_squeeze %dma_wait3A_71 : memref<1x40xi32, #tpu.memory_space<vmem>> -> memref<40xi32, #tpu.memory_space<vmem>>
    %dma_wait3A_73 = tpu.memref_slice %arg5[%add3A_65] : memref<320000xi32, #tpu.memory_space<hbm>> -> memref<40xi32, #tpu.memory_space<hbm>>
    tpu.wait_dma2 semaphore(%arg17 : memref<!tpu.dma_semaphore, #tpu.memory_space<semaphore_mem>>) src(%dma_wait3A_73 : memref<40xi32, #tpu.memory_space<hbm>>) dst(%dma_wait3A_72 : memref<40xi32, #tpu.memory_space<vmem>>)
    %dma_wait3A_74 = arith.constant 0 : i32
    %dma_wait3A_75 = arith.constant 0 : i32
    %dma_wait3A_76 = tpu.memref_slice %arg9[%dma_wait3A_74, %dma_wait3A_75] : memref<4x40xi32, #tpu.memory_space<vmem>> -> memref<1x40xi32, #tpu.memory_space<vmem>>
    %dma_wait3A_77 = tpu.memref_squeeze %dma_wait3A_76 : memref<1x40xi32, #tpu.memory_space<vmem>> -> memref<40xi32, #tpu.memory_space<vmem>>
    %dma_wait3A_78 = tpu.memref_slice %arg6[%add3A_65] : memref<320000xi32, #tpu.memory_space<hbm>> -> memref<40xi32, #tpu.memory_space<hbm>>
    %dma_wait3A_79 = arith.constant 0 : i32
    %dma_wait3A_80 = tpu.memref_slice %arg9[%dma_wait3A_74, %dma_wait3A_79] : memref<4x40xi32, #tpu.memory_space<vmem>> -> memref<1x40xi32, #tpu.memory_space<vmem>>
    %dma_wait3A_81 = tpu.memref_squeeze %dma_wait3A_80 : memref<1x40xi32, #tpu.memory_space<vmem>> -> memref<40xi32, #tpu.memory_space<vmem>>
    %dma_wait3A_82 = tpu.memref_slice %arg6[%add3A_65] : memref<320000xi32, #tpu.memory_space<hbm>> -> memref<40xi32, #tpu.memory_space<hbm>>
    tpu.wait_dma2 semaphore(%arg18 : memref<!tpu.dma_semaphore, #tpu.memory_space<semaphore_mem>>) src(%dma_wait3A_82 : memref<40xi32, #tpu.memory_space<hbm>>) dst(%dma_wait3A_81 : memref<40xi32, #tpu.memory_space<vmem>>)
    %mul3A_83 = arith.constant 10000 : i32
    %mul3A_84 = arith.muli %add3A, %mul3A_83 : i32
    %add3A_85 = arith.constant 0 : i32
    %add3A_86 = arith.addi %mul3A_84, %add3A_85 : i32
    %dma_start3A_87 = arith.constant 0 : i32
    %dma_start3A_88 = arith.constant 0 : i32
    %dma_start3A_89 = arith.constant 0 : i32
    %dma_start3A_90 = arith.constant 0 : i32
    %dma_start3A_91 = tpu.memref_slice %arg10[%dma_start3A_88, %dma_start3A_89, %dma_start3A_90] : memref<2x40x128xf32, #tpu.memory_space<vmem>> -> memref<1x40x128xf32, #tpu.memory_space<vmem>>
    %dma_start3A_92 = tpu.memref_squeeze %dma_start3A_91 : memref<1x40x128xf32, #tpu.memory_space<vmem>> -> memref<40x128xf32, #tpu.memory_space<vmem>>
    %dma_start3A_93 = arith.constant 0 : i32
    %dma_start3A_94 = tpu.memref_slice %arg8[%dma_start3A_87, %dma_start3A_93] : memref<4x40xi32, #tpu.memory_space<vmem>> -> memref<1x40xi32, #tpu.memory_space<vmem>>
    %dma_start3A_95 = tpu.memref_squeeze %dma_start3A_94 : memref<1x40xi32, #tpu.memory_space<vmem>> -> memref<40xi32, #tpu.memory_space<vmem>>
    %dma_start3A_96 = arith.constant 0 : i32
    %dma_start3A_97 = arith.constant 0 : i32
    %dma_start3A_98 = tpu.memref_slice %arg2[%dma_start3A_96, %dma_start3A_97] : memref<10000x128xf32, #tpu.memory_space<hbm>> -> memref<10000x128xf32, #tpu.memory_space<hbm>>
    tpu.enqueue_indirect_dma source(%dma_start3A_98 : memref<10000x128xf32, #tpu.memory_space<hbm>>) target(%dma_start3A_92 : memref<40x128xf32, #tpu.memory_space<vmem>>) offsets(%dma_start3A_95 : memref<40xi32, #tpu.memory_space<vmem>>) semaphore(%arg14 : memref<!tpu.dma_semaphore, #tpu.memory_space<semaphore_mem>>)
    %dma_start3A_99 = arith.constant 0 : i32
    %dma_start3A_100 = arith.constant 0 : i32
    %dma_start3A_101 = arith.constant 0 : i32
    %dma_start3A_102 = arith.constant 0 : i32
    %dma_start3A_103 = tpu.memref_slice %arg11[%dma_start3A_100, %dma_start3A_101, %dma_start3A_102] : memref<2x40x128xf32, #tpu.memory_space<vmem>> -> memref<1x40x128xf32, #tpu.memory_space<vmem>>
    %dma_start3A_104 = tpu.memref_squeeze %dma_start3A_103 : memref<1x40x128xf32, #tpu.memory_space<vmem>> -> memref<40x128xf32, #tpu.memory_space<vmem>>
    %dma_start3A_105 = arith.constant 0 : i32
    %dma_start3A_106 = tpu.memref_slice %arg9[%dma_start3A_99, %dma_start3A_105] : memref<4x40xi32, #tpu.memory_space<vmem>> -> memref<1x40xi32, #tpu.memory_space<vmem>>
    %dma_start3A_107 = tpu.memref_squeeze %dma_start3A_106 : memref<1x40xi32, #tpu.memory_space<vmem>> -> memref<40xi32, #tpu.memory_space<vmem>>
    %dma_start3A_108 = arith.constant 0 : i32
    %dma_start3A_109 = arith.constant 0 : i32
    %dma_start3A_110 = tpu.memref_slice %arg3[%dma_start3A_108, %dma_start3A_109] : memref<10000x128xf32, #tpu.memory_space<hbm>> -> memref<10000x128xf32, #tpu.memory_space<hbm>>
    tpu.enqueue_indirect_dma source(%dma_start3A_110 : memref<10000x128xf32, #tpu.memory_space<hbm>>) target(%dma_start3A_104 : memref<40x128xf32, #tpu.memory_space<vmem>>) offsets(%dma_start3A_107 : memref<40xi32, #tpu.memory_space<vmem>>) semaphore(%arg15 : memref<!tpu.dma_semaphore, #tpu.memory_space<semaphore_mem>>)
    %dma_start3A_111 = arith.constant 0 : i32
    %dma_start3A_112 = arith.constant 0 : i32
    %dma_start3A_113 = arith.constant 0 : i32
    %dma_start3A_114 = tpu.memref_slice %arg12[%dma_start3A_111, %dma_start3A_112, %dma_start3A_113] : memref<2x40x128xf32, #tpu.memory_space<vmem>> -> memref<1x40x128xf32, #tpu.memory_space<vmem>>
    %dma_start3A_115 = tpu.memref_squeeze %dma_start3A_114 : memref<1x40x128xf32, #tpu.memory_space<vmem>> -> memref<40x128xf32, #tpu.memory_space<vmem>>
    %dma_start3A_116 = arith.constant 0 : i32
    %dma_start3A_117 = tpu.memref_slice %arg4[%add3A_86, %dma_start3A_116] : memref<320000x128xf32, #tpu.memory_space<hbm>> -> memref<40x128xf32, #tpu.memory_space<hbm>>
    %dma_start3A_118 = arith.constant 0 : i32
    %dma_start3A_119 = arith.constant 0 : i32
    %dma_start3A_120 = tpu.memref_slice %arg12[%dma_start3A_111, %dma_start3A_118, %dma_start3A_119] : memref<2x40x128xf32, #tpu.memory_space<vmem>> -> memref<1x40x128xf32, #tpu.memory_space<vmem>>
    %dma_start3A_121 = tpu.memref_squeeze %dma_start3A_120 : memref<1x40x128xf32, #tpu.memory_space<vmem>> -> memref<40x128xf32, #tpu.memory_space<vmem>>
    %dma_start3A_122 = arith.constant 0 : i32
    %dma_start3A_123 = tpu.memref_slice %arg4[%add3A_86, %dma_start3A_122] : memref<320000x128xf32, #tpu.memory_space<hbm>> -> memref<40x128xf32, #tpu.memory_space<hbm>>
    tpu.enqueue_dma source(%dma_start3A_123 : memref<40x128xf32, #tpu.memory_space<hbm>>) target(%dma_start3A_121 : memref<40x128xf32, #tpu.memory_space<vmem>>) target_semaphore(%arg16 : memref<!tpu.dma_semaphore, #tpu.memory_space<semaphore_mem>>)
    %scan3A_124 = arith.constant 0 : i32
    %scan3A_125 = arith.constant 63 : i32
    %scan3A_126 = arith.addi %scan3A_124, %scan3A_125 : i32
    %scan3A_127 = arith.constant 1 : i32
    scf.for %scan3A_135 = %scan3A_124 to %scan3A_126 step %scan3A_127  : i32 {
      %mul3A_136 = arith.constant 4 : i32
      %mul3A_137 = arith.muli %scan3A_135, %mul3A_136 : i32
      %add3A_138 = arith.constant 0 : i32
      %add3A_139 = arith.addi %add3A_138, %mul3A_137 : i32
      %add3A_140 = arith.constant 0 : i32
      %add3A_141 = arith.addi %add3A_139, %add3A_140 : i32
      %lt3A = arith.constant 250 : i32
      %lt3A_142 = arith.cmpi slt, %add3A_141, %lt3A : i32
      %convert_element_type3A_143 = arith.extui %lt3A_142 : i1 to i32
      %cond3A_144 = arith.constant 0 : i32
      %cond3A_145 = arith.cmpi ne, %convert_element_type3A_143, %cond3A_144 : i32
      scf.if %cond3A_145 {
        %add3A_167 = arith.constant 1 : i32
        %add3A_168 = arith.addi %add3A_141, %add3A_167 : i32
        %lt3A_169 = arith.constant 250 : i32
        %lt3A_170 = arith.cmpi slt, %add3A_168, %lt3A_169 : i32
        %convert_element_type3A_171 = arith.extui %lt3A_170 : i1 to i32
        %cond3A_172 = arith.constant 0 : i32
        %cond3A_173 = arith.cmpi ne, %convert_element_type3A_171, %cond3A_172 : i32
        scf.if %cond3A_173 {
          %add3A_233 = arith.constant 1 : i32
          %add3A_234 = arith.addi %add3A_141, %add3A_233 : i32
          %mul3A_235 = arith.constant 10000 : i32
          %mul3A_236 = arith.muli %add3A, %mul3A_235 : i32
          %mul3A_237 = arith.constant 40 : i32
          %mul3A_238 = arith.muli %add3A_234, %mul3A_237 : i32
          %add3A_239 = arith.addi %mul3A_236, %mul3A_238 : i32
          %dma_wait3A_240 = arith.constant 1 : i32
          %dma_wait3A_241 = arith.constant 0 : i32
          %dma_wait3A_242 = tpu.memref_slice %arg8[%dma_wait3A_240, %dma_wait3A_241] : memref<4x40xi32, #tpu.memory_space<vmem>> -> memref<1x40xi32, #tpu.memory_space<vmem>>
          %dma_wait3A_243 = tpu.memref_squeeze %dma_wait3A_242 : memref<1x40xi32, #tpu.memory_space<vmem>> -> memref<40xi32, #tpu.memory_space<vmem>>
          %dma_wait3A_244 = tpu.memref_slice %arg5[%add3A_239] : memref<320000xi32, #tpu.memory_space<hbm>> -> memref<40xi32, #tpu.memory_space<hbm>>
          %dma_wait3A_245 = arith.constant 0 : i32
          %dma_wait3A_246 = tpu.memref_slice %arg8[%dma_wait3A_240, %dma_wait3A_245] : memref<4x40xi32, #tpu.memory_space<vmem>> -> memref<1x40xi32, #tpu.memory_space<vmem>>
          %dma_wait3A_247 = tpu.memref_squeeze %dma_wait3A_246 : memref<1x40xi32, #tpu.memory_space<vmem>> -> memref<40xi32, #tpu.memory_space<vmem>>
          %dma_wait3A_248 = tpu.memref_slice %arg5[%add3A_239] : memref<320000xi32, #tpu.memory_space<hbm>> -> memref<40xi32, #tpu.memory_space<hbm>>
          tpu.wait_dma2 semaphore(%arg17 : memref<!tpu.dma_semaphore, #tpu.memory_space<semaphore_mem>>) src(%dma_wait3A_248 : memref<40xi32, #tpu.memory_space<hbm>>) dst(%dma_wait3A_247 : memref<40xi32, #tpu.memory_space<vmem>>)
          %dma_wait3A_249 = arith.constant 1 : i32
          %dma_wait3A_250 = arith.constant 0 : i32
          %dma_wait3A_251 = tpu.memref_slice %arg9[%dma_wait3A_249, %dma_wait3A_250] : memref<4x40xi32, #tpu.memory_space<vmem>> -> memref<1x40xi32, #tpu.memory_space<vmem>>
          %dma_wait3A_252 = tpu.memref_squeeze %dma_wait3A_251 : memref<1x40xi32, #tpu.memory_space<vmem>> -> memref<40xi32, #tpu.memory_space<vmem>>
          %dma_wait3A_253 = tpu.memref_slice %arg6[%add3A_239] : memref<320000xi32, #tpu.memory_space<hbm>> -> memref<40xi32, #tpu.memory_space<hbm>>
          %dma_wait3A_254 = arith.constant 0 : i32
          %dma_wait3A_255 = tpu.memref_slice %arg9[%dma_wait3A_249, %dma_wait3A_254] : memref<4x40xi32, #tpu.memory_space<vmem>> -> memref<1x40xi32, #tpu.memory_space<vmem>>
          %dma_wait3A_256 = tpu.memref_squeeze %dma_wait3A_255 : memref<1x40xi32, #tpu.memory_space<vmem>> -> memref<40xi32, #tpu.memory_space<vmem>>
          %dma_wait3A_257 = tpu.memref_slice %arg6[%add3A_239] : memref<320000xi32, #tpu.memory_space<hbm>> -> memref<40xi32, #tpu.memory_space<hbm>>
          tpu.wait_dma2 semaphore(%arg18 : memref<!tpu.dma_semaphore, #tpu.memory_space<semaphore_mem>>) src(%dma_wait3A_257 : memref<40xi32, #tpu.memory_space<hbm>>) dst(%dma_wait3A_256 : memref<40xi32, #tpu.memory_space<vmem>>)
          %add3A_258 = arith.constant 1 : i32
          %add3A_259 = arith.addi %add3A_141, %add3A_258 : i32
          %mul3A_260 = arith.constant 10000 : i32
          %mul3A_261 = arith.muli %add3A, %mul3A_260 : i32
          %mul3A_262 = arith.constant 40 : i32
          %mul3A_263 = arith.muli %add3A_259, %mul3A_262 : i32
          %add3A_264 = arith.addi %mul3A_261, %mul3A_263 : i32
          %dma_start3A_265 = arith.constant 1 : i32
          %dma_start3A_266 = arith.constant 1 : i32
          %dma_start3A_267 = arith.constant 0 : i32
          %dma_start3A_268 = arith.constant 0 : i32
          %dma_start3A_269 = tpu.memref_slice %arg10[%dma_start3A_266, %dma_start3A_267, %dma_start3A_268] : memref<2x40x128xf32, #tpu.memory_space<vmem>> -> memref<1x40x128xf32, #tpu.memory_space<vmem>>
          %dma_start3A_270 = tpu.memref_squeeze %dma_start3A_269 : memref<1x40x128xf32, #tpu.memory_space<vmem>> -> memref<40x128xf32, #tpu.memory_space<vmem>>
          %dma_start3A_271 = arith.constant 0 : i32
          %dma_start3A_272 = tpu.memref_slice %arg8[%dma_start3A_265, %dma_start3A_271] : memref<4x40xi32, #tpu.memory_space<vmem>> -> memref<1x40xi32, #tpu.memory_space<vmem>>
          %dma_start3A_273 = tpu.memref_squeeze %dma_start3A_272 : memref<1x40xi32, #tpu.memory_space<vmem>> -> memref<40xi32, #tpu.memory_space<vmem>>
          %dma_start3A_274 = arith.constant 0 : i32
          %dma_start3A_275 = arith.constant 0 : i32
          %dma_start3A_276 = tpu.memref_slice %arg2[%dma_start3A_274, %dma_start3A_275] : memref<10000x128xf32, #tpu.memory_space<hbm>> -> memref<10000x128xf32, #tpu.memory_space<hbm>>
          tpu.enqueue_indirect_dma source(%dma_start3A_276 : memref<10000x128xf32, #tpu.memory_space<hbm>>) target(%dma_start3A_270 : memref<40x128xf32, #tpu.memory_space<vmem>>) offsets(%dma_start3A_273 : memref<40xi32, #tpu.memory_space<vmem>>) semaphore(%arg14 : memref<!tpu.dma_semaphore, #tpu.memory_space<semaphore_mem>>)
          %dma_start3A_277 = arith.constant 1 : i32
          %dma_start3A_278 = arith.constant 1 : i32
          %dma_start3A_279 = arith.constant 0 : i32
          %dma_start3A_280 = arith.constant 0 : i32
          %dma_start3A_281 = tpu.memref_slice %arg11[%dma_start3A_278, %dma_start3A_279, %dma_start3A_280] : memref<2x40x128xf32, #tpu.memory_space<vmem>> -> memref<1x40x128xf32, #tpu.memory_space<vmem>>
          %dma_start3A_282 = tpu.memref_squeeze %dma_start3A_281 : memref<1x40x128xf32, #tpu.memory_space<vmem>> -> memref<40x128xf32, #tpu.memory_space<vmem>>
          %dma_start3A_283 = arith.constant 0 : i32
          %dma_start3A_284 = tpu.memref_slice %arg9[%dma_start3A_277, %dma_start3A_283] : memref<4x40xi32, #tpu.memory_space<vmem>> -> memref<1x40xi32, #tpu.memory_space<vmem>>
          %dma_start3A_285 = tpu.memref_squeeze %dma_start3A_284 : memref<1x40xi32, #tpu.memory_space<vmem>> -> memref<40xi32, #tpu.memory_space<vmem>>
          %dma_start3A_286 = arith.constant 0 : i32
          %dma_start3A_287 = arith.constant 0 : i32
          %dma_start3A_288 = tpu.memref_slice %arg3[%dma_start3A_286, %dma_start3A_287] : memref<10000x128xf32, #tpu.memory_space<hbm>> -> memref<10000x128xf32, #tpu.memory_space<hbm>>
          tpu.enqueue_indirect_dma source(%dma_start3A_288 : memref<10000x128xf32, #tpu.memory_space<hbm>>) target(%dma_start3A_282 : memref<40x128xf32, #tpu.memory_space<vmem>>) offsets(%dma_start3A_285 : memref<40xi32, #tpu.memory_space<vmem>>) semaphore(%arg15 : memref<!tpu.dma_semaphore, #tpu.memory_space<semaphore_mem>>)
          %dma_start3A_289 = arith.constant 1 : i32
          %dma_start3A_290 = arith.constant 0 : i32
          %dma_start3A_291 = arith.constant 0 : i32
          %dma_start3A_292 = tpu.memref_slice %arg12[%dma_start3A_289, %dma_start3A_290, %dma_start3A_291] : memref<2x40x128xf32, #tpu.memory_space<vmem>> -> memref<1x40x128xf32, #tpu.memory_space<vmem>>
          %dma_start3A_293 = tpu.memref_squeeze %dma_start3A_292 : memref<1x40x128xf32, #tpu.memory_space<vmem>> -> memref<40x128xf32, #tpu.memory_space<vmem>>
          %dma_start3A_294 = arith.constant 0 : i32
          %dma_start3A_295 = tpu.memref_slice %arg4[%add3A_264, %dma_start3A_294] : memref<320000x128xf32, #tpu.memory_space<hbm>> -> memref<40x128xf32, #tpu.memory_space<hbm>>
          %dma_start3A_296 = arith.constant 0 : i32
          %dma_start3A_297 = arith.constant 0 : i32
          %dma_start3A_298 = tpu.memref_slice %arg12[%dma_start3A_289, %dma_start3A_296, %dma_start3A_297] : memref<2x40x128xf32, #tpu.memory_space<vmem>> -> memref<1x40x128xf32, #tpu.memory_space<vmem>>
          %dma_start3A_299 = tpu.memref_squeeze %dma_start3A_298 : memref<1x40x128xf32, #tpu.memory_space<vmem>> -> memref<40x128xf32, #tpu.memory_space<vmem>>
          %dma_start3A_300 = arith.constant 0 : i32
          %dma_start3A_301 = tpu.memref_slice %arg4[%add3A_264, %dma_start3A_300] : memref<320000x128xf32, #tpu.memory_space<hbm>> -> memref<40x128xf32, #tpu.memory_space<hbm>>
          tpu.enqueue_dma source(%dma_start3A_301 : memref<40x128xf32, #tpu.memory_space<hbm>>) target(%dma_start3A_299 : memref<40x128xf32, #tpu.memory_space<vmem>>) target_semaphore(%arg16 : memref<!tpu.dma_semaphore, #tpu.memory_space<semaphore_mem>>)
        } else {
        }
        %add3A_174 = arith.constant 2 : i32
        %add3A_175 = arith.addi %add3A_141, %add3A_174 : i32
        %lt3A_176 = arith.constant 250 : i32
        %lt3A_177 = arith.cmpi slt, %add3A_175, %lt3A_176 : i32
        %convert_element_type3A_178 = arith.extui %lt3A_177 : i1 to i32
        %cond3A_179 = arith.constant 0 : i32
        %cond3A_180 = arith.cmpi ne, %convert_element_type3A_178, %cond3A_179 : i32
        scf.if %cond3A_180 {
          %add3A_233 = arith.constant 2 : i32
          %add3A_234 = arith.addi %add3A_141, %add3A_233 : i32
          %mul3A_235 = arith.constant 10000 : i32
          %mul3A_236 = arith.muli %add3A, %mul3A_235 : i32
          %mul3A_237 = arith.constant 40 : i32
          %mul3A_238 = arith.muli %add3A_234, %mul3A_237 : i32
          %add3A_239 = arith.addi %mul3A_236, %mul3A_238 : i32
          %dma_start3A_240 = arith.constant 2 : i32
          %dma_start3A_241 = arith.constant 0 : i32
          %dma_start3A_242 = tpu.memref_slice %arg8[%dma_start3A_240, %dma_start3A_241] : memref<4x40xi32, #tpu.memory_space<vmem>> -> memref<1x40xi32, #tpu.memory_space<vmem>>
          %dma_start3A_243 = tpu.memref_squeeze %dma_start3A_242 : memref<1x40xi32, #tpu.memory_space<vmem>> -> memref<40xi32, #tpu.memory_space<vmem>>
          %dma_start3A_244 = tpu.memref_slice %arg5[%add3A_239] : memref<320000xi32, #tpu.memory_space<hbm>> -> memref<40xi32, #tpu.memory_space<hbm>>
          %dma_start3A_245 = arith.constant 0 : i32
          %dma_start3A_246 = tpu.memref_slice %arg8[%dma_start3A_240, %dma_start3A_245] : memref<4x40xi32, #tpu.memory_space<vmem>> -> memref<1x40xi32, #tpu.memory_space<vmem>>
          %dma_start3A_247 = tpu.memref_squeeze %dma_start3A_246 : memref<1x40xi32, #tpu.memory_space<vmem>> -> memref<40xi32, #tpu.memory_space<vmem>>
          %dma_start3A_248 = tpu.memref_slice %arg5[%add3A_239] : memref<320000xi32, #tpu.memory_space<hbm>> -> memref<40xi32, #tpu.memory_space<hbm>>
          tpu.enqueue_dma source(%dma_start3A_248 : memref<40xi32, #tpu.memory_space<hbm>>) target(%dma_start3A_247 : memref<40xi32, #tpu.memory_space<vmem>>) target_semaphore(%arg17 : memref<!tpu.dma_semaphore, #tpu.memory_space<semaphore_mem>>)
          %dma_start3A_249 = arith.constant 2 : i32
          %dma_start3A_250 = arith.constant 0 : i32
          %dma_start3A_251 = tpu.memref_slice %arg9[%dma_start3A_249, %dma_start3A_250] : memref<4x40xi32, #tpu.memory_space<vmem>> -> memref<1x40xi32, #tpu.memory_space<vmem>>
          %dma_start3A_252 = tpu.memref_squeeze %dma_start3A_251 : memref<1x40xi32, #tpu.memory_space<vmem>> -> memref<40xi32, #tpu.memory_space<vmem>>
          %dma_start3A_253 = tpu.memref_slice %arg6[%add3A_239] : memref<320000xi32, #tpu.memory_space<hbm>> -> memref<40xi32, #tpu.memory_space<hbm>>
          %dma_start3A_254 = arith.constant 0 : i32
          %dma_start3A_255 = tpu.memref_slice %arg9[%dma_start3A_249, %dma_start3A_254] : memref<4x40xi32, #tpu.memory_space<vmem>> -> memref<1x40xi32, #tpu.memory_space<vmem>>
          %dma_start3A_256 = tpu.memref_squeeze %dma_start3A_255 : memref<1x40xi32, #tpu.memory_space<vmem>> -> memref<40xi32, #tpu.memory_space<vmem>>
          %dma_start3A_257 = tpu.memref_slice %arg6[%add3A_239] : memref<320000xi32, #tpu.memory_space<hbm>> -> memref<40xi32, #tpu.memory_space<hbm>>
          tpu.enqueue_dma source(%dma_start3A_257 : memref<40xi32, #tpu.memory_space<hbm>>) target(%dma_start3A_256 : memref<40xi32, #tpu.memory_space<vmem>>) target_semaphore(%arg18 : memref<!tpu.dma_semaphore, #tpu.memory_space<semaphore_mem>>)
        } else {
        }
        %mul3A_181 = arith.constant 10000 : i32
        %mul3A_182 = arith.muli %add3A, %mul3A_181 : i32
        %mul3A_183 = arith.constant 40 : i32
        %mul3A_184 = arith.muli %add3A_141, %mul3A_183 : i32
        %add3A_185 = arith.addi %mul3A_182, %mul3A_184 : i32
        %dma_wait3A_186 = arith.constant 0 : i32
        %dma_wait3A_187 = arith.constant 0 : i32
        %dma_wait3A_188 = arith.constant 0 : i32
        %dma_wait3A_189 = arith.constant 0 : i32
        %dma_wait3A_190 = tpu.memref_slice %arg10[%dma_wait3A_187, %dma_wait3A_188, %dma_wait3A_189] : memref<2x40x128xf32, #tpu.memory_space<vmem>> -> memref<1x40x128xf32, #tpu.memory_space<vmem>>
        %dma_wait3A_191 = tpu.memref_squeeze %dma_wait3A_190 : memref<1x40x128xf32, #tpu.memory_space<vmem>> -> memref<40x128xf32, #tpu.memory_space<vmem>>
        %dma_wait3A_192 = arith.constant 0 : i32
        %dma_wait3A_193 = tpu.memref_slice %arg8[%dma_wait3A_186, %dma_wait3A_192] : memref<4x40xi32, #tpu.memory_space<vmem>> -> memref<1x40xi32, #tpu.memory_space<vmem>>
        %dma_wait3A_194 = tpu.memref_squeeze %dma_wait3A_193 : memref<1x40xi32, #tpu.memory_space<vmem>> -> memref<40xi32, #tpu.memory_space<vmem>>
        %dma_wait3A_195 = arith.constant 0 : i32
        %dma_wait3A_196 = arith.constant 0 : i32
        %dma_wait3A_197 = tpu.memref_slice %arg2[%dma_wait3A_195, %dma_wait3A_196] : memref<10000x128xf32, #tpu.memory_space<hbm>> -> memref<10000x128xf32, #tpu.memory_space<hbm>>
        tpu.wait_indirect_dma semaphore(%arg14 : memref<!tpu.dma_semaphore, #tpu.memory_space<semaphore_mem>>) src(%dma_wait3A_197 : memref<10000x128xf32, #tpu.memory_space<hbm>>) dst(%dma_wait3A_191 : memref<40x128xf32, #tpu.memory_space<vmem>>)
        %dma_wait3A_198 = arith.constant 0 : i32
        %dma_wait3A_199 = arith.constant 0 : i32
        %dma_wait3A_200 = arith.constant 0 : i32
        %dma_wait3A_201 = arith.constant 0 : i32
        %dma_wait3A_202 = tpu.memref_slice %arg11[%dma_wait3A_199, %dma_wait3A_200, %dma_wait3A_201] : memref<2x40x128xf32, #tpu.memory_space<vmem>> -> memref<1x40x128xf32, #tpu.memory_space<vmem>>
        %dma_wait3A_203 = tpu.memref_squeeze %dma_wait3A_202 : memref<1x40x128xf32, #tpu.memory_space<vmem>> -> memref<40x128xf32, #tpu.memory_space<vmem>>
        %dma_wait3A_204 = arith.constant 0 : i32
        %dma_wait3A_205 = tpu.memref_slice %arg9[%dma_wait3A_198, %dma_wait3A_204] : memref<4x40xi32, #tpu.memory_space<vmem>> -> memref<1x40xi32, #tpu.memory_space<vmem>>
        %dma_wait3A_206 = tpu.memref_squeeze %dma_wait3A_205 : memref<1x40xi32, #tpu.memory_space<vmem>> -> memref<40xi32, #tpu.memory_space<vmem>>
        %dma_wait3A_207 = arith.constant 0 : i32
        %dma_wait3A_208 = arith.constant 0 : i32
        %dma_wait3A_209 = tpu.memref_slice %arg3[%dma_wait3A_207, %dma_wait3A_208] : memref<10000x128xf32, #tpu.memory_space<hbm>> -> memref<10000x128xf32, #tpu.memory_space<hbm>>
        tpu.wait_indirect_dma semaphore(%arg15 : memref<!tpu.dma_semaphore, #tpu.memory_space<semaphore_mem>>) src(%dma_wait3A_209 : memref<10000x128xf32, #tpu.memory_space<hbm>>) dst(%dma_wait3A_203 : memref<40x128xf32, #tpu.memory_space<vmem>>)
        %dma_wait3A_210 = arith.constant 0 : i32
        %dma_wait3A_211 = arith.constant 0 : i32
        %dma_wait3A_212 = arith.constant 0 : i32
        %dma_wait3A_213 = tpu.memref_slice %arg12[%dma_wait3A_210, %dma_wait3A_211, %dma_wait3A_212] : memref<2x40x128xf32, #tpu.memory_space<vmem>> -> memref<1x40x128xf32, #tpu.memory_space<vmem>>
        %dma_wait3A_214 = tpu.memref_squeeze %dma_wait3A_213 : memref<1x40x128xf32, #tpu.memory_space<vmem>> -> memref<40x128xf32, #tpu.memory_space<vmem>>
        %dma_wait3A_215 = arith.constant 0 : i32
        %dma_wait3A_216 = tpu.memref_slice %arg4[%add3A_185, %dma_wait3A_215] : memref<320000x128xf32, #tpu.memory_space<hbm>> -> memref<40x128xf32, #tpu.memory_space<hbm>>
        %dma_wait3A_217 = arith.constant 0 : i32
        %dma_wait3A_218 = arith.constant 0 : i32
        %dma_wait3A_219 = tpu.memref_slice %arg12[%dma_wait3A_210, %dma_wait3A_217, %dma_wait3A_218] : memref<2x40x128xf32, #tpu.memory_space<vmem>> -> memref<1x40x128xf32, #tpu.memory_space<vmem>>
        %dma_wait3A_220 = tpu.memref_squeeze %dma_wait3A_219 : memref<1x40x128xf32, #tpu.memory_space<vmem>> -> memref<40x128xf32, #tpu.memory_space<vmem>>
        %dma_wait3A_221 = arith.constant 0 : i32
        %dma_wait3A_222 = tpu.memref_slice %arg4[%add3A_185, %dma_wait3A_221] : memref<320000x128xf32, #tpu.memory_space<hbm>> -> memref<40x128xf32, #tpu.memory_space<hbm>>
        tpu.wait_dma2 semaphore(%arg16 : memref<!tpu.dma_semaphore, #tpu.memory_space<semaphore_mem>>) src(%dma_wait3A_222 : memref<40x128xf32, #tpu.memory_space<hbm>>) dst(%dma_wait3A_220 : memref<40x128xf32, #tpu.memory_space<vmem>>)
        %scan3A_223 = arith.constant 0 : i32
        %scan3A_224 = arith.constant 0 : i32
        %scan3A_225 = arith.constant 0 : i32
        %scan3A_226 = arith.constant 0 : i32
        %scan3A_227 = arith.constant 40 : i32
        %scan3A_228 = arith.addi %scan3A_226, %scan3A_227 : i32
        %scan3A_229 = arith.constant 1 : i32
        scf.for %scan3A_233 = %scan3A_226 to %scan3A_228 step %scan3A_229  : i32 {
          %mul3A_234 = arith.constant 1 : i32
          %mul3A_235 = arith.muli %scan3A_233, %mul3A_234 : i32
          %add3A_236 = arith.constant 0 : i32
          %add3A_237 = arith.addi %add3A_236, %mul3A_235 : i32
          %get3A = arith.constant 0 : i32
          %get3A_238 = arith.constant 0 : i32
          %get3A_239 = tpu.memref_slice %arg10[%scan3A_223, %get3A, %get3A_238] : memref<2x40x128xf32, #tpu.memory_space<vmem>> -> memref<1x40x128xf32, #tpu.memory_space<vmem>>
          %get3A_240 = tpu.memref_squeeze %get3A_239 : memref<1x40x128xf32, #tpu.memory_space<vmem>> -> memref<40x128xf32, #tpu.memory_space<vmem>>
          %get3A_241 = arith.index_cast %add3A_237 : i32 to index
          %get3A_242 = arith.constant 0 : index
          %get3A_243 = tpu.vector_load %get3A_240[%get3A_241, %get3A_242] {strides = array<i32>} : memref<40x128xf32, #tpu.memory_space<vmem>>, vector<1x16xf32>,
          %get3A_244 = vector.shape_cast %get3A_243 : vector<1x16xf32> to vector<16xf32>
          %get3A_245 = arith.constant 0 : i32
          %get3A_246 = arith.constant 0 : i32
          %get3A_247 = tpu.memref_slice %arg11[%scan3A_224, %get3A_245, %get3A_246] : memref<2x40x128xf32, #tpu.memory_space<vmem>> -> memref<1x40x128xf32, #tpu.memory_space<vmem>>
          %get3A_248 = tpu.memref_squeeze %get3A_247 : memref<1x40x128xf32, #tpu.memory_space<vmem>> -> memref<40x128xf32, #tpu.memory_space<vmem>>
          %get3A_249 = arith.index_cast %add3A_237 : i32 to index
          %get3A_250 = arith.constant 0 : index
          %get3A_251 = tpu.vector_load %get3A_248[%get3A_249, %get3A_250] {strides = array<i32>} : memref<40x128xf32, #tpu.memory_space<vmem>>, vector<1x16xf32>,
          %get3A_252 = vector.shape_cast %get3A_251 : vector<1x16xf32> to vector<16xf32>
          %add3A_253 = arith.addf %get3A_244, %get3A_252 : vector<16xf32>
          %get3A_254 = arith.constant 0 : i32
          %get3A_255 = arith.constant 0 : i32
          %get3A_256 = tpu.memref_slice %arg12[%scan3A_225, %get3A_254, %get3A_255] : memref<2x40x128xf32, #tpu.memory_space<vmem>> -> memref<1x40x128xf32, #tpu.memory_space<vmem>>
          %get3A_257 = tpu.memref_squeeze %get3A_256 : memref<1x40x128xf32, #tpu.memory_space<vmem>> -> memref<40x128xf32, #tpu.memory_space<vmem>>
          %get3A_258 = arith.index_cast %add3A_237 : i32 to index
          %get3A_259 = arith.constant 0 : index
          %get3A_260 = tpu.vector_load %get3A_257[%get3A_258, %get3A_259] {strides = array<i32>} : memref<40x128xf32, #tpu.memory_space<vmem>>, vector<1x16xf32>,
          %get3A_261 = vector.shape_cast %get3A_260 : vector<1x16xf32> to vector<16xf32>
          %add3A_262 = arith.addf %add3A_253, %get3A_261 : vector<16xf32>
          %max3A = arith.constant 0.000000e+00 : f32
          %max3A_263 = vector.broadcast %max3A : f32 to vector<16xf32>
          %max3A_264 = arith.maximumf %add3A_262, %max3A_263 : vector<16xf32>
          %swap3A = arith.constant 0 : i32
          %swap3A_265 = arith.constant 0 : i32
          %swap3A_266 = tpu.memref_slice %arg10[%scan3A_223, %swap3A, %swap3A_265] : memref<2x40x128xf32, #tpu.memory_space<vmem>> -> memref<1x40x128xf32, #tpu.memory_space<vmem>>
          %swap3A_267 = tpu.memref_squeeze %swap3A_266 : memref<1x40x128xf32, #tpu.memory_space<vmem>> -> memref<40x128xf32, #tpu.memory_space<vmem>>
          %swap3A_268 = arith.index_cast %add3A_237 : i32 to index
          %swap3A_269 = arith.constant 0 : index
          %swap3A_270 = tpu.vector_load %swap3A_267[%swap3A_268, %swap3A_269] {strides = array<i32>} : memref<40x128xf32, #tpu.memory_space<vmem>>, vector<1x16xf32>,
          %swap3A_271 = vector.shape_cast %swap3A_270 : vector<1x16xf32> to vector<16xf32>
          %swap3A_272 = vector.shape_cast %max3A_264 : vector<16xf32> to vector<1x16xf32>
          tpu.vector_store %swap3A_267[%swap3A_268, %swap3A_269], %swap3A_272 {strides = array<i32>} : memref<40x128xf32, #tpu.memory_space<vmem>>, vector<1x16xf32>,
          %get3A_273 = arith.constant 0 : i32
          %get3A_274 = arith.constant 0 : i32
          %get3A_275 = tpu.memref_slice %arg10[%scan3A_223, %get3A_273, %get3A_274] : memref<2x40x128xf32, #tpu.memory_space<vmem>> -> memref<1x40x128xf32, #tpu.memory_space<vmem>>
          %get3A_276 = tpu.memref_squeeze %get3A_275 : memref<1x40x128xf32, #tpu.memory_space<vmem>> -> memref<40x128xf32, #tpu.memory_space<vmem>>
          %get3A_277 = arith.index_cast %add3A_237 : i32 to index
          %get3A_278 = arith.constant 16 : index
          %get3A_279 = tpu.vector_load %get3A_276[%get3A_277, %get3A_278] {strides = array<i32>} : memref<40x128xf32, #tpu.memory_space<vmem>>, vector<1x16xf32>,
          %get3A_280 = vector.shape_cast %get3A_279 : vector<1x16xf32> to vector<16xf32>
          %get3A_281 = arith.constant 0 : i32
          %get3A_282 = arith.constant 0 : i32
          %get3A_283 = tpu.memref_slice %arg11[%scan3A_224, %get3A_281, %get3A_282] : memref<2x40x128xf32, #tpu.memory_space<vmem>> -> memref<1x40x128xf32, #tpu.memory_space<vmem>>
          %get3A_284 = tpu.memref_squeeze %get3A_283 : memref<1x40x128xf32, #tpu.memory_space<vmem>> -> memref<40x128xf32, #tpu.memory_space<vmem>>
          %get3A_285 = arith.index_cast %add3A_237 : i32 to index
          %get3A_286 = arith.constant 16 : index
          %get3A_287 = tpu.vector_load %get3A_284[%get3A_285, %get3A_286] {strides = array<i32>} : memref<40x128xf32, #tpu.memory_space<vmem>>, vector<1x16xf32>,
          %get3A_288 = vector.shape_cast %get3A_287 : vector<1x16xf32> to vector<16xf32>
          %add3A_289 = arith.addf %get3A_280, %get3A_288 : vector<16xf32>
          %get3A_290 = arith.constant 0 : i32
          %get3A_291 = arith.constant 0 : i32
          %get3A_292 = tpu.memref_slice %arg12[%scan3A_225, %get3A_290, %get3A_291] : memref<2x40x128xf32, #tpu.memory_space<vmem>> -> memref<1x40x128xf32, #tpu.memory_space<vmem>>
          %get3A_293 = tpu.memref_squeeze %get3A_292 : memref<1x40x128xf32, #tpu.memory_space<vmem>> -> memref<40x128xf32, #tpu.memory_space<vmem>>
          %get3A_294 = arith.index_cast %add3A_237 : i32 to index
          %get3A_295 = arith.constant 16 : index
          %get3A_296 = tpu.vector_load %get3A_293[%get3A_294, %get3A_295] {strides = array<i32>} : memref<40x128xf32, #tpu.memory_space<vmem>>, vector<1x16xf32>,
          %get3A_297 = vector.shape_cast %get3A_296 : vector<1x16xf32> to vector<16xf32>
          %add3A_298 = arith.addf %add3A_289, %get3A_297 : vector<16xf32>
          %max3A_299 = arith.constant 0.000000e+00 : f32
          %max3A_300 = vector.broadcast %max3A_299 : f32 to vector<16xf32>
          %max3A_301 = arith.maximumf %add3A_298, %max3A_300 : vector<16xf32>
          %swap3A_302 = arith.constant 0 : i32
          %swap3A_303 = arith.constant 0 : i32
          %swap3A_304 = tpu.memref_slice %arg10[%scan3A_223, %swap3A_302, %swap3A_303] : memref<2x40x128xf32, #tpu.memory_space<vmem>> -> memref<1x40x128xf32, #tpu.memory_space<vmem>>
          %swap3A_305 = tpu.memref_squeeze %swap3A_304 : memref<1x40x128xf32, #tpu.memory_space<vmem>> -> memref<40x128xf32, #tpu.memory_space<vmem>>
          %swap3A_306 = arith.index_cast %add3A_237 : i32 to index
          %swap3A_307 = arith.constant 16 : index
          %swap3A_308 = tpu.vector_load %swap3A_305[%swap3A_306, %swap3A_307] {strides = array<i32>} : memref<40x128xf32, #tpu.memory_space<vmem>>, vector<1x16xf32>,
          %swap3A_309 = vector.shape_cast %swap3A_308 : vector<1x16xf32> to vector<16xf32>
          %swap3A_310 = vector.shape_cast %max3A_301 : vector<16xf32> to vector<1x16xf32>
          tpu.vector_store %swap3A_305[%swap3A_306, %swap3A_307], %swap3A_310 {strides = array<i32>} : memref<40x128xf32, #tpu.memory_space<vmem>>, vector<1x16xf32>,
          %get3A_311 = arith.constant 0 : i32
          %get3A_312 = arith.constant 0 : i32
          %get3A_313 = tpu.memref_slice %arg10[%scan3A_223, %get3A_311, %get3A_312] : memref<2x40x128xf32, #tpu.memory_space<vmem>> -> memref<1x40x128xf32, #tpu.memory_space<vmem>>
          %get3A_314 = tpu.memref_squeeze %get3A_313 : memref<1x40x128xf32, #tpu.memory_space<vmem>> -> memref<40x128xf32, #tpu.memory_space<vmem>>
          %get3A_315 = arith.index_cast %add3A_237 : i32 to index
          %get3A_316 = arith.constant 32 : index
          %get3A_317 = tpu.vector_load %get3A_314[%get3A_315, %get3A_316] {strides = array<i32>} : memref<40x128xf32, #tpu.memory_space<vmem>>, vector<1x16xf32>,
          %get3A_318 = vector.shape_cast %get3A_317 : vector<1x16xf32> to vector<16xf32>
          %get3A_319 = arith.constant 0 : i32
          %get3A_320 = arith.constant 0 : i32
          %get3A_321 = tpu.memref_slice %arg11[%scan3A_224, %get3A_319, %get3A_320] : memref<2x40x128xf32, #tpu.memory_space<vmem>> -> memref<1x40x128xf32, #tpu.memory_space<vmem>>
          %get3A_322 = tpu.memref_squeeze %get3A_321 : memref<1x40x128xf32, #tpu.memory_space<vmem>> -> memref<40x128xf32, #tpu.memory_space<vmem>>
          %get3A_323 = arith.index_cast %add3A_237 : i32 to index
          %get3A_324 = arith.constant 32 : index
          %get3A_325 = tpu.vector_load %get3A_322[%get3A_323, %get3A_324] {strides = array<i32>} : memref<40x128xf32, #tpu.memory_space<vmem>>, vector<1x16xf32>,
          %get3A_326 = vector.shape_cast %get3A_325 : vector<1x16xf32> to vector<16xf32>
          %add3A_327 = arith.addf %get3A_318, %get3A_326 : vector<16xf32>
          %get3A_328 = arith.constant 0 : i32
          %get3A_329 = arith.constant 0 : i32
          %get3A_330 = tpu.memref_slice %arg12[%scan3A_225, %get3A_328, %get3A_329] : memref<2x40x128xf32, #tpu.memory_space<vmem>> -> memref<1x40x128xf32, #tpu.memory_space<vmem>>
          %get3A_331 = tpu.memref_squeeze %get3A_330 : memref<1x40x128xf32, #tpu.memory_space<vmem>> -> memref<40x128xf32, #tpu.memory_space<vmem>>
          %get3A_332 = arith.index_cast %add3A_237 : i32 to index
          %get3A_333 = arith.constant 32 : index
          %get3A_334 = tpu.vector_load %get3A_331[%get3A_332, %get3A_333] {strides = array<i32>} : memref<40x128xf32, #tpu.memory_space<vmem>>, vector<1x16xf32>,
          %get3A_335 = vector.shape_cast %get3A_334 : vector<1x16xf32> to vector<16xf32>
          %add3A_336 = arith.addf %add3A_327, %get3A_335 : vector<16xf32>
          %max3A_337 = arith.constant 0.000000e+00 : f32
          %max3A_338 = vector.broadcast %max3A_337 : f32 to vector<16xf32>
          %max3A_339 = arith.maximumf %add3A_336, %max3A_338 : vector<16xf32>
          %swap3A_340 = arith.constant 0 : i32
          %swap3A_341 = arith.constant 0 : i32
          %swap3A_342 = tpu.memref_slice %arg10[%scan3A_223, %swap3A_340, %swap3A_341] : memref<2x40x128xf32, #tpu.memory_space<vmem>> -> memref<1x40x128xf32, #tpu.memory_space<vmem>>
          %swap3A_343 = tpu.memref_squeeze %swap3A_342 : memref<1x40x128xf32, #tpu.memory_space<vmem>> -> memref<40x128xf32, #tpu.memory_space<vmem>>
          %swap3A_344 = arith.index_cast %add3A_237 : i32 to index
          %swap3A_345 = arith.constant 32 : index
          %swap3A_346 = tpu.vector_load %swap3A_343[%swap3A_344, %swap3A_345] {strides = array<i32>} : memref<40x128xf32, #tpu.memory_space<vmem>>, vector<1x16xf32>,
          %swap3A_347 = vector.shape_cast %swap3A_346 : vector<1x16xf32> to vector<16xf32>
          %swap3A_348 = vector.shape_cast %max3A_339 : vector<16xf32> to vector<1x16xf32>
          tpu.vector_store %swap3A_343[%swap3A_344, %swap3A_345], %swap3A_348 {strides = array<i32>} : memref<40x128xf32, #tpu.memory_space<vmem>>, vector<1x16xf32>,
          %get3A_349 = arith.constant 0 : i32
          %get3A_350 = arith.constant 0 : i32
          %get3A_351 = tpu.memref_slice %arg10[%scan3A_223, %get3A_349, %get3A_350] : memref<2x40x128xf32, #tpu.memory_space<vmem>> -> memref<1x40x128xf32, #tpu.memory_space<vmem>>
          %get3A_352 = tpu.memref_squeeze %get3A_351 : memref<1x40x128xf32, #tpu.memory_space<vmem>> -> memref<40x128xf32, #tpu.memory_space<vmem>>
          %get3A_353 = arith.index_cast %add3A_237 : i32 to index
          %get3A_354 = arith.constant 48 : index
          %get3A_355 = tpu.vector_load %get3A_352[%get3A_353, %get3A_354] {strides = array<i32>} : memref<40x128xf32, #tpu.memory_space<vmem>>, vector<1x16xf32>,
          %get3A_356 = vector.shape_cast %get3A_355 : vector<1x16xf32> to vector<16xf32>
          %get3A_357 = arith.constant 0 : i32
          %get3A_358 = arith.constant 0 : i32
          %get3A_359 = tpu.memref_slice %arg11[%scan3A_224, %get3A_357, %get3A_358] : memref<2x40x128xf32, #tpu.memory_space<vmem>> -> memref<1x40x128xf32, #tpu.memory_space<vmem>>
          %get3A_360 = tpu.memref_squeeze %get3A_359 : memref<1x40x128xf32, #tpu.memory_space<vmem>> -> memref<40x128xf32, #tpu.memory_space<vmem>>
          %get3A_361 = arith.index_cast %add3A_237 : i32 to index
          %get3A_362 = arith.constant 48 : index
          %get3A_363 = tpu.vector_load %get3A_360[%get3A_361, %get3A_362] {strides = array<i32>} : memref<40x128xf32, #tpu.memory_space<vmem>>, vector<1x16xf32>,
          %get3A_364 = vector.shape_cast %get3A_363 : vector<1x16xf32> to vector<16xf32>
          %add3A_365 = arith.addf %get3A_356, %get3A_364 : vector<16xf32>
          %get3A_366 = arith.constant 0 : i32
          %get3A_367 = arith.constant 0 : i32
          %get3A_368 = tpu.memref_slice %arg12[%scan3A_225, %get3A_366, %get3A_367] : memref<2x40x128xf32, #tpu.memory_space<vmem>> -> memref<1x40x128xf32, #tpu.memory_space<vmem>>
          %get3A_369 = tpu.memref_squeeze %get3A_368 : memref<1x40x128xf32, #tpu.memory_space<vmem>> -> memref<40x128xf32, #tpu.memory_space<vmem>>
          %get3A_370 = arith.index_cast %add3A_237 : i32 to index
          %get3A_371 = arith.constant 48 : index
          %get3A_372 = tpu.vector_load %get3A_369[%get3A_370, %get3A_371] {strides = array<i32>} : memref<40x128xf32, #tpu.memory_space<vmem>>, vector<1x16xf32>,
          %get3A_373 = vector.shape_cast %get3A_372 : vector<1x16xf32> to vector<16xf32>
          %add3A_374 = arith.addf %add3A_365, %get3A_373 : vector<16xf32>
          %max3A_375 = arith.constant 0.000000e+00 : f32
          %max3A_376 = vector.broadcast %max3A_375 : f32 to vector<16xf32>
          %max3A_377 = arith.maximumf %add3A_374, %max3A_376 : vector<16xf32>
          %swap3A_378 = arith.constant 0 : i32
          %swap3A_379 = arith.constant 0 : i32
          %swap3A_380 = tpu.memref_slice %arg10[%scan3A_223, %swap3A_378, %swap3A_379] : memref<2x40x128xf32, #tpu.memory_space<vmem>> -> memref<1x40x128xf32, #tpu.memory_space<vmem>>
          %swap3A_381 = tpu.memref_squeeze %swap3A_380 : memref<1x40x128xf32, #tpu.memory_space<vmem>> -> memref<40x128xf32, #tpu.memory_space<vmem>>
          %swap3A_382 = arith.index_cast %add3A_237 : i32 to index
          %swap3A_383 = arith.constant 48 : index
          %swap3A_384 = tpu.vector_load %swap3A_381[%swap3A_382, %swap3A_383] {strides = array<i32>} : memref<40x128xf32, #tpu.memory_space<vmem>>, vector<1x16xf32>,
          %swap3A_385 = vector.shape_cast %swap3A_384 : vector<1x16xf32> to vector<16xf32>
          %swap3A_386 = vector.shape_cast %max3A_377 : vector<16xf32> to vector<1x16xf32>
          tpu.vector_store %swap3A_381[%swap3A_382, %swap3A_383], %swap3A_386 {strides = array<i32>} : memref<40x128xf32, #tpu.memory_space<vmem>>, vector<1x16xf32>,
          %get3A_387 = arith.constant 0 : i32
          %get3A_388 = arith.constant 0 : i32
          %get3A_389 = tpu.memref_slice %arg10[%scan3A_223, %get3A_387, %get3A_388] : memref<2x40x128xf32, #tpu.memory_space<vmem>> -> memref<1x40x128xf32, #tpu.memory_space<vmem>>
          %get3A_390 = tpu.memref_squeeze %get3A_389 : memref<1x40x128xf32, #tpu.memory_space<vmem>> -> memref<40x128xf32, #tpu.memory_space<vmem>>
          %get3A_391 = arith.index_cast %add3A_237 : i32 to index
          %get3A_392 = arith.constant 64 : index
          %get3A_393 = tpu.vector_load %get3A_390[%get3A_391, %get3A_392] {strides = array<i32>} : memref<40x128xf32, #tpu.memory_space<vmem>>, vector<1x16xf32>,
          %get3A_394 = vector.shape_cast %get3A_393 : vector<1x16xf32> to vector<16xf32>
          %get3A_395 = arith.constant 0 : i32
          %get3A_396 = arith.constant 0 : i32
          %get3A_397 = tpu.memref_slice %arg11[%scan3A_224, %get3A_395, %get3A_396] : memref<2x40x128xf32, #tpu.memory_space<vmem>> -> memref<1x40x128xf32, #tpu.memory_space<vmem>>
          %get3A_398 = tpu.memref_squeeze %get3A_397 : memref<1x40x128xf32, #tpu.memory_space<vmem>> -> memref<40x128xf32, #tpu.memory_space<vmem>>
          %get3A_399 = arith.index_cast %add3A_237 : i32 to index
          %get3A_400 = arith.constant 64 : index
          %get3A_401 = tpu.vector_load %get3A_398[%get3A_399, %get3A_400] {strides = array<i32>} : memref<40x128xf32, #tpu.memory_space<vmem>>, vector<1x16xf32>,
          %get3A_402 = vector.shape_cast %get3A_401 : vector<1x16xf32> to vector<16xf32>
          %add3A_403 = arith.addf %get3A_394, %get3A_402 : vector<16xf32>
          %get3A_404 = arith.constant 0 : i32
          %get3A_405 = arith.constant 0 : i32
          %get3A_406 = tpu.memref_slice %arg12[%scan3A_225, %get3A_404, %get3A_405] : memref<2x40x128xf32, #tpu.memory_space<vmem>> -> memref<1x40x128xf32, #tpu.memory_space<vmem>>
          %get3A_407 = tpu.memref_squeeze %get3A_406 : memref<1x40x128xf32, #tpu.memory_space<vmem>> -> memref<40x128xf32, #tpu.memory_space<vmem>>
          %get3A_408 = arith.index_cast %add3A_237 : i32 to index
          %get3A_409 = arith.constant 64 : index
          %get3A_410 = tpu.vector_load %get3A_407[%get3A_408, %get3A_409] {strides = array<i32>} : memref<40x128xf32, #tpu.memory_space<vmem>>, vector<1x16xf32>,
          %get3A_411 = vector.shape_cast %get3A_410 : vector<1x16xf32> to vector<16xf32>
          %add3A_412 = arith.addf %add3A_403, %get3A_411 : vector<16xf32>
          %max3A_413 = arith.constant 0.000000e+00 : f32
          %max3A_414 = vector.broadcast %max3A_413 : f32 to vector<16xf32>
          %max3A_415 = arith.maximumf %add3A_412, %max3A_414 : vector<16xf32>
          %swap3A_416 = arith.constant 0 : i32
          %swap3A_417 = arith.constant 0 : i32
          %swap3A_418 = tpu.memref_slice %arg10[%scan3A_223, %swap3A_416, %swap3A_417] : memref<2x40x128xf32, #tpu.memory_space<vmem>> -> memref<1x40x128xf32, #tpu.memory_space<vmem>>
          %swap3A_419 = tpu.memref_squeeze %swap3A_418 : memref<1x40x128xf32, #tpu.memory_space<vmem>> -> memref<40x128xf32, #tpu.memory_space<vmem>>
          %swap3A_420 = arith.index_cast %add3A_237 : i32 to index
          %swap3A_421 = arith.constant 64 : index
          %swap3A_422 = tpu.vector_load %swap3A_419[%swap3A_420, %swap3A_421] {strides = array<i32>} : memref<40x128xf32, #tpu.memory_space<vmem>>, vector<1x16xf32>,
          %swap3A_423 = vector.shape_cast %swap3A_422 : vector<1x16xf32> to vector<16xf32>
          %swap3A_424 = vector.shape_cast %max3A_415 : vector<16xf32> to vector<1x16xf32>
          tpu.vector_store %swap3A_419[%swap3A_420, %swap3A_421], %swap3A_424 {strides = array<i32>} : memref<40x128xf32, #tpu.memory_space<vmem>>, vector<1x16xf32>,
          %get3A_425 = arith.constant 0 : i32
          %get3A_426 = arith.constant 0 : i32
          %get3A_427 = tpu.memref_slice %arg10[%scan3A_223, %get3A_425, %get3A_426] : memref<2x40x128xf32, #tpu.memory_space<vmem>> -> memref<1x40x128xf32, #tpu.memory_space<vmem>>
          %get3A_428 = tpu.memref_squeeze %get3A_427 : memref<1x40x128xf32, #tpu.memory_space<vmem>> -> memref<40x128xf32, #tpu.memory_space<vmem>>
          %get3A_429 = arith.index_cast %add3A_237 : i32 to index
          %get3A_430 = arith.constant 80 : index
          %get3A_431 = tpu.vector_load %get3A_428[%get3A_429, %get3A_430] {strides = array<i32>} : memref<40x128xf32, #tpu.memory_space<vmem>>, vector<1x16xf32>,
          %get3A_432 = vector.shape_cast %get3A_431 : vector<1x16xf32> to vector<16xf32>
          %get3A_433 = arith.constant 0 : i32
          %get3A_434 = arith.constant 0 : i32
          %get3A_435 = tpu.memref_slice %arg11[%scan3A_224, %get3A_433, %get3A_434] : memref<2x40x128xf32, #tpu.memory_space<vmem>> -> memref<1x40x128xf32, #tpu.memory_space<vmem>>
          %get3A_436 = tpu.memref_squeeze %get3A_435 : memref<1x40x128xf32, #tpu.memory_space<vmem>> -> memref<40x128xf32, #tpu.memory_space<vmem>>
          %get3A_437 = arith.index_cast %add3A_237 : i32 to index
          %get3A_438 = arith.constant 80 : index
          %get3A_439 = tpu.vector_load %get3A_436[%get3A_437, %get3A_438] {strides = array<i32>} : memref<40x128xf32, #tpu.memory_space<vmem>>, vector<1x16xf32>,
          %get3A_440 = vector.shape_cast %get3A_439 : vector<1x16xf32> to vector<16xf32>
          %add3A_441 = arith.addf %get3A_432, %get3A_440 : vector<16xf32>
          %get3A_442 = arith.constant 0 : i32
          %get3A_443 = arith.constant 0 : i32
          %get3A_444 = tpu.memref_slice %arg12[%scan3A_225, %get3A_442, %get3A_443] : memref<2x40x128xf32, #tpu.memory_space<vmem>> -> memref<1x40x128xf32, #tpu.memory_space<vmem>>
          %get3A_445 = tpu.memref_squeeze %get3A_444 : memref<1x40x128xf32, #tpu.memory_space<vmem>> -> memref<40x128xf32, #tpu.memory_space<vmem>>
          %get3A_446 = arith.index_cast %add3A_237 : i32 to index
          %get3A_447 = arith.constant 80 : index
          %get3A_448 = tpu.vector_load %get3A_445[%get3A_446, %get3A_447] {strides = array<i32>} : memref<40x128xf32, #tpu.memory_space<vmem>>, vector<1x16xf32>,
          %get3A_449 = vector.shape_cast %get3A_448 : vector<1x16xf32> to vector<16xf32>
          %add3A_450 = arith.addf %add3A_441, %get3A_449 : vector<16xf32>
          %max3A_451 = arith.constant 0.000000e+00 : f32
          %max3A_452 = vector.broadcast %max3A_451 : f32 to vector<16xf32>
          %max3A_453 = arith.maximumf %add3A_450, %max3A_452 : vector<16xf32>
          %swap3A_454 = arith.constant 0 : i32
          %swap3A_455 = arith.constant 0 : i32
          %swap3A_456 = tpu.memref_slice %arg10[%scan3A_223, %swap3A_454, %swap3A_455] : memref<2x40x128xf32, #tpu.memory_space<vmem>> -> memref<1x40x128xf32, #tpu.memory_space<vmem>>
          %swap3A_457 = tpu.memref_squeeze %swap3A_456 : memref<1x40x128xf32, #tpu.memory_space<vmem>> -> memref<40x128xf32, #tpu.memory_space<vmem>>
          %swap3A_458 = arith.index_cast %add3A_237 : i32 to index
          %swap3A_459 = arith.constant 80 : index
          %swap3A_460 = tpu.vector_load %swap3A_457[%swap3A_458, %swap3A_459] {strides = array<i32>} : memref<40x128xf32, #tpu.memory_space<vmem>>, vector<1x16xf32>,
          %swap3A_461 = vector.shape_cast %swap3A_460 : vector<1x16xf32> to vector<16xf32>
          %swap3A_462 = vector.shape_cast %max3A_453 : vector<16xf32> to vector<1x16xf32>
          tpu.vector_store %swap3A_457[%swap3A_458, %swap3A_459], %swap3A_462 {strides = array<i32>} : memref<40x128xf32, #tpu.memory_space<vmem>>, vector<1x16xf32>,
          %get3A_463 = arith.constant 0 : i32
          %get3A_464 = arith.constant 0 : i32
          %get3A_465 = tpu.memref_slice %arg10[%scan3A_223, %get3A_463, %get3A_464] : memref<2x40x128xf32, #tpu.memory_space<vmem>> -> memref<1x40x128xf32, #tpu.memory_space<vmem>>
          %get3A_466 = tpu.memref_squeeze %get3A_465 : memref<1x40x128xf32, #tpu.memory_space<vmem>> -> memref<40x128xf32, #tpu.memory_space<vmem>>
          %get3A_467 = arith.index_cast %add3A_237 : i32 to index
          %get3A_468 = arith.constant 96 : index
          %get3A_469 = tpu.vector_load %get3A_466[%get3A_467, %get3A_468] {strides = array<i32>} : memref<40x128xf32, #tpu.memory_space<vmem>>, vector<1x16xf32>,
          %get3A_470 = vector.shape_cast %get3A_469 : vector<1x16xf32> to vector<16xf32>
          %get3A_471 = arith.constant 0 : i32
          %get3A_472 = arith.constant 0 : i32
          %get3A_473 = tpu.memref_slice %arg11[%scan3A_224, %get3A_471, %get3A_472] : memref<2x40x128xf32, #tpu.memory_space<vmem>> -> memref<1x40x128xf32, #tpu.memory_space<vmem>>
          %get3A_474 = tpu.memref_squeeze %get3A_473 : memref<1x40x128xf32, #tpu.memory_space<vmem>> -> memref<40x128xf32, #tpu.memory_space<vmem>>
          %get3A_475 = arith.index_cast %add3A_237 : i32 to index
          %get3A_476 = arith.constant 96 : index
          %get3A_477 = tpu.vector_load %get3A_474[%get3A_475, %get3A_476] {strides = array<i32>} : memref<40x128xf32, #tpu.memory_space<vmem>>, vector<1x16xf32>,
          %get3A_478 = vector.shape_cast %get3A_477 : vector<1x16xf32> to vector<16xf32>
          %add3A_479 = arith.addf %get3A_470, %get3A_478 : vector<16xf32>
          %get3A_480 = arith.constant 0 : i32
          %get3A_481 = arith.constant 0 : i32
          %get3A_482 = tpu.memref_slice %arg12[%scan3A_225, %get3A_480, %get3A_481] : memref<2x40x128xf32, #tpu.memory_space<vmem>> -> memref<1x40x128xf32, #tpu.memory_space<vmem>>
          %get3A_483 = tpu.memref_squeeze %get3A_482 : memref<1x40x128xf32, #tpu.memory_space<vmem>> -> memref<40x128xf32, #tpu.memory_space<vmem>>
          %get3A_484 = arith.index_cast %add3A_237 : i32 to index
          %get3A_485 = arith.constant 96 : index
          %get3A_486 = tpu.vector_load %get3A_483[%get3A_484, %get3A_485] {strides = array<i32>} : memref<40x128xf32, #tpu.memory_space<vmem>>, vector<1x16xf32>,
          %get3A_487 = vector.shape_cast %get3A_486 : vector<1x16xf32> to vector<16xf32>
          %add3A_488 = arith.addf %add3A_479, %get3A_487 : vector<16xf32>
          %max3A_489 = arith.constant 0.000000e+00 : f32
          %max3A_490 = vector.broadcast %max3A_489 : f32 to vector<16xf32>
          %max3A_491 = arith.maximumf %add3A_488, %max3A_490 : vector<16xf32>
          %swap3A_492 = arith.constant 0 : i32
          %swap3A_493 = arith.constant 0 : i32
          %swap3A_494 = tpu.memref_slice %arg10[%scan3A_223, %swap3A_492, %swap3A_493] : memref<2x40x128xf32, #tpu.memory_space<vmem>> -> memref<1x40x128xf32, #tpu.memory_space<vmem>>
          %swap3A_495 = tpu.memref_squeeze %swap3A_494 : memref<1x40x128xf32, #tpu.memory_space<vmem>> -> memref<40x128xf32, #tpu.memory_space<vmem>>
          %swap3A_496 = arith.index_cast %add3A_237 : i32 to index
          %swap3A_497 = arith.constant 96 : index
          %swap3A_498 = tpu.vector_load %swap3A_495[%swap3A_496, %swap3A_497] {strides = array<i32>} : memref<40x128xf32, #tpu.memory_space<vmem>>, vector<1x16xf32>,
          %swap3A_499 = vector.shape_cast %swap3A_498 : vector<1x16xf32> to vector<16xf32>
          %swap3A_500 = vector.shape_cast %max3A_491 : vector<16xf32> to vector<1x16xf32>
          tpu.vector_store %swap3A_495[%swap3A_496, %swap3A_497], %swap3A_500 {strides = array<i32>} : memref<40x128xf32, #tpu.memory_space<vmem>>, vector<1x16xf32>,
          %get3A_501 = arith.constant 0 : i32
          %get3A_502 = arith.constant 0 : i32
          %get3A_503 = tpu.memref_slice %arg10[%scan3A_223, %get3A_501, %get3A_502] : memref<2x40x128xf32, #tpu.memory_space<vmem>> -> memref<1x40x128xf32, #tpu.memory_space<vmem>>
          %get3A_504 = tpu.memref_squeeze %get3A_503 : memref<1x40x128xf32, #tpu.memory_space<vmem>> -> memref<40x128xf32, #tpu.memory_space<vmem>>
          %get3A_505 = arith.index_cast %add3A_237 : i32 to index
          %get3A_506 = arith.constant 112 : index
          %get3A_507 = tpu.vector_load %get3A_504[%get3A_505, %get3A_506] {strides = array<i32>} : memref<40x128xf32, #tpu.memory_space<vmem>>, vector<1x16xf32>,
          %get3A_508 = vector.shape_cast %get3A_507 : vector<1x16xf32> to vector<16xf32>
          %get3A_509 = arith.constant 0 : i32
          %get3A_510 = arith.constant 0 : i32
          %get3A_511 = tpu.memref_slice %arg11[%scan3A_224, %get3A_509, %get3A_510] : memref<2x40x128xf32, #tpu.memory_space<vmem>> -> memref<1x40x128xf32, #tpu.memory_space<vmem>>
          %get3A_512 = tpu.memref_squeeze %get3A_511 : memref<1x40x128xf32, #tpu.memory_space<vmem>> -> memref<40x128xf32, #tpu.memory_space<vmem>>
          %get3A_513 = arith.index_cast %add3A_237 : i32 to index
          %get3A_514 = arith.constant 112 : index
          %get3A_515 = tpu.vector_load %get3A_512[%get3A_513, %get3A_514] {strides = array<i32>} : memref<40x128xf32, #tpu.memory_space<vmem>>, vector<1x16xf32>,
          %get3A_516 = vector.shape_cast %get3A_515 : vector<1x16xf32> to vector<16xf32>
          %add3A_517 = arith.addf %get3A_508, %get3A_516 : vector<16xf32>
          %get3A_518 = arith.constant 0 : i32
          %get3A_519 = arith.constant 0 : i32
          %get3A_520 = tpu.memref_slice %arg12[%scan3A_225, %get3A_518, %get3A_519] : memref<2x40x128xf32, #tpu.memory_space<vmem>> -> memref<1x40x128xf32, #tpu.memory_space<vmem>>
          %get3A_521 = tpu.memref_squeeze %get3A_520 : memref<1x40x128xf32, #tpu.memory_space<vmem>> -> memref<40x128xf32, #tpu.memory_space<vmem>>
          %get3A_522 = arith.index_cast %add3A_237 : i32 to index
          %get3A_523 = arith.constant 112 : index
          %get3A_524 = tpu.vector_load %get3A_521[%get3A_522, %get3A_523] {strides = array<i32>} : memref<40x128xf32, #tpu.memory_space<vmem>>, vector<1x16xf32>,
          %get3A_525 = vector.shape_cast %get3A_524 : vector<1x16xf32> to vector<16xf32>
          %add3A_526 = arith.addf %add3A_517, %get3A_525 : vector<16xf32>
          %max3A_527 = arith.constant 0.000000e+00 : f32
          %max3A_528 = vector.broadcast %max3A_527 : f32 to vector<16xf32>
          %max3A_529 = arith.maximumf %add3A_526, %max3A_528 : vector<16xf32>
          %swap3A_530 = arith.constant 0 : i32
          %swap3A_531 = arith.constant 0 : i32
          %swap3A_532 = tpu.memref_slice %arg10[%scan3A_223, %swap3A_530, %swap3A_531] : memref<2x40x128xf32, #tpu.memory_space<vmem>> -> memref<1x40x128xf32, #tpu.memory_space<vmem>>
          %swap3A_533 = tpu.memref_squeeze %swap3A_532 : memref<1x40x128xf32, #tpu.memory_space<vmem>> -> memref<40x128xf32, #tpu.memory_space<vmem>>
          %swap3A_534 = arith.index_cast %add3A_237 : i32 to index
          %swap3A_535 = arith.constant 112 : index
          %swap3A_536 = tpu.vector_load %swap3A_533[%swap3A_534, %swap3A_535] {strides = array<i32>} : memref<40x128xf32, #tpu.memory_space<vmem>>, vector<1x16xf32>,
          %swap3A_537 = vector.shape_cast %swap3A_536 : vector<1x16xf32> to vector<16xf32>
          %swap3A_538 = vector.shape_cast %max3A_529 : vector<16xf32> to vector<1x16xf32>
          tpu.vector_store %swap3A_533[%swap3A_534, %swap3A_535], %swap3A_538 {strides = array<i32>} : memref<40x128xf32, #tpu.memory_space<vmem>>, vector<1x16xf32>,
        }
        %scan3A_230 = arith.constant 40 : i32
        %run_scoped3A_231 = arith.constant 0 : i32
        %run_scoped3A_232 = arith.constant 0 : i32
        "tpu.region"() ({
          %run_scoped3A_233 = tpu.sem_alloc : memref<!tpu.dma_semaphore, #tpu.memory_space<semaphore_mem>>
          %dma_start3A_234 = arith.constant 0 : i32
          %dma_start3A_235 = arith.constant 0 : i32
          %dma_start3A_236 = tpu.memref_slice %arg10[%run_scoped3A_231, %dma_start3A_234, %dma_start3A_235] : memref<2x40x128xf32, #tpu.memory_space<vmem>> -> memref<1x40x128xf32, #tpu.memory_space<vmem>>
          %dma_start3A_237 = tpu.memref_squeeze %dma_start3A_236 : memref<1x40x128xf32, #tpu.memory_space<vmem>> -> memref<40x128xf32, #tpu.memory_space<vmem>>
          %dma_start3A_238 = arith.constant 0 : i32
          %dma_start3A_239 = tpu.memref_slice %arg9[%run_scoped3A_232, %dma_start3A_238] : memref<4x40xi32, #tpu.memory_space<vmem>> -> memref<1x40xi32, #tpu.memory_space<vmem>>
          %dma_start3A_240 = tpu.memref_squeeze %dma_start3A_239 : memref<1x40xi32, #tpu.memory_space<vmem>> -> memref<40xi32, #tpu.memory_space<vmem>>
          %dma_start3A_241 = arith.constant 0 : i32
          %dma_start3A_242 = arith.constant 0 : i32
          %dma_start3A_243 = tpu.memref_slice %arg13[%dma_start3A_241, %dma_start3A_242] : memref<10000x128xf32, #tpu.memory_space<vmem_shared>> -> memref<10000x128xf32, #tpu.memory_space<vmem_shared>>
          tpu.enqueue_indirect_dma source(%dma_start3A_237 : memref<40x128xf32, #tpu.memory_space<vmem>>) target(%dma_start3A_243 : memref<10000x128xf32, #tpu.memory_space<vmem_shared>>) offsets(%dma_start3A_240 : memref<40xi32, #tpu.memory_space<vmem>>) semaphore(%run_scoped3A_233 : memref<!tpu.dma_semaphore, #tpu.memory_space<semaphore_mem>>) {add = true}
          %dma_wait3A_244 = arith.constant 0 : i32
          %dma_wait3A_245 = arith.constant 0 : i32
          %dma_wait3A_246 = tpu.memref_slice %arg10[%run_scoped3A_231, %dma_wait3A_244, %dma_wait3A_245] : memref<2x40x128xf32, #tpu.memory_space<vmem>> -> memref<1x40x128xf32, #tpu.memory_space<vmem>>
          %dma_wait3A_247 = tpu.memref_squeeze %dma_wait3A_246 : memref<1x40x128xf32, #tpu.memory_space<vmem>> -> memref<40x128xf32, #tpu.memory_space<vmem>>
          %dma_wait3A_248 = arith.constant 0 : i32
          %dma_wait3A_249 = tpu.memref_slice %arg9[%run_scoped3A_232, %dma_wait3A_248] : memref<4x40xi32, #tpu.memory_space<vmem>> -> memref<1x40xi32, #tpu.memory_space<vmem>>
          %dma_wait3A_250 = tpu.memref_squeeze %dma_wait3A_249 : memref<1x40xi32, #tpu.memory_space<vmem>> -> memref<40xi32, #tpu.memory_space<vmem>>
          %dma_wait3A_251 = arith.constant 0 : i32
          %dma_wait3A_252 = arith.constant 0 : i32
          %dma_wait3A_253 = tpu.memref_slice %arg13[%dma_wait3A_251, %dma_wait3A_252] : memref<10000x128xf32, #tpu.memory_space<vmem_shared>> -> memref<10000x128xf32, #tpu.memory_space<vmem_shared>>
          tpu.wait_indirect_dma semaphore(%run_scoped3A_233 : memref<!tpu.dma_semaphore, #tpu.memory_space<semaphore_mem>>) src(%dma_wait3A_247 : memref<40x128xf32, #tpu.memory_space<vmem>>) dst(%dma_wait3A_253 : memref<10000x128xf32, #tpu.memory_space<vmem_shared>>)
          tpu.yield
        }) : () -> ()
      } else {
      }
      %add3A_146 = arith.constant 1 : i32
      %add3A_147 = arith.addi %add3A_139, %add3A_146 : i32
      %lt3A_148 = arith.constant 250 : i32
      %lt3A_149 = arith.cmpi slt, %add3A_147, %lt3A_148 : i32
      %convert_element_type3A_150 = arith.extui %lt3A_149 : i1 to i32
      %cond3A_151 = arith.constant 0 : i32
      %cond3A_152 = arith.cmpi ne, %convert_element_type3A_150, %cond3A_151 : i32
      scf.if %cond3A_152 {
        %add3A_167 = arith.constant 1 : i32
        %add3A_168 = arith.addi %add3A_147, %add3A_167 : i32
        %lt3A_169 = arith.constant 250 : i32
        %lt3A_170 = arith.cmpi slt, %add3A_168, %lt3A_169 : i32
        %convert_element_type3A_171 = arith.extui %lt3A_170 : i1 to i32
        %cond3A_172 = arith.constant 0 : i32
        %cond3A_173 = arith.cmpi ne, %convert_element_type3A_171, %cond3A_172 : i32
        scf.if %cond3A_173 {
          %add3A_233 = arith.constant 1 : i32
          %add3A_234 = arith.addi %add3A_147, %add3A_233 : i32
          %mul3A_235 = arith.constant 10000 : i32
          %mul3A_236 = arith.muli %add3A, %mul3A_235 : i32
          %mul3A_237 = arith.constant 40 : i32
          %mul3A_238 = arith.muli %add3A_234, %mul3A_237 : i32
          %add3A_239 = arith.addi %mul3A_236, %mul3A_238 : i32
          %dma_wait3A_240 = arith.constant 2 : i32
          %dma_wait3A_241 = arith.constant 0 : i32
          %dma_wait3A_242 = tpu.memref_slice %arg8[%dma_wait3A_240, %dma_wait3A_241] : memref<4x40xi32, #tpu.memory_space<vmem>> -> memref<1x40xi32, #tpu.memory_space<vmem>>
          %dma_wait3A_243 = tpu.memref_squeeze %dma_wait3A_242 : memref<1x40xi32, #tpu.memory_space<vmem>> -> memref<40xi32, #tpu.memory_space<vmem>>
          %dma_wait3A_244 = tpu.memref_slice %arg5[%add3A_239] : memref<320000xi32, #tpu.memory_space<hbm>> -> memref<40xi32, #tpu.memory_space<hbm>>
          %dma_wait3A_245 = arith.constant 0 : i32
          %dma_wait3A_246 = tpu.memref_slice %arg8[%dma_wait3A_240, %dma_wait3A_245] : memref<4x40xi32, #tpu.memory_space<vmem>> -> memref<1x40xi32, #tpu.memory_space<vmem>>
          %dma_wait3A_247 = tpu.memref_squeeze %dma_wait3A_246 : memref<1x40xi32, #tpu.memory_space<vmem>> -> memref<40xi32, #tpu.memory_space<vmem>>
          %dma_wait3A_248 = tpu.memref_slice %arg5[%add3A_239] : memref<320000xi32, #tpu.memory_space<hbm>> -> memref<40xi32, #tpu.memory_space<hbm>>
          tpu.wait_dma2 semaphore(%arg17 : memref<!tpu.dma_semaphore, #tpu.memory_space<semaphore_mem>>) src(%dma_wait3A_248 : memref<40xi32, #tpu.memory_space<hbm>>) dst(%dma_wait3A_247 : memref<40xi32, #tpu.memory_space<vmem>>)
          %dma_wait3A_249 = arith.constant 2 : i32
          %dma_wait3A_250 = arith.constant 0 : i32
          %dma_wait3A_251 = tpu.memref_slice %arg9[%dma_wait3A_249, %dma_wait3A_250] : memref<4x40xi32, #tpu.memory_space<vmem>> -> memref<1x40xi32, #tpu.memory_space<vmem>>
          %dma_wait3A_252 = tpu.memref_squeeze %dma_wait3A_251 : memref<1x40xi32, #tpu.memory_space<vmem>> -> memref<40xi32, #tpu.memory_space<vmem>>
          %dma_wait3A_253 = tpu.memref_slice %arg6[%add3A_239] : memref<320000xi32, #tpu.memory_space<hbm>> -> memref<40xi32, #tpu.memory_space<hbm>>
          %dma_wait3A_254 = arith.constant 0 : i32
          %dma_wait3A_255 = tpu.memref_slice %arg9[%dma_wait3A_249, %dma_wait3A_254] : memref<4x40xi32, #tpu.memory_space<vmem>> -> memref<1x40xi32, #tpu.memory_space<vmem>>
          %dma_wait3A_256 = tpu.memref_squeeze %dma_wait3A_255 : memref<1x40xi32, #tpu.memory_space<vmem>> -> memref<40xi32, #tpu.memory_space<vmem>>
          %dma_wait3A_257 = tpu.memref_slice %arg6[%add3A_239] : memref<320000xi32, #tpu.memory_space<hbm>> -> memref<40xi32, #tpu.memory_space<hbm>>
          tpu.wait_dma2 semaphore(%arg18 : memref<!tpu.dma_semaphore, #tpu.memory_space<semaphore_mem>>) src(%dma_wait3A_257 : memref<40xi32, #tpu.memory_space<hbm>>) dst(%dma_wait3A_256 : memref<40xi32, #tpu.memory_space<vmem>>)
          %add3A_258 = arith.constant 1 : i32
          %add3A_259 = arith.addi %add3A_147, %add3A_258 : i32
          %mul3A_260 = arith.constant 10000 : i32
          %mul3A_261 = arith.muli %add3A, %mul3A_260 : i32
          %mul3A_262 = arith.constant 40 : i32
          %mul3A_263 = arith.muli %add3A_259, %mul3A_262 : i32
          %add3A_264 = arith.addi %mul3A_261, %mul3A_263 : i32
          %dma_start3A_265 = arith.constant 2 : i32
          %dma_start3A_266 = arith.constant 0 : i32
          %dma_start3A_267 = arith.constant 0 : i32
          %dma_start3A_268 = arith.constant 0 : i32
          %dma_start3A_269 = tpu.memref_slice %arg10[%dma_start3A_266, %dma_start3A_267, %dma_start3A_268] : memref<2x40x128xf32, #tpu.memory_space<vmem>> -> memref<1x40x128xf32, #tpu.memory_space<vmem>>
          %dma_start3A_270 = tpu.memref_squeeze %dma_start3A_269 : memref<1x40x128xf32, #tpu.memory_space<vmem>> -> memref<40x128xf32, #tpu.memory_space<vmem>>
          %dma_start3A_271 = arith.constant 0 : i32
          %dma_start3A_272 = tpu.memref_slice %arg8[%dma_start3A_265, %dma_start3A_271] : memref<4x40xi32, #tpu.memory_space<vmem>> -> memref<1x40xi32, #tpu.memory_space<vmem>>
          %dma_start3A_273 = tpu.memref_squeeze %dma_start3A_272 : memref<1x40xi32, #tpu.memory_space<vmem>> -> memref<40xi32, #tpu.memory_space<vmem>>
          %dma_start3A_274 = arith.constant 0 : i32
          %dma_start3A_275 = arith.constant 0 : i32
          %dma_start3A_276 = tpu.memref_slice %arg2[%dma_start3A_274, %dma_start3A_275] : memref<10000x128xf32, #tpu.memory_space<hbm>> -> memref<10000x128xf32, #tpu.memory_space<hbm>>
          tpu.enqueue_indirect_dma source(%dma_start3A_276 : memref<10000x128xf32, #tpu.memory_space<hbm>>) target(%dma_start3A_270 : memref<40x128xf32, #tpu.memory_space<vmem>>) offsets(%dma_start3A_273 : memref<40xi32, #tpu.memory_space<vmem>>) semaphore(%arg14 : memref<!tpu.dma_semaphore, #tpu.memory_space<semaphore_mem>>)
          %dma_start3A_277 = arith.constant 2 : i32
          %dma_start3A_278 = arith.constant 0 : i32
          %dma_start3A_279 = arith.constant 0 : i32
          %dma_start3A_280 = arith.constant 0 : i32
          %dma_start3A_281 = tpu.memref_slice %arg11[%dma_start3A_278, %dma_start3A_279, %dma_start3A_280] : memref<2x40x128xf32, #tpu.memory_space<vmem>> -> memref<1x40x128xf32, #tpu.memory_space<vmem>>
          %dma_start3A_282 = tpu.memref_squeeze %dma_start3A_281 : memref<1x40x128xf32, #tpu.memory_space<vmem>> -> memref<40x128xf32, #tpu.memory_space<vmem>>
          %dma_start3A_283 = arith.constant 0 : i32
          %dma_start3A_284 = tpu.memref_slice %arg9[%dma_start3A_277, %dma_start3A_283] : memref<4x40xi32, #tpu.memory_space<vmem>> -> memref<1x40xi32, #tpu.memory_space<vmem>>
          %dma_start3A_285 = tpu.memref_squeeze %dma_start3A_284 : memref<1x40xi32, #tpu.memory_space<vmem>> -> memref<40xi32, #tpu.memory_space<vmem>>
          %dma_start3A_286 = arith.constant 0 : i32
          %dma_start3A_287 = arith.constant 0 : i32
          %dma_start3A_288 = tpu.memref_slice %arg3[%dma_start3A_286, %dma_start3A_287] : memref<10000x128xf32, #tpu.memory_space<hbm>> -> memref<10000x128xf32, #tpu.memory_space<hbm>>
          tpu.enqueue_indirect_dma source(%dma_start3A_288 : memref<10000x128xf32, #tpu.memory_space<hbm>>) target(%dma_start3A_282 : memref<40x128xf32, #tpu.memory_space<vmem>>) offsets(%dma_start3A_285 : memref<40xi32, #tpu.memory_space<vmem>>) semaphore(%arg15 : memref<!tpu.dma_semaphore, #tpu.memory_space<semaphore_mem>>)
          %dma_start3A_289 = arith.constant 0 : i32
          %dma_start3A_290 = arith.constant 0 : i32
          %dma_start3A_291 = arith.constant 0 : i32
          %dma_start3A_292 = tpu.memref_slice %arg12[%dma_start3A_289, %dma_start3A_290, %dma_start3A_291] : memref<2x40x128xf32, #tpu.memory_space<vmem>> -> memref<1x40x128xf32, #tpu.memory_space<vmem>>
          %dma_start3A_293 = tpu.memref_squeeze %dma_start3A_292 : memref<1x40x128xf32, #tpu.memory_space<vmem>> -> memref<40x128xf32, #tpu.memory_space<vmem>>
          %dma_start3A_294 = arith.constant 0 : i32
          %dma_start3A_295 = tpu.memref_slice %arg4[%add3A_264, %dma_start3A_294] : memref<320000x128xf32, #tpu.memory_space<hbm>> -> memref<40x128xf32, #tpu.memory_space<hbm>>
          %dma_start3A_296 = arith.constant 0 : i32
          %dma_start3A_297 = arith.constant 0 : i32
          %dma_start3A_298 = tpu.memref_slice %arg12[%dma_start3A_289, %dma_start3A_296, %dma_start3A_297] : memref<2x40x128xf32, #tpu.memory_space<vmem>> -> memref<1x40x128xf32, #tpu.memory_space<vmem>>
          %dma_start3A_299 = tpu.memref_squeeze %dma_start3A_298 : memref<1x40x128xf32, #tpu.memory_space<vmem>> -> memref<40x128xf32, #tpu.memory_space<vmem>>
          %dma_start3A_300 = arith.constant 0 : i32
          %dma_start3A_301 = tpu.memref_slice %arg4[%add3A_264, %dma_start3A_300] : memref<320000x128xf32, #tpu.memory_space<hbm>> -> memref<40x128xf32, #tpu.memory_space<hbm>>
          tpu.enqueue_dma source(%dma_start3A_301 : memref<40x128xf32, #tpu.memory_space<hbm>>) target(%dma_start3A_299 : memref<40x128xf32, #tpu.memory_space<vmem>>) target_semaphore(%arg16 : memref<!tpu.dma_semaphore, #tpu.memory_space<semaphore_mem>>)
        } else {
        }
        %add3A_174 = arith.constant 2 : i32
        %add3A_175 = arith.addi %add3A_147, %add3A_174 : i32
        %lt3A_176 = arith.constant 250 : i32
        %lt3A_177 = arith.cmpi slt, %add3A_175, %lt3A_176 : i32
        %convert_element_type3A_178 = arith.extui %lt3A_177 : i1 to i32
        %cond3A_179 = arith.constant 0 : i32
        %cond3A_180 = arith.cmpi ne, %convert_element_type3A_178, %cond3A_179 : i32
        scf.if %cond3A_180 {
          %add3A_233 = arith.constant 2 : i32
          %add3A_234 = arith.addi %add3A_147, %add3A_233 : i32
          %mul3A_235 = arith.constant 10000 : i32
          %mul3A_236 = arith.muli %add3A, %mul3A_235 : i32
          %mul3A_237 = arith.constant 40 : i32
          %mul3A_238 = arith.muli %add3A_234, %mul3A_237 : i32
          %add3A_239 = arith.addi %mul3A_236, %mul3A_238 : i32
          %dma_start3A_240 = arith.constant 3 : i32
          %dma_start3A_241 = arith.constant 0 : i32
          %dma_start3A_242 = tpu.memref_slice %arg8[%dma_start3A_240, %dma_start3A_241] : memref<4x40xi32, #tpu.memory_space<vmem>> -> memref<1x40xi32, #tpu.memory_space<vmem>>
          %dma_start3A_243 = tpu.memref_squeeze %dma_start3A_242 : memref<1x40xi32, #tpu.memory_space<vmem>> -> memref<40xi32, #tpu.memory_space<vmem>>
          %dma_start3A_244 = tpu.memref_slice %arg5[%add3A_239] : memref<320000xi32, #tpu.memory_space<hbm>> -> memref<40xi32, #tpu.memory_space<hbm>>
          %dma_start3A_245 = arith.constant 0 : i32
          %dma_start3A_246 = tpu.memref_slice %arg8[%dma_start3A_240, %dma_start3A_245] : memref<4x40xi32, #tpu.memory_space<vmem>> -> memref<1x40xi32, #tpu.memory_space<vmem>>
          %dma_start3A_247 = tpu.memref_squeeze %dma_start3A_246 : memref<1x40xi32, #tpu.memory_space<vmem>> -> memref<40xi32, #tpu.memory_space<vmem>>
          %dma_start3A_248 = tpu.memref_slice %arg5[%add3A_239] : memref<320000xi32, #tpu.memory_space<hbm>> -> memref<40xi32, #tpu.memory_space<hbm>>
          tpu.enqueue_dma source(%dma_start3A_248 : memref<40xi32, #tpu.memory_space<hbm>>) target(%dma_start3A_247 : memref<40xi32, #tpu.memory_space<vmem>>) target_semaphore(%arg17 : memref<!tpu.dma_semaphore, #tpu.memory_space<semaphore_mem>>)
          %dma_start3A_249 = arith.constant 3 : i32
          %dma_start3A_250 = arith.constant 0 : i32
          %dma_start3A_251 = tpu.memref_slice %arg9[%dma_start3A_249, %dma_start3A_250] : memref<4x40xi32, #tpu.memory_space<vmem>> -> memref<1x40xi32, #tpu.memory_space<vmem>>
          %dma_start3A_252 = tpu.memref_squeeze %dma_start3A_251 : memref<1x40xi32, #tpu.memory_space<vmem>> -> memref<40xi32, #tpu.memory_space<vmem>>
          %dma_start3A_253 = tpu.memref_slice %arg6[%add3A_239] : memref<320000xi32, #tpu.memory_space<hbm>> -> memref<40xi32, #tpu.memory_space<hbm>>
          %dma_start3A_254 = arith.constant 0 : i32
          %dma_start3A_255 = tpu.memref_slice %arg9[%dma_start3A_249, %dma_start3A_254] : memref<4x40xi32, #tpu.memory_space<vmem>> -> memref<1x40xi32, #tpu.memory_space<vmem>>
          %dma_start3A_256 = tpu.memref_squeeze %dma_start3A_255 : memref<1x40xi32, #tpu.memory_space<vmem>> -> memref<40xi32, #tpu.memory_space<vmem>>
          %dma_start3A_257 = tpu.memref_slice %arg6[%add3A_239] : memref<320000xi32, #tpu.memory_space<hbm>> -> memref<40xi32, #tpu.memory_space<hbm>>
          tpu.enqueue_dma source(%dma_start3A_257 : memref<40xi32, #tpu.memory_space<hbm>>) target(%dma_start3A_256 : memref<40xi32, #tpu.memory_space<vmem>>) target_semaphore(%arg18 : memref<!tpu.dma_semaphore, #tpu.memory_space<semaphore_mem>>)
        } else {
        }
        %mul3A_181 = arith.constant 10000 : i32
        %mul3A_182 = arith.muli %add3A, %mul3A_181 : i32
        %mul3A_183 = arith.constant 40 : i32
        %mul3A_184 = arith.muli %add3A_147, %mul3A_183 : i32
        %add3A_185 = arith.addi %mul3A_182, %mul3A_184 : i32
        %dma_wait3A_186 = arith.constant 1 : i32
        %dma_wait3A_187 = arith.constant 1 : i32
        %dma_wait3A_188 = arith.constant 0 : i32
        %dma_wait3A_189 = arith.constant 0 : i32
        %dma_wait3A_190 = tpu.memref_slice %arg10[%dma_wait3A_187, %dma_wait3A_188, %dma_wait3A_189] : memref<2x40x128xf32, #tpu.memory_space<vmem>> -> memref<1x40x128xf32, #tpu.memory_space<vmem>>
        %dma_wait3A_191 = tpu.memref_squeeze %dma_wait3A_190 : memref<1x40x128xf32, #tpu.memory_space<vmem>> -> memref<40x128xf32, #tpu.memory_space<vmem>>
        %dma_wait3A_192 = arith.constant 0 : i32
        %dma_wait3A_193 = tpu.memref_slice %arg8[%dma_wait3A_186, %dma_wait3A_192] : memref<4x40xi32, #tpu.memory_space<vmem>> -> memref<1x40xi32, #tpu.memory_space<vmem>>
        %dma_wait3A_194 = tpu.memref_squeeze %dma_wait3A_193 : memref<1x40xi32, #tpu.memory_space<vmem>> -> memref<40xi32, #tpu.memory_space<vmem>>
        %dma_wait3A_195 = arith.constant 0 : i32
        %dma_wait3A_196 = arith.constant 0 : i32
        %dma_wait3A_197 = tpu.memref_slice %arg2[%dma_wait3A_195, %dma_wait3A_196] : memref<10000x128xf32, #tpu.memory_space<hbm>> -> memref<10000x128xf32, #tpu.memory_space<hbm>>
        tpu.wait_indirect_dma semaphore(%arg14 : memref<!tpu.dma_semaphore, #tpu.memory_space<semaphore_mem>>) src(%dma_wait3A_197 : memref<10000x128xf32, #tpu.memory_space<hbm>>) dst(%dma_wait3A_191 : memref<40x128xf32, #tpu.memory_space<vmem>>)
        %dma_wait3A_198 = arith.constant 1 : i32
        %dma_wait3A_199 = arith.constant 1 : i32
        %dma_wait3A_200 = arith.constant 0 : i32
        %dma_wait3A_201 = arith.constant 0 : i32
        %dma_wait3A_202 = tpu.memref_slice %arg11[%dma_wait3A_199, %dma_wait3A_200, %dma_wait3A_201] : memref<2x40x128xf32, #tpu.memory_space<vmem>> -> memref<1x40x128xf32, #tpu.memory_space<vmem>>
        %dma_wait3A_203 = tpu.memref_squeeze %dma_wait3A_202 : memref<1x40x128xf32, #tpu.memory_space<vmem>> -> memref<40x128xf32, #tpu.memory_space<vmem>>
        %dma_wait3A_204 = arith.constant 0 : i32
        %dma_wait3A_205 = tpu.memref_slice %arg9[%dma_wait3A_198, %dma_wait3A_204] : memref<4x40xi32, #tpu.memory_space<vmem>> -> memref<1x40xi32, #tpu.memory_space<vmem>>
        %dma_wait3A_206 = tpu.memref_squeeze %dma_wait3A_205 : memref<1x40xi32, #tpu.memory_space<vmem>> -> memref<40xi32, #tpu.memory_space<vmem>>
        %dma_wait3A_207 = arith.constant 0 : i32
        %dma_wait3A_208 = arith.constant 0 : i32
        %dma_wait3A_209 = tpu.memref_slice %arg3[%dma_wait3A_207, %dma_wait3A_208] : memref<10000x128xf32, #tpu.memory_space<hbm>> -> memref<10000x128xf32, #tpu.memory_space<hbm>>
        tpu.wait_indirect_dma semaphore(%arg15 : memref<!tpu.dma_semaphore, #tpu.memory_space<semaphore_mem>>) src(%dma_wait3A_209 : memref<10000x128xf32, #tpu.memory_space<hbm>>) dst(%dma_wait3A_203 : memref<40x128xf32, #tpu.memory_space<vmem>>)
        %dma_wait3A_210 = arith.constant 1 : i32
        %dma_wait3A_211 = arith.constant 0 : i32
        %dma_wait3A_212 = arith.constant 0 : i32
        %dma_wait3A_213 = tpu.memref_slice %arg12[%dma_wait3A_210, %dma_wait3A_211, %dma_wait3A_212] : memref<2x40x128xf32, #tpu.memory_space<vmem>> -> memref<1x40x128xf32, #tpu.memory_space<vmem>>
        %dma_wait3A_214 = tpu.memref_squeeze %dma_wait3A_213 : memref<1x40x128xf32, #tpu.memory_space<vmem>> -> memref<40x128xf32, #tpu.memory_space<vmem>>
        %dma_wait3A_215 = arith.constant 0 : i32
        %dma_wait3A_216 = tpu.memref_slice %arg4[%add3A_185, %dma_wait3A_215] : memref<320000x128xf32, #tpu.memory_space<hbm>> -> memref<40x128xf32, #tpu.memory_space<hbm>>
        %dma_wait3A_217 = arith.constant 0 : i32
        %dma_wait3A_218 = arith.constant 0 : i32
        %dma_wait3A_219 = tpu.memref_slice %arg12[%dma_wait3A_210, %dma_wait3A_217, %dma_wait3A_218] : memref<2x40x128xf32, #tpu.memory_space<vmem>> -> memref<1x40x128xf32, #tpu.memory_space<vmem>>
        %dma_wait3A_220 = tpu.memref_squeeze %dma_wait3A_219 : memref<1x40x128xf32, #tpu.memory_space<vmem>> -> memref<40x128xf32, #tpu.memory_space<vmem>>
        %dma_wait3A_221 = arith.constant 0 : i32
        %dma_wait3A_222 = tpu.memref_slice %arg4[%add3A_185, %dma_wait3A_221] : memref<320000x128xf32, #tpu.memory_space<hbm>> -> memref<40x128xf32, #tpu.memory_space<hbm>>
        tpu.wait_dma2 semaphore(%arg16 : memref<!tpu.dma_semaphore, #tpu.memory_space<semaphore_mem>>) src(%dma_wait3A_222 : memref<40x128xf32, #tpu.memory_space<hbm>>) dst(%dma_wait3A_220 : memref<40x128xf32, #tpu.memory_space<vmem>>)
        %scan3A_223 = arith.constant 1 : i32
        %scan3A_224 = arith.constant 1 : i32
        %scan3A_225 = arith.constant 1 : i32
        %scan3A_226 = arith.constant 0 : i32
        %scan3A_227 = arith.constant 40 : i32
        %scan3A_228 = arith.addi %scan3A_226, %scan3A_227 : i32
        %scan3A_229 = arith.constant 1 : i32
        scf.for %scan3A_233 = %scan3A_226 to %scan3A_228 step %scan3A_229  : i32 {
          %mul3A_234 = arith.constant 1 : i32
          %mul3A_235 = arith.muli %scan3A_233, %mul3A_234 : i32
          %add3A_236 = arith.constant 0 : i32
          %add3A_237 = arith.addi %add3A_236, %mul3A_235 : i32
          %get3A = arith.constant 0 : i32
          %get3A_238 = arith.constant 0 : i32
          %get3A_239 = tpu.memref_slice %arg10[%scan3A_223, %get3A, %get3A_238] : memref<2x40x128xf32, #tpu.memory_space<vmem>> -> memref<1x40x128xf32, #tpu.memory_space<vmem>>
          %get3A_240 = tpu.memref_squeeze %get3A_239 : memref<1x40x128xf32, #tpu.memory_space<vmem>> -> memref<40x128xf32, #tpu.memory_space<vmem>>
          %get3A_241 = arith.index_cast %add3A_237 : i32 to index
          %get3A_242 = arith.constant 0 : index
          %get3A_243 = tpu.vector_load %get3A_240[%get3A_241, %get3A_242] {strides = array<i32>} : memref<40x128xf32, #tpu.memory_space<vmem>>, vector<1x16xf32>,
          %get3A_244 = vector.shape_cast %get3A_243 : vector<1x16xf32> to vector<16xf32>
          %get3A_245 = arith.constant 0 : i32
          %get3A_246 = arith.constant 0 : i32
          %get3A_247 = tpu.memref_slice %arg11[%scan3A_224, %get3A_245, %get3A_246] : memref<2x40x128xf32, #tpu.memory_space<vmem>> -> memref<1x40x128xf32, #tpu.memory_space<vmem>>
          %get3A_248 = tpu.memref_squeeze %get3A_247 : memref<1x40x128xf32, #tpu.memory_space<vmem>> -> memref<40x128xf32, #tpu.memory_space<vmem>>
          %get3A_249 = arith.index_cast %add3A_237 : i32 to index
          %get3A_250 = arith.constant 0 : index
          %get3A_251 = tpu.vector_load %get3A_248[%get3A_249, %get3A_250] {strides = array<i32>} : memref<40x128xf32, #tpu.memory_space<vmem>>, vector<1x16xf32>,
          %get3A_252 = vector.shape_cast %get3A_251 : vector<1x16xf32> to vector<16xf32>
          %add3A_253 = arith.addf %get3A_244, %get3A_252 : vector<16xf32>
          %get3A_254 = arith.constant 0 : i32
          %get3A_255 = arith.constant 0 : i32
          %get3A_256 = tpu.memref_slice %arg12[%scan3A_225, %get3A_254, %get3A_255] : memref<2x40x128xf32, #tpu.memory_space<vmem>> -> memref<1x40x128xf32, #tpu.memory_space<vmem>>
          %get3A_257 = tpu.memref_squeeze %get3A_256 : memref<1x40x128xf32, #tpu.memory_space<vmem>> -> memref<40x128xf32, #tpu.memory_space<vmem>>
          %get3A_258 = arith.index_cast %add3A_237 : i32 to index
          %get3A_259 = arith.constant 0 : index
          %get3A_260 = tpu.vector_load %get3A_257[%get3A_258, %get3A_259] {strides = array<i32>} : memref<40x128xf32, #tpu.memory_space<vmem>>, vector<1x16xf32>,
          %get3A_261 = vector.shape_cast %get3A_260 : vector<1x16xf32> to vector<16xf32>
          %add3A_262 = arith.addf %add3A_253, %get3A_261 : vector<16xf32>
          %max3A = arith.constant 0.000000e+00 : f32
          %max3A_263 = vector.broadcast %max3A : f32 to vector<16xf32>
          %max3A_264 = arith.maximumf %add3A_262, %max3A_263 : vector<16xf32>
          %swap3A = arith.constant 0 : i32
          %swap3A_265 = arith.constant 0 : i32
          %swap3A_266 = tpu.memref_slice %arg10[%scan3A_223, %swap3A, %swap3A_265] : memref<2x40x128xf32, #tpu.memory_space<vmem>> -> memref<1x40x128xf32, #tpu.memory_space<vmem>>
          %swap3A_267 = tpu.memref_squeeze %swap3A_266 : memref<1x40x128xf32, #tpu.memory_space<vmem>> -> memref<40x128xf32, #tpu.memory_space<vmem>>
          %swap3A_268 = arith.index_cast %add3A_237 : i32 to index
          %swap3A_269 = arith.constant 0 : index
          %swap3A_270 = tpu.vector_load %swap3A_267[%swap3A_268, %swap3A_269] {strides = array<i32>} : memref<40x128xf32, #tpu.memory_space<vmem>>, vector<1x16xf32>,
          %swap3A_271 = vector.shape_cast %swap3A_270 : vector<1x16xf32> to vector<16xf32>
          %swap3A_272 = vector.shape_cast %max3A_264 : vector<16xf32> to vector<1x16xf32>
          tpu.vector_store %swap3A_267[%swap3A_268, %swap3A_269], %swap3A_272 {strides = array<i32>} : memref<40x128xf32, #tpu.memory_space<vmem>>, vector<1x16xf32>,
          %get3A_273 = arith.constant 0 : i32
          %get3A_274 = arith.constant 0 : i32
          %get3A_275 = tpu.memref_slice %arg10[%scan3A_223, %get3A_273, %get3A_274] : memref<2x40x128xf32, #tpu.memory_space<vmem>> -> memref<1x40x128xf32, #tpu.memory_space<vmem>>
          %get3A_276 = tpu.memref_squeeze %get3A_275 : memref<1x40x128xf32, #tpu.memory_space<vmem>> -> memref<40x128xf32, #tpu.memory_space<vmem>>
          %get3A_277 = arith.index_cast %add3A_237 : i32 to index
          %get3A_278 = arith.constant 16 : index
          %get3A_279 = tpu.vector_load %get3A_276[%get3A_277, %get3A_278] {strides = array<i32>} : memref<40x128xf32, #tpu.memory_space<vmem>>, vector<1x16xf32>,
          %get3A_280 = vector.shape_cast %get3A_279 : vector<1x16xf32> to vector<16xf32>
          %get3A_281 = arith.constant 0 : i32
          %get3A_282 = arith.constant 0 : i32
          %get3A_283 = tpu.memref_slice %arg11[%scan3A_224, %get3A_281, %get3A_282] : memref<2x40x128xf32, #tpu.memory_space<vmem>> -> memref<1x40x128xf32, #tpu.memory_space<vmem>>
          %get3A_284 = tpu.memref_squeeze %get3A_283 : memref<1x40x128xf32, #tpu.memory_space<vmem>> -> memref<40x128xf32, #tpu.memory_space<vmem>>
          %get3A_285 = arith.index_cast %add3A_237 : i32 to index
          %get3A_286 = arith.constant 16 : index
          %get3A_287 = tpu.vector_load %get3A_284[%get3A_285, %get3A_286] {strides = array<i32>} : memref<40x128xf32, #tpu.memory_space<vmem>>, vector<1x16xf32>,
          %get3A_288 = vector.shape_cast %get3A_287 : vector<1x16xf32> to vector<16xf32>
          %add3A_289 = arith.addf %get3A_280, %get3A_288 : vector<16xf32>
          %get3A_290 = arith.constant 0 : i32
          %get3A_291 = arith.constant 0 : i32
          %get3A_292 = tpu.memref_slice %arg12[%scan3A_225, %get3A_290, %get3A_291] : memref<2x40x128xf32, #tpu.memory_space<vmem>> -> memref<1x40x128xf32, #tpu.memory_space<vmem>>
          %get3A_293 = tpu.memref_squeeze %get3A_292 : memref<1x40x128xf32, #tpu.memory_space<vmem>> -> memref<40x128xf32, #tpu.memory_space<vmem>>
          %get3A_294 = arith.index_cast %add3A_237 : i32 to index
          %get3A_295 = arith.constant 16 : index
          %get3A_296 = tpu.vector_load %get3A_293[%get3A_294, %get3A_295] {strides = array<i32>} : memref<40x128xf32, #tpu.memory_space<vmem>>, vector<1x16xf32>,
          %get3A_297 = vector.shape_cast %get3A_296 : vector<1x16xf32> to vector<16xf32>
          %add3A_298 = arith.addf %add3A_289, %get3A_297 : vector<16xf32>
          %max3A_299 = arith.constant 0.000000e+00 : f32
          %max3A_300 = vector.broadcast %max3A_299 : f32 to vector<16xf32>
          %max3A_301 = arith.maximumf %add3A_298, %max3A_300 : vector<16xf32>
          %swap3A_302 = arith.constant 0 : i32
          %swap3A_303 = arith.constant 0 : i32
          %swap3A_304 = tpu.memref_slice %arg10[%scan3A_223, %swap3A_302, %swap3A_303] : memref<2x40x128xf32, #tpu.memory_space<vmem>> -> memref<1x40x128xf32, #tpu.memory_space<vmem>>
          %swap3A_305 = tpu.memref_squeeze %swap3A_304 : memref<1x40x128xf32, #tpu.memory_space<vmem>> -> memref<40x128xf32, #tpu.memory_space<vmem>>
          %swap3A_306 = arith.index_cast %add3A_237 : i32 to index
          %swap3A_307 = arith.constant 16 : index
          %swap3A_308 = tpu.vector_load %swap3A_305[%swap3A_306, %swap3A_307] {strides = array<i32>} : memref<40x128xf32, #tpu.memory_space<vmem>>, vector<1x16xf32>,
          %swap3A_309 = vector.shape_cast %swap3A_308 : vector<1x16xf32> to vector<16xf32>
          %swap3A_310 = vector.shape_cast %max3A_301 : vector<16xf32> to vector<1x16xf32>
          tpu.vector_store %swap3A_305[%swap3A_306, %swap3A_307], %swap3A_310 {strides = array<i32>} : memref<40x128xf32, #tpu.memory_space<vmem>>, vector<1x16xf32>,
          %get3A_311 = arith.constant 0 : i32
          %get3A_312 = arith.constant 0 : i32
          %get3A_313 = tpu.memref_slice %arg10[%scan3A_223, %get3A_311, %get3A_312] : memref<2x40x128xf32, #tpu.memory_space<vmem>> -> memref<1x40x128xf32, #tpu.memory_space<vmem>>
          %get3A_314 = tpu.memref_squeeze %get3A_313 : memref<1x40x128xf32, #tpu.memory_space<vmem>> -> memref<40x128xf32, #tpu.memory_space<vmem>>
          %get3A_315 = arith.index_cast %add3A_237 : i32 to index
          %get3A_316 = arith.constant 32 : index
          %get3A_317 = tpu.vector_load %get3A_314[%get3A_315, %get3A_316] {strides = array<i32>} : memref<40x128xf32, #tpu.memory_space<vmem>>, vector<1x16xf32>,
          %get3A_318 = vector.shape_cast %get3A_317 : vector<1x16xf32> to vector<16xf32>
          %get3A_319 = arith.constant 0 : i32
          %get3A_320 = arith.constant 0 : i32
          %get3A_321 = tpu.memref_slice %arg11[%scan3A_224, %get3A_319, %get3A_320] : memref<2x40x128xf32, #tpu.memory_space<vmem>> -> memref<1x40x128xf32, #tpu.memory_space<vmem>>
          %get3A_322 = tpu.memref_squeeze %get3A_321 : memref<1x40x128xf32, #tpu.memory_space<vmem>> -> memref<40x128xf32, #tpu.memory_space<vmem>>
          %get3A_323 = arith.index_cast %add3A_237 : i32 to index
          %get3A_324 = arith.constant 32 : index
          %get3A_325 = tpu.vector_load %get3A_322[%get3A_323, %get3A_324] {strides = array<i32>} : memref<40x128xf32, #tpu.memory_space<vmem>>, vector<1x16xf32>,
          %get3A_326 = vector.shape_cast %get3A_325 : vector<1x16xf32> to vector<16xf32>
          %add3A_327 = arith.addf %get3A_318, %get3A_326 : vector<16xf32>
          %get3A_328 = arith.constant 0 : i32
          %get3A_329 = arith.constant 0 : i32
          %get3A_330 = tpu.memref_slice %arg12[%scan3A_225, %get3A_328, %get3A_329] : memref<2x40x128xf32, #tpu.memory_space<vmem>> -> memref<1x40x128xf32, #tpu.memory_space<vmem>>
          %get3A_331 = tpu.memref_squeeze %get3A_330 : memref<1x40x128xf32, #tpu.memory_space<vmem>> -> memref<40x128xf32, #tpu.memory_space<vmem>>
          %get3A_332 = arith.index_cast %add3A_237 : i32 to index
          %get3A_333 = arith.constant 32 : index
          %get3A_334 = tpu.vector_load %get3A_331[%get3A_332, %get3A_333] {strides = array<i32>} : memref<40x128xf32, #tpu.memory_space<vmem>>, vector<1x16xf32>,
          %get3A_335 = vector.shape_cast %get3A_334 : vector<1x16xf32> to vector<16xf32>
          %add3A_336 = arith.addf %add3A_327, %get3A_335 : vector<16xf32>
          %max3A_337 = arith.constant 0.000000e+00 : f32
          %max3A_338 = vector.broadcast %max3A_337 : f32 to vector<16xf32>
          %max3A_339 = arith.maximumf %add3A_336, %max3A_338 : vector<16xf32>
          %swap3A_340 = arith.constant 0 : i32
          %swap3A_341 = arith.constant 0 : i32
          %swap3A_342 = tpu.memref_slice %arg10[%scan3A_223, %swap3A_340, %swap3A_341] : memref<2x40x128xf32, #tpu.memory_space<vmem>> -> memref<1x40x128xf32, #tpu.memory_space<vmem>>
          %swap3A_343 = tpu.memref_squeeze %swap3A_342 : memref<1x40x128xf32, #tpu.memory_space<vmem>> -> memref<40x128xf32, #tpu.memory_space<vmem>>
          %swap3A_344 = arith.index_cast %add3A_237 : i32 to index
          %swap3A_345 = arith.constant 32 : index
          %swap3A_346 = tpu.vector_load %swap3A_343[%swap3A_344, %swap3A_345] {strides = array<i32>} : memref<40x128xf32, #tpu.memory_space<vmem>>, vector<1x16xf32>,
          %swap3A_347 = vector.shape_cast %swap3A_346 : vector<1x16xf32> to vector<16xf32>
          %swap3A_348 = vector.shape_cast %max3A_339 : vector<16xf32> to vector<1x16xf32>
          tpu.vector_store %swap3A_343[%swap3A_344, %swap3A_345], %swap3A_348 {strides = array<i32>} : memref<40x128xf32, #tpu.memory_space<vmem>>, vector<1x16xf32>,
          %get3A_349 = arith.constant 0 : i32
          %get3A_350 = arith.constant 0 : i32
          %get3A_351 = tpu.memref_slice %arg10[%scan3A_223, %get3A_349, %get3A_350] : memref<2x40x128xf32, #tpu.memory_space<vmem>> -> memref<1x40x128xf32, #tpu.memory_space<vmem>>
          %get3A_352 = tpu.memref_squeeze %get3A_351 : memref<1x40x128xf32, #tpu.memory_space<vmem>> -> memref<40x128xf32, #tpu.memory_space<vmem>>
          %get3A_353 = arith.index_cast %add3A_237 : i32 to index
          %get3A_354 = arith.constant 48 : index
          %get3A_355 = tpu.vector_load %get3A_352[%get3A_353, %get3A_354] {strides = array<i32>} : memref<40x128xf32, #tpu.memory_space<vmem>>, vector<1x16xf32>,
          %get3A_356 = vector.shape_cast %get3A_355 : vector<1x16xf32> to vector<16xf32>
          %get3A_357 = arith.constant 0 : i32
          %get3A_358 = arith.constant 0 : i32
          %get3A_359 = tpu.memref_slice %arg11[%scan3A_224, %get3A_357, %get3A_358] : memref<2x40x128xf32, #tpu.memory_space<vmem>> -> memref<1x40x128xf32, #tpu.memory_space<vmem>>
          %get3A_360 = tpu.memref_squeeze %get3A_359 : memref<1x40x128xf32, #tpu.memory_space<vmem>> -> memref<40x128xf32, #tpu.memory_space<vmem>>
          %get3A_361 = arith.index_cast %add3A_237 : i32 to index
          %get3A_362 = arith.constant 48 : index
          %get3A_363 = tpu.vector_load %get3A_360[%get3A_361, %get3A_362] {strides = array<i32>} : memref<40x128xf32, #tpu.memory_space<vmem>>, vector<1x16xf32>,
          %get3A_364 = vector.shape_cast %get3A_363 : vector<1x16xf32> to vector<16xf32>
          %add3A_365 = arith.addf %get3A_356, %get3A_364 : vector<16xf32>
          %get3A_366 = arith.constant 0 : i32
          %get3A_367 = arith.constant 0 : i32
          %get3A_368 = tpu.memref_slice %arg12[%scan3A_225, %get3A_366, %get3A_367] : memref<2x40x128xf32, #tpu.memory_space<vmem>> -> memref<1x40x128xf32, #tpu.memory_space<vmem>>
          %get3A_369 = tpu.memref_squeeze %get3A_368 : memref<1x40x128xf32, #tpu.memory_space<vmem>> -> memref<40x128xf32, #tpu.memory_space<vmem>>
          %get3A_370 = arith.index_cast %add3A_237 : i32 to index
          %get3A_371 = arith.constant 48 : index
          %get3A_372 = tpu.vector_load %get3A_369[%get3A_370, %get3A_371] {strides = array<i32>} : memref<40x128xf32, #tpu.memory_space<vmem>>, vector<1x16xf32>,
          %get3A_373 = vector.shape_cast %get3A_372 : vector<1x16xf32> to vector<16xf32>
          %add3A_374 = arith.addf %add3A_365, %get3A_373 : vector<16xf32>
          %max3A_375 = arith.constant 0.000000e+00 : f32
          %max3A_376 = vector.broadcast %max3A_375 : f32 to vector<16xf32>
          %max3A_377 = arith.maximumf %add3A_374, %max3A_376 : vector<16xf32>
          %swap3A_378 = arith.constant 0 : i32
          %swap3A_379 = arith.constant 0 : i32
          %swap3A_380 = tpu.memref_slice %arg10[%scan3A_223, %swap3A_378, %swap3A_379] : memref<2x40x128xf32, #tpu.memory_space<vmem>> -> memref<1x40x128xf32, #tpu.memory_space<vmem>>
          %swap3A_381 = tpu.memref_squeeze %swap3A_380 : memref<1x40x128xf32, #tpu.memory_space<vmem>> -> memref<40x128xf32, #tpu.memory_space<vmem>>
          %swap3A_382 = arith.index_cast %add3A_237 : i32 to index
          %swap3A_383 = arith.constant 48 : index
          %swap3A_384 = tpu.vector_load %swap3A_381[%swap3A_382, %swap3A_383] {strides = array<i32>} : memref<40x128xf32, #tpu.memory_space<vmem>>, vector<1x16xf32>,
          %swap3A_385 = vector.shape_cast %swap3A_384 : vector<1x16xf32> to vector<16xf32>
          %swap3A_386 = vector.shape_cast %max3A_377 : vector<16xf32> to vector<1x16xf32>
          tpu.vector_store %swap3A_381[%swap3A_382, %swap3A_383], %swap3A_386 {strides = array<i32>} : memref<40x128xf32, #tpu.memory_space<vmem>>, vector<1x16xf32>,
          %get3A_387 = arith.constant 0 : i32
          %get3A_388 = arith.constant 0 : i32
          %get3A_389 = tpu.memref_slice %arg10[%scan3A_223, %get3A_387, %get3A_388] : memref<2x40x128xf32, #tpu.memory_space<vmem>> -> memref<1x40x128xf32, #tpu.memory_space<vmem>>
          %get3A_390 = tpu.memref_squeeze %get3A_389 : memref<1x40x128xf32, #tpu.memory_space<vmem>> -> memref<40x128xf32, #tpu.memory_space<vmem>>
          %get3A_391 = arith.index_cast %add3A_237 : i32 to index
          %get3A_392 = arith.constant 64 : index
          %get3A_393 = tpu.vector_load %get3A_390[%get3A_391, %get3A_392] {strides = array<i32>} : memref<40x128xf32, #tpu.memory_space<vmem>>, vector<1x16xf32>,
          %get3A_394 = vector.shape_cast %get3A_393 : vector<1x16xf32> to vector<16xf32>
          %get3A_395 = arith.constant 0 : i32
          %get3A_396 = arith.constant 0 : i32
          %get3A_397 = tpu.memref_slice %arg11[%scan3A_224, %get3A_395, %get3A_396] : memref<2x40x128xf32, #tpu.memory_space<vmem>> -> memref<1x40x128xf32, #tpu.memory_space<vmem>>
          %get3A_398 = tpu.memref_squeeze %get3A_397 : memref<1x40x128xf32, #tpu.memory_space<vmem>> -> memref<40x128xf32, #tpu.memory_space<vmem>>
          %get3A_399 = arith.index_cast %add3A_237 : i32 to index
          %get3A_400 = arith.constant 64 : index
          %get3A_401 = tpu.vector_load %get3A_398[%get3A_399, %get3A_400] {strides = array<i32>} : memref<40x128xf32, #tpu.memory_space<vmem>>, vector<1x16xf32>,
          %get3A_402 = vector.shape_cast %get3A_401 : vector<1x16xf32> to vector<16xf32>
          %add3A_403 = arith.addf %get3A_394, %get3A_402 : vector<16xf32>
          %get3A_404 = arith.constant 0 : i32
          %get3A_405 = arith.constant 0 : i32
          %get3A_406 = tpu.memref_slice %arg12[%scan3A_225, %get3A_404, %get3A_405] : memref<2x40x128xf32, #tpu.memory_space<vmem>> -> memref<1x40x128xf32, #tpu.memory_space<vmem>>
          %get3A_407 = tpu.memref_squeeze %get3A_406 : memref<1x40x128xf32, #tpu.memory_space<vmem>> -> memref<40x128xf32, #tpu.memory_space<vmem>>
          %get3A_408 = arith.index_cast %add3A_237 : i32 to index
          %get3A_409 = arith.constant 64 : index
          %get3A_410 = tpu.vector_load %get3A_407[%get3A_408, %get3A_409] {strides = array<i32>} : memref<40x128xf32, #tpu.memory_space<vmem>>, vector<1x16xf32>,
          %get3A_411 = vector.shape_cast %get3A_410 : vector<1x16xf32> to vector<16xf32>
          %add3A_412 = arith.addf %add3A_403, %get3A_411 : vector<16xf32>
          %max3A_413 = arith.constant 0.000000e+00 : f32
          %max3A_414 = vector.broadcast %max3A_413 : f32 to vector<16xf32>
          %max3A_415 = arith.maximumf %add3A_412, %max3A_414 : vector<16xf32>
          %swap3A_416 = arith.constant 0 : i32
          %swap3A_417 = arith.constant 0 : i32
          %swap3A_418 = tpu.memref_slice %arg10[%scan3A_223, %swap3A_416, %swap3A_417] : memref<2x40x128xf32, #tpu.memory_space<vmem>> -> memref<1x40x128xf32, #tpu.memory_space<vmem>>
          %swap3A_419 = tpu.memref_squeeze %swap3A_418 : memref<1x40x128xf32, #tpu.memory_space<vmem>> -> memref<40x128xf32, #tpu.memory_space<vmem>>
          %swap3A_420 = arith.index_cast %add3A_237 : i32 to index
          %swap3A_421 = arith.constant 64 : index
          %swap3A_422 = tpu.vector_load %swap3A_419[%swap3A_420, %swap3A_421] {strides = array<i32>} : memref<40x128xf32, #tpu.memory_space<vmem>>, vector<1x16xf32>,
          %swap3A_423 = vector.shape_cast %swap3A_422 : vector<1x16xf32> to vector<16xf32>
          %swap3A_424 = vector.shape_cast %max3A_415 : vector<16xf32> to vector<1x16xf32>
          tpu.vector_store %swap3A_419[%swap3A_420, %swap3A_421], %swap3A_424 {strides = array<i32>} : memref<40x128xf32, #tpu.memory_space<vmem>>, vector<1x16xf32>,
          %get3A_425 = arith.constant 0 : i32
          %get3A_426 = arith.constant 0 : i32
          %get3A_427 = tpu.memref_slice %arg10[%scan3A_223, %get3A_425, %get3A_426] : memref<2x40x128xf32, #tpu.memory_space<vmem>> -> memref<1x40x128xf32, #tpu.memory_space<vmem>>
          %get3A_428 = tpu.memref_squeeze %get3A_427 : memref<1x40x128xf32, #tpu.memory_space<vmem>> -> memref<40x128xf32, #tpu.memory_space<vmem>>
          %get3A_429 = arith.index_cast %add3A_237 : i32 to index
          %get3A_430 = arith.constant 80 : index
          %get3A_431 = tpu.vector_load %get3A_428[%get3A_429, %get3A_430] {strides = array<i32>} : memref<40x128xf32, #tpu.memory_space<vmem>>, vector<1x16xf32>,
          %get3A_432 = vector.shape_cast %get3A_431 : vector<1x16xf32> to vector<16xf32>
          %get3A_433 = arith.constant 0 : i32
          %get3A_434 = arith.constant 0 : i32
          %get3A_435 = tpu.memref_slice %arg11[%scan3A_224, %get3A_433, %get3A_434] : memref<2x40x128xf32, #tpu.memory_space<vmem>> -> memref<1x40x128xf32, #tpu.memory_space<vmem>>
          %get3A_436 = tpu.memref_squeeze %get3A_435 : memref<1x40x128xf32, #tpu.memory_space<vmem>> -> memref<40x128xf32, #tpu.memory_space<vmem>>
          %get3A_437 = arith.index_cast %add3A_237 : i32 to index
          %get3A_438 = arith.constant 80 : index
          %get3A_439 = tpu.vector_load %get3A_436[%get3A_437, %get3A_438] {strides = array<i32>} : memref<40x128xf32, #tpu.memory_space<vmem>>, vector<1x16xf32>,
          %get3A_440 = vector.shape_cast %get3A_439 : vector<1x16xf32> to vector<16xf32>
          %add3A_441 = arith.addf %get3A_432, %get3A_440 : vector<16xf32>
          %get3A_442 = arith.constant 0 : i32
          %get3A_443 = arith.constant 0 : i32
          %get3A_444 = tpu.memref_slice %arg12[%scan3A_225, %get3A_442, %get3A_443] : memref<2x40x128xf32, #tpu.memory_space<vmem>> -> memref<1x40x128xf32, #tpu.memory_space<vmem>>
          %get3A_445 = tpu.memref_squeeze %get3A_444 : memref<1x40x128xf32, #tpu.memory_space<vmem>> -> memref<40x128xf32, #tpu.memory_space<vmem>>
          %get3A_446 = arith.index_cast %add3A_237 : i32 to index
          %get3A_447 = arith.constant 80 : index
          %get3A_448 = tpu.vector_load %get3A_445[%get3A_446, %get3A_447] {strides = array<i32>} : memref<40x128xf32, #tpu.memory_space<vmem>>, vector<1x16xf32>,
          %get3A_449 = vector.shape_cast %get3A_448 : vector<1x16xf32> to vector<16xf32>
          %add3A_450 = arith.addf %add3A_441, %get3A_449 : vector<16xf32>
          %max3A_451 = arith.constant 0.000000e+00 : f32
          %max3A_452 = vector.broadcast %max3A_451 : f32 to vector<16xf32>
          %max3A_453 = arith.maximumf %add3A_450, %max3A_452 : vector<16xf32>
          %swap3A_454 = arith.constant 0 : i32
          %swap3A_455 = arith.constant 0 : i32
          %swap3A_456 = tpu.memref_slice %arg10[%scan3A_223, %swap3A_454, %swap3A_455] : memref<2x40x128xf32, #tpu.memory_space<vmem>> -> memref<1x40x128xf32, #tpu.memory_space<vmem>>
          %swap3A_457 = tpu.memref_squeeze %swap3A_456 : memref<1x40x128xf32, #tpu.memory_space<vmem>> -> memref<40x128xf32, #tpu.memory_space<vmem>>
          %swap3A_458 = arith.index_cast %add3A_237 : i32 to index
          %swap3A_459 = arith.constant 80 : index
          %swap3A_460 = tpu.vector_load %swap3A_457[%swap3A_458, %swap3A_459] {strides = array<i32>} : memref<40x128xf32, #tpu.memory_space<vmem>>, vector<1x16xf32>,
          %swap3A_461 = vector.shape_cast %swap3A_460 : vector<1x16xf32> to vector<16xf32>
          %swap3A_462 = vector.shape_cast %max3A_453 : vector<16xf32> to vector<1x16xf32>
          tpu.vector_store %swap3A_457[%swap3A_458, %swap3A_459], %swap3A_462 {strides = array<i32>} : memref<40x128xf32, #tpu.memory_space<vmem>>, vector<1x16xf32>,
          %get3A_463 = arith.constant 0 : i32
          %get3A_464 = arith.constant 0 : i32
          %get3A_465 = tpu.memref_slice %arg10[%scan3A_223, %get3A_463, %get3A_464] : memref<2x40x128xf32, #tpu.memory_space<vmem>> -> memref<1x40x128xf32, #tpu.memory_space<vmem>>
          %get3A_466 = tpu.memref_squeeze %get3A_465 : memref<1x40x128xf32, #tpu.memory_space<vmem>> -> memref<40x128xf32, #tpu.memory_space<vmem>>
          %get3A_467 = arith.index_cast %add3A_237 : i32 to index
          %get3A_468 = arith.constant 96 : index
          %get3A_469 = tpu.vector_load %get3A_466[%get3A_467, %get3A_468] {strides = array<i32>} : memref<40x128xf32, #tpu.memory_space<vmem>>, vector<1x16xf32>,
          %get3A_470 = vector.shape_cast %get3A_469 : vector<1x16xf32> to vector<16xf32>
          %get3A_471 = arith.constant 0 : i32
          %get3A_472 = arith.constant 0 : i32
          %get3A_473 = tpu.memref_slice %arg11[%scan3A_224, %get3A_471, %get3A_472] : memref<2x40x128xf32, #tpu.memory_space<vmem>> -> memref<1x40x128xf32, #tpu.memory_space<vmem>>
          %get3A_474 = tpu.memref_squeeze %get3A_473 : memref<1x40x128xf32, #tpu.memory_space<vmem>> -> memref<40x128xf32, #tpu.memory_space<vmem>>
          %get3A_475 = arith.index_cast %add3A_237 : i32 to index
          %get3A_476 = arith.constant 96 : index
          %get3A_477 = tpu.vector_load %get3A_474[%get3A_475, %get3A_476] {strides = array<i32>} : memref<40x128xf32, #tpu.memory_space<vmem>>, vector<1x16xf32>,
          %get3A_478 = vector.shape_cast %get3A_477 : vector<1x16xf32> to vector<16xf32>
          %add3A_479 = arith.addf %get3A_470, %get3A_478 : vector<16xf32>
          %get3A_480 = arith.constant 0 : i32
          %get3A_481 = arith.constant 0 : i32
          %get3A_482 = tpu.memref_slice %arg12[%scan3A_225, %get3A_480, %get3A_481] : memref<2x40x128xf32, #tpu.memory_space<vmem>> -> memref<1x40x128xf32, #tpu.memory_space<vmem>>
          %get3A_483 = tpu.memref_squeeze %get3A_482 : memref<1x40x128xf32, #tpu.memory_space<vmem>> -> memref<40x128xf32, #tpu.memory_space<vmem>>
          %get3A_484 = arith.index_cast %add3A_237 : i32 to index
          %get3A_485 = arith.constant 96 : index
          %get3A_486 = tpu.vector_load %get3A_483[%get3A_484, %get3A_485] {strides = array<i32>} : memref<40x128xf32, #tpu.memory_space<vmem>>, vector<1x16xf32>,
          %get3A_487 = vector.shape_cast %get3A_486 : vector<1x16xf32> to vector<16xf32>
          %add3A_488 = arith.addf %add3A_479, %get3A_487 : vector<16xf32>
          %max3A_489 = arith.constant 0.000000e+00 : f32
          %max3A_490 = vector.broadcast %max3A_489 : f32 to vector<16xf32>
          %max3A_491 = arith.maximumf %add3A_488, %max3A_490 : vector<16xf32>
          %swap3A_492 = arith.constant 0 : i32
          %swap3A_493 = arith.constant 0 : i32
          %swap3A_494 = tpu.memref_slice %arg10[%scan3A_223, %swap3A_492, %swap3A_493] : memref<2x40x128xf32, #tpu.memory_space<vmem>> -> memref<1x40x128xf32, #tpu.memory_space<vmem>>
          %swap3A_495 = tpu.memref_squeeze %swap3A_494 : memref<1x40x128xf32, #tpu.memory_space<vmem>> -> memref<40x128xf32, #tpu.memory_space<vmem>>
          %swap3A_496 = arith.index_cast %add3A_237 : i32 to index
          %swap3A_497 = arith.constant 96 : index
          %swap3A_498 = tpu.vector_load %swap3A_495[%swap3A_496, %swap3A_497] {strides = array<i32>} : memref<40x128xf32, #tpu.memory_space<vmem>>, vector<1x16xf32>,
          %swap3A_499 = vector.shape_cast %swap3A_498 : vector<1x16xf32> to vector<16xf32>
          %swap3A_500 = vector.shape_cast %max3A_491 : vector<16xf32> to vector<1x16xf32>
          tpu.vector_store %swap3A_495[%swap3A_496, %swap3A_497], %swap3A_500 {strides = array<i32>} : memref<40x128xf32, #tpu.memory_space<vmem>>, vector<1x16xf32>,
          %get3A_501 = arith.constant 0 : i32
          %get3A_502 = arith.constant 0 : i32
          %get3A_503 = tpu.memref_slice %arg10[%scan3A_223, %get3A_501, %get3A_502] : memref<2x40x128xf32, #tpu.memory_space<vmem>> -> memref<1x40x128xf32, #tpu.memory_space<vmem>>
          %get3A_504 = tpu.memref_squeeze %get3A_503 : memref<1x40x128xf32, #tpu.memory_space<vmem>> -> memref<40x128xf32, #tpu.memory_space<vmem>>
          %get3A_505 = arith.index_cast %add3A_237 : i32 to index
          %get3A_506 = arith.constant 112 : index
          %get3A_507 = tpu.vector_load %get3A_504[%get3A_505, %get3A_506] {strides = array<i32>} : memref<40x128xf32, #tpu.memory_space<vmem>>, vector<1x16xf32>,
          %get3A_508 = vector.shape_cast %get3A_507 : vector<1x16xf32> to vector<16xf32>
          %get3A_509 = arith.constant 0 : i32
          %get3A_510 = arith.constant 0 : i32
          %get3A_511 = tpu.memref_slice %arg11[%scan3A_224, %get3A_509, %get3A_510] : memref<2x40x128xf32, #tpu.memory_space<vmem>> -> memref<1x40x128xf32, #tpu.memory_space<vmem>>
          %get3A_512 = tpu.memref_squeeze %get3A_511 : memref<1x40x128xf32, #tpu.memory_space<vmem>> -> memref<40x128xf32, #tpu.memory_space<vmem>>
          %get3A_513 = arith.index_cast %add3A_237 : i32 to index
          %get3A_514 = arith.constant 112 : index
          %get3A_515 = tpu.vector_load %get3A_512[%get3A_513, %get3A_514] {strides = array<i32>} : memref<40x128xf32, #tpu.memory_space<vmem>>, vector<1x16xf32>,
          %get3A_516 = vector.shape_cast %get3A_515 : vector<1x16xf32> to vector<16xf32>
          %add3A_517 = arith.addf %get3A_508, %get3A_516 : vector<16xf32>
          %get3A_518 = arith.constant 0 : i32
          %get3A_519 = arith.constant 0 : i32
          %get3A_520 = tpu.memref_slice %arg12[%scan3A_225, %get3A_518, %get3A_519] : memref<2x40x128xf32, #tpu.memory_space<vmem>> -> memref<1x40x128xf32, #tpu.memory_space<vmem>>
          %get3A_521 = tpu.memref_squeeze %get3A_520 : memref<1x40x128xf32, #tpu.memory_space<vmem>> -> memref<40x128xf32, #tpu.memory_space<vmem>>
          %get3A_522 = arith.index_cast %add3A_237 : i32 to index
          %get3A_523 = arith.constant 112 : index
          %get3A_524 = tpu.vector_load %get3A_521[%get3A_522, %get3A_523] {strides = array<i32>} : memref<40x128xf32, #tpu.memory_space<vmem>>, vector<1x16xf32>,
          %get3A_525 = vector.shape_cast %get3A_524 : vector<1x16xf32> to vector<16xf32>
          %add3A_526 = arith.addf %add3A_517, %get3A_525 : vector<16xf32>
          %max3A_527 = arith.constant 0.000000e+00 : f32
          %max3A_528 = vector.broadcast %max3A_527 : f32 to vector<16xf32>
          %max3A_529 = arith.maximumf %add3A_526, %max3A_528 : vector<16xf32>
          %swap3A_530 = arith.constant 0 : i32
          %swap3A_531 = arith.constant 0 : i32
          %swap3A_532 = tpu.memref_slice %arg10[%scan3A_223, %swap3A_530, %swap3A_531] : memref<2x40x128xf32, #tpu.memory_space<vmem>> -> memref<1x40x128xf32, #tpu.memory_space<vmem>>
          %swap3A_533 = tpu.memref_squeeze %swap3A_532 : memref<1x40x128xf32, #tpu.memory_space<vmem>> -> memref<40x128xf32, #tpu.memory_space<vmem>>
          %swap3A_534 = arith.index_cast %add3A_237 : i32 to index
          %swap3A_535 = arith.constant 112 : index
          %swap3A_536 = tpu.vector_load %swap3A_533[%swap3A_534, %swap3A_535] {strides = array<i32>} : memref<40x128xf32, #tpu.memory_space<vmem>>, vector<1x16xf32>,
          %swap3A_537 = vector.shape_cast %swap3A_536 : vector<1x16xf32> to vector<16xf32>
          %swap3A_538 = vector.shape_cast %max3A_529 : vector<16xf32> to vector<1x16xf32>
          tpu.vector_store %swap3A_533[%swap3A_534, %swap3A_535], %swap3A_538 {strides = array<i32>} : memref<40x128xf32, #tpu.memory_space<vmem>>, vector<1x16xf32>,
        }
        %scan3A_230 = arith.constant 40 : i32
        %run_scoped3A_231 = arith.constant 1 : i32
        %run_scoped3A_232 = arith.constant 1 : i32
        "tpu.region"() ({
          %run_scoped3A_233 = tpu.sem_alloc : memref<!tpu.dma_semaphore, #tpu.memory_space<semaphore_mem>>
          %dma_start3A_234 = arith.constant 0 : i32
          %dma_start3A_235 = arith.constant 0 : i32
          %dma_start3A_236 = tpu.memref_slice %arg10[%run_scoped3A_231, %dma_start3A_234, %dma_start3A_235] : memref<2x40x128xf32, #tpu.memory_space<vmem>> -> memref<1x40x128xf32, #tpu.memory_space<vmem>>
          %dma_start3A_237 = tpu.memref_squeeze %dma_start3A_236 : memref<1x40x128xf32, #tpu.memory_space<vmem>> -> memref<40x128xf32, #tpu.memory_space<vmem>>
          %dma_start3A_238 = arith.constant 0 : i32
          %dma_start3A_239 = tpu.memref_slice %arg9[%run_scoped3A_232, %dma_start3A_238] : memref<4x40xi32, #tpu.memory_space<vmem>> -> memref<1x40xi32, #tpu.memory_space<vmem>>
          %dma_start3A_240 = tpu.memref_squeeze %dma_start3A_239 : memref<1x40xi32, #tpu.memory_space<vmem>> -> memref<40xi32, #tpu.memory_space<vmem>>
          %dma_start3A_241 = arith.constant 0 : i32
          %dma_start3A_242 = arith.constant 0 : i32
          %dma_start3A_243 = tpu.memref_slice %arg13[%dma_start3A_241, %dma_start3A_242] : memref<10000x128xf32, #tpu.memory_space<vmem_shared>> -> memref<10000x128xf32, #tpu.memory_space<vmem_shared>>
          tpu.enqueue_indirect_dma source(%dma_start3A_237 : memref<40x128xf32, #tpu.memory_space<vmem>>) target(%dma_start3A_243 : memref<10000x128xf32, #tpu.memory_space<vmem_shared>>) offsets(%dma_start3A_240 : memref<40xi32, #tpu.memory_space<vmem>>) semaphore(%run_scoped3A_233 : memref<!tpu.dma_semaphore, #tpu.memory_space<semaphore_mem>>) {add = true}
          %dma_wait3A_244 = arith.constant 0 : i32
          %dma_wait3A_245 = arith.constant 0 : i32
          %dma_wait3A_246 = tpu.memref_slice %arg10[%run_scoped3A_231, %dma_wait3A_244, %dma_wait3A_245] : memref<2x40x128xf32, #tpu.memory_space<vmem>> -> memref<1x40x128xf32, #tpu.memory_space<vmem>>
          %dma_wait3A_247 = tpu.memref_squeeze %dma_wait3A_246 : memref<1x40x128xf32, #tpu.memory_space<vmem>> -> memref<40x128xf32, #tpu.memory_space<vmem>>
          %dma_wait3A_248 = arith.constant 0 : i32
          %dma_wait3A_249 = tpu.memref_slice %arg9[%run_scoped3A_232, %dma_wait3A_248] : memref<4x40xi32, #tpu.memory_space<vmem>> -> memref<1x40xi32, #tpu.memory_space<vmem>>
          %dma_wait3A_250 = tpu.memref_squeeze %dma_wait3A_249 : memref<1x40xi32, #tpu.memory_space<vmem>> -> memref<40xi32, #tpu.memory_space<vmem>>
          %dma_wait3A_251 = arith.constant 0 : i32
          %dma_wait3A_252 = arith.constant 0 : i32
          %dma_wait3A_253 = tpu.memref_slice %arg13[%dma_wait3A_251, %dma_wait3A_252] : memref<10000x128xf32, #tpu.memory_space<vmem_shared>> -> memref<10000x128xf32, #tpu.memory_space<vmem_shared>>
          tpu.wait_indirect_dma semaphore(%run_scoped3A_233 : memref<!tpu.dma_semaphore, #tpu.memory_space<semaphore_mem>>) src(%dma_wait3A_247 : memref<40x128xf32, #tpu.memory_space<vmem>>) dst(%dma_wait3A_253 : memref<10000x128xf32, #tpu.memory_space<vmem_shared>>)
          tpu.yield
        }) : () -> ()
      } else {
      }
      %add3A_153 = arith.constant 2 : i32
      %add3A_154 = arith.addi %add3A_139, %add3A_153 : i32
      %lt3A_155 = arith.constant 250 : i32
      %lt3A_156 = arith.cmpi slt, %add3A_154, %lt3A_155 : i32
      %convert_element_type3A_157 = arith.extui %lt3A_156 : i1 to i32
      %cond3A_158 = arith.constant 0 : i32
      %cond3A_159 = arith.cmpi ne, %convert_element_type3A_157, %cond3A_158 : i32
      scf.if %cond3A_159 {
        %add3A_167 = arith.constant 1 : i32
        %add3A_168 = arith.addi %add3A_154, %add3A_167 : i32
        %lt3A_169 = arith.constant 250 : i32
        %lt3A_170 = arith.cmpi slt, %add3A_168, %lt3A_169 : i32
        %convert_element_type3A_171 = arith.extui %lt3A_170 : i1 to i32
        %cond3A_172 = arith.constant 0 : i32
        %cond3A_173 = arith.cmpi ne, %convert_element_type3A_171, %cond3A_172 : i32
        scf.if %cond3A_173 {
          %add3A_233 = arith.constant 1 : i32
          %add3A_234 = arith.addi %add3A_154, %add3A_233 : i32
          %mul3A_235 = arith.constant 10000 : i32
          %mul3A_236 = arith.muli %add3A, %mul3A_235 : i32
          %mul3A_237 = arith.constant 40 : i32
          %mul3A_238 = arith.muli %add3A_234, %mul3A_237 : i32
          %add3A_239 = arith.addi %mul3A_236, %mul3A_238 : i32
          %dma_wait3A_240 = arith.constant 3 : i32
          %dma_wait3A_241 = arith.constant 0 : i32
          %dma_wait3A_242 = tpu.memref_slice %arg8[%dma_wait3A_240, %dma_wait3A_241] : memref<4x40xi32, #tpu.memory_space<vmem>> -> memref<1x40xi32, #tpu.memory_space<vmem>>
          %dma_wait3A_243 = tpu.memref_squeeze %dma_wait3A_242 : memref<1x40xi32, #tpu.memory_space<vmem>> -> memref<40xi32, #tpu.memory_space<vmem>>
          %dma_wait3A_244 = tpu.memref_slice %arg5[%add3A_239] : memref<320000xi32, #tpu.memory_space<hbm>> -> memref<40xi32, #tpu.memory_space<hbm>>
          %dma_wait3A_245 = arith.constant 0 : i32
          %dma_wait3A_246 = tpu.memref_slice %arg8[%dma_wait3A_240, %dma_wait3A_245] : memref<4x40xi32, #tpu.memory_space<vmem>> -> memref<1x40xi32, #tpu.memory_space<vmem>>
          %dma_wait3A_247 = tpu.memref_squeeze %dma_wait3A_246 : memref<1x40xi32, #tpu.memory_space<vmem>> -> memref<40xi32, #tpu.memory_space<vmem>>
          %dma_wait3A_248 = tpu.memref_slice %arg5[%add3A_239] : memref<320000xi32, #tpu.memory_space<hbm>> -> memref<40xi32, #tpu.memory_space<hbm>>
          tpu.wait_dma2 semaphore(%arg17 : memref<!tpu.dma_semaphore, #tpu.memory_space<semaphore_mem>>) src(%dma_wait3A_248 : memref<40xi32, #tpu.memory_space<hbm>>) dst(%dma_wait3A_247 : memref<40xi32, #tpu.memory_space<vmem>>)
          %dma_wait3A_249 = arith.constant 3 : i32
          %dma_wait3A_250 = arith.constant 0 : i32
          %dma_wait3A_251 = tpu.memref_slice %arg9[%dma_wait3A_249, %dma_wait3A_250] : memref<4x40xi32, #tpu.memory_space<vmem>> -> memref<1x40xi32, #tpu.memory_space<vmem>>
          %dma_wait3A_252 = tpu.memref_squeeze %dma_wait3A_251 : memref<1x40xi32, #tpu.memory_space<vmem>> -> memref<40xi32, #tpu.memory_space<vmem>>
          %dma_wait3A_253 = tpu.memref_slice %arg6[%add3A_239] : memref<320000xi32, #tpu.memory_space<hbm>> -> memref<40xi32, #tpu.memory_space<hbm>>
          %dma_wait3A_254 = arith.constant 0 : i32
          %dma_wait3A_255 = tpu.memref_slice %arg9[%dma_wait3A_249, %dma_wait3A_254] : memref<4x40xi32, #tpu.memory_space<vmem>> -> memref<1x40xi32, #tpu.memory_space<vmem>>
          %dma_wait3A_256 = tpu.memref_squeeze %dma_wait3A_255 : memref<1x40xi32, #tpu.memory_space<vmem>> -> memref<40xi32, #tpu.memory_space<vmem>>
          %dma_wait3A_257 = tpu.memref_slice %arg6[%add3A_239] : memref<320000xi32, #tpu.memory_space<hbm>> -> memref<40xi32, #tpu.memory_space<hbm>>
          tpu.wait_dma2 semaphore(%arg18 : memref<!tpu.dma_semaphore, #tpu.memory_space<semaphore_mem>>) src(%dma_wait3A_257 : memref<40xi32, #tpu.memory_space<hbm>>) dst(%dma_wait3A_256 : memref<40xi32, #tpu.memory_space<vmem>>)
          %add3A_258 = arith.constant 1 : i32
          %add3A_259 = arith.addi %add3A_154, %add3A_258 : i32
          %mul3A_260 = arith.constant 10000 : i32
          %mul3A_261 = arith.muli %add3A, %mul3A_260 : i32
          %mul3A_262 = arith.constant 40 : i32
          %mul3A_263 = arith.muli %add3A_259, %mul3A_262 : i32
          %add3A_264 = arith.addi %mul3A_261, %mul3A_263 : i32
          %dma_start3A_265 = arith.constant 3 : i32
          %dma_start3A_266 = arith.constant 1 : i32
          %dma_start3A_267 = arith.constant 0 : i32
          %dma_start3A_268 = arith.constant 0 : i32
          %dma_start3A_269 = tpu.memref_slice %arg10[%dma_start3A_266, %dma_start3A_267, %dma_start3A_268] : memref<2x40x128xf32, #tpu.memory_space<vmem>> -> memref<1x40x128xf32, #tpu.memory_space<vmem>>
          %dma_start3A_270 = tpu.memref_squeeze %dma_start3A_269 : memref<1x40x128xf32, #tpu.memory_space<vmem>> -> memref<40x128xf32, #tpu.memory_space<vmem>>
          %dma_start3A_271 = arith.constant 0 : i32
          %dma_start3A_272 = tpu.memref_slice %arg8[%dma_start3A_265, %dma_start3A_271] : memref<4x40xi32, #tpu.memory_space<vmem>> -> memref<1x40xi32, #tpu.memory_space<vmem>>
          %dma_start3A_273 = tpu.memref_squeeze %dma_start3A_272 : memref<1x40xi32, #tpu.memory_space<vmem>> -> memref<40xi32, #tpu.memory_space<vmem>>
          %dma_start3A_274 = arith.constant 0 : i32
          %dma_start3A_275 = arith.constant 0 : i32
          %dma_start3A_276 = tpu.memref_slice %arg2[%dma_start3A_274, %dma_start3A_275] : memref<10000x128xf32, #tpu.memory_space<hbm>> -> memref<10000x128xf32, #tpu.memory_space<hbm>>
          tpu.enqueue_indirect_dma source(%dma_start3A_276 : memref<10000x128xf32, #tpu.memory_space<hbm>>) target(%dma_start3A_270 : memref<40x128xf32, #tpu.memory_space<vmem>>) offsets(%dma_start3A_273 : memref<40xi32, #tpu.memory_space<vmem>>) semaphore(%arg14 : memref<!tpu.dma_semaphore, #tpu.memory_space<semaphore_mem>>)
          %dma_start3A_277 = arith.constant 3 : i32
          %dma_start3A_278 = arith.constant 1 : i32
          %dma_start3A_279 = arith.constant 0 : i32
          %dma_start3A_280 = arith.constant 0 : i32
          %dma_start3A_281 = tpu.memref_slice %arg11[%dma_start3A_278, %dma_start3A_279, %dma_start3A_280] : memref<2x40x128xf32, #tpu.memory_space<vmem>> -> memref<1x40x128xf32, #tpu.memory_space<vmem>>
          %dma_start3A_282 = tpu.memref_squeeze %dma_start3A_281 : memref<1x40x128xf32, #tpu.memory_space<vmem>> -> memref<40x128xf32, #tpu.memory_space<vmem>>
          %dma_start3A_283 = arith.constant 0 : i32
          %dma_start3A_284 = tpu.memref_slice %arg9[%dma_start3A_277, %dma_start3A_283] : memref<4x40xi32, #tpu.memory_space<vmem>> -> memref<1x40xi32, #tpu.memory_space<vmem>>
          %dma_start3A_285 = tpu.memref_squeeze %dma_start3A_284 : memref<1x40xi32, #tpu.memory_space<vmem>> -> memref<40xi32, #tpu.memory_space<vmem>>
          %dma_start3A_286 = arith.constant 0 : i32
          %dma_start3A_287 = arith.constant 0 : i32
          %dma_start3A_288 = tpu.memref_slice %arg3[%dma_start3A_286, %dma_start3A_287] : memref<10000x128xf32, #tpu.memory_space<hbm>> -> memref<10000x128xf32, #tpu.memory_space<hbm>>
          tpu.enqueue_indirect_dma source(%dma_start3A_288 : memref<10000x128xf32, #tpu.memory_space<hbm>>) target(%dma_start3A_282 : memref<40x128xf32, #tpu.memory_space<vmem>>) offsets(%dma_start3A_285 : memref<40xi32, #tpu.memory_space<vmem>>) semaphore(%arg15 : memref<!tpu.dma_semaphore, #tpu.memory_space<semaphore_mem>>)
          %dma_start3A_289 = arith.constant 1 : i32
          %dma_start3A_290 = arith.constant 0 : i32
          %dma_start3A_291 = arith.constant 0 : i32
          %dma_start3A_292 = tpu.memref_slice %arg12[%dma_start3A_289, %dma_start3A_290, %dma_start3A_291] : memref<2x40x128xf32, #tpu.memory_space<vmem>> -> memref<1x40x128xf32, #tpu.memory_space<vmem>>
          %dma_start3A_293 = tpu.memref_squeeze %dma_start3A_292 : memref<1x40x128xf32, #tpu.memory_space<vmem>> -> memref<40x128xf32, #tpu.memory_space<vmem>>
          %dma_start3A_294 = arith.constant 0 : i32
          %dma_start3A_295 = tpu.memref_slice %arg4[%add3A_264, %dma_start3A_294] : memref<320000x128xf32, #tpu.memory_space<hbm>> -> memref<40x128xf32, #tpu.memory_space<hbm>>
          %dma_start3A_296 = arith.constant 0 : i32
          %dma_start3A_297 = arith.constant 0 : i32
          %dma_start3A_298 = tpu.memref_slice %arg12[%dma_start3A_289, %dma_start3A_296, %dma_start3A_297] : memref<2x40x128xf32, #tpu.memory_space<vmem>> -> memref<1x40x128xf32, #tpu.memory_space<vmem>>
          %dma_start3A_299 = tpu.memref_squeeze %dma_start3A_298 : memref<1x40x128xf32, #tpu.memory_space<vmem>> -> memref<40x128xf32, #tpu.memory_space<vmem>>
          %dma_start3A_300 = arith.constant 0 : i32
          %dma_start3A_301 = tpu.memref_slice %arg4[%add3A_264, %dma_start3A_300] : memref<320000x128xf32, #tpu.memory_space<hbm>> -> memref<40x128xf32, #tpu.memory_space<hbm>>
          tpu.enqueue_dma source(%dma_start3A_301 : memref<40x128xf32, #tpu.memory_space<hbm>>) target(%dma_start3A_299 : memref<40x128xf32, #tpu.memory_space<vmem>>) target_semaphore(%arg16 : memref<!tpu.dma_semaphore, #tpu.memory_space<semaphore_mem>>)
        } else {
        }
        %add3A_174 = arith.constant 2 : i32
        %add3A_175 = arith.addi %add3A_154, %add3A_174 : i32
        %lt3A_176 = arith.constant 250 : i32
        %lt3A_177 = arith.cmpi slt, %add3A_175, %lt3A_176 : i32
        %convert_element_type3A_178 = arith.extui %lt3A_177 : i1 to i32
        %cond3A_179 = arith.constant 0 : i32
        %cond3A_180 = arith.cmpi ne, %convert_element_type3A_178, %cond3A_179 : i32
        scf.if %cond3A_180 {
          %add3A_233 = arith.constant 2 : i32
          %add3A_234 = arith.addi %add3A_154, %add3A_233 : i32
          %mul3A_235 = arith.constant 10000 : i32
          %mul3A_236 = arith.muli %add3A, %mul3A_235 : i32
          %mul3A_237 = arith.constant 40 : i32
          %mul3A_238 = arith.muli %add3A_234, %mul3A_237 : i32
          %add3A_239 = arith.addi %mul3A_236, %mul3A_238 : i32
          %dma_start3A_240 = arith.constant 0 : i32
          %dma_start3A_241 = arith.constant 0 : i32
          %dma_start3A_242 = tpu.memref_slice %arg8[%dma_start3A_240, %dma_start3A_241] : memref<4x40xi32, #tpu.memory_space<vmem>> -> memref<1x40xi32, #tpu.memory_space<vmem>>
          %dma_start3A_243 = tpu.memref_squeeze %dma_start3A_242 : memref<1x40xi32, #tpu.memory_space<vmem>> -> memref<40xi32, #tpu.memory_space<vmem>>
          %dma_start3A_244 = tpu.memref_slice %arg5[%add3A_239] : memref<320000xi32, #tpu.memory_space<hbm>> -> memref<40xi32, #tpu.memory_space<hbm>>
          %dma_start3A_245 = arith.constant 0 : i32
          %dma_start3A_246 = tpu.memref_slice %arg8[%dma_start3A_240, %dma_start3A_245] : memref<4x40xi32, #tpu.memory_space<vmem>> -> memref<1x40xi32, #tpu.memory_space<vmem>>
          %dma_start3A_247 = tpu.memref_squeeze %dma_start3A_246 : memref<1x40xi32, #tpu.memory_space<vmem>> -> memref<40xi32, #tpu.memory_space<vmem>>
          %dma_start3A_248 = tpu.memref_slice %arg5[%add3A_239] : memref<320000xi32, #tpu.memory_space<hbm>> -> memref<40xi32, #tpu.memory_space<hbm>>
          tpu.enqueue_dma source(%dma_start3A_248 : memref<40xi32, #tpu.memory_space<hbm>>) target(%dma_start3A_247 : memref<40xi32, #tpu.memory_space<vmem>>) target_semaphore(%arg17 : memref<!tpu.dma_semaphore, #tpu.memory_space<semaphore_mem>>)
          %dma_start3A_249 = arith.constant 0 : i32
          %dma_start3A_250 = arith.constant 0 : i32
          %dma_start3A_251 = tpu.memref_slice %arg9[%dma_start3A_249, %dma_start3A_250] : memref<4x40xi32, #tpu.memory_space<vmem>> -> memref<1x40xi32, #tpu.memory_space<vmem>>
          %dma_start3A_252 = tpu.memref_squeeze %dma_start3A_251 : memref<1x40xi32, #tpu.memory_space<vmem>> -> memref<40xi32, #tpu.memory_space<vmem>>
          %dma_start3A_253 = tpu.memref_slice %arg6[%add3A_239] : memref<320000xi32, #tpu.memory_space<hbm>> -> memref<40xi32, #tpu.memory_space<hbm>>
          %dma_start3A_254 = arith.constant 0 : i32
          %dma_start3A_255 = tpu.memref_slice %arg9[%dma_start3A_249, %dma_start3A_254] : memref<4x40xi32, #tpu.memory_space<vmem>> -> memref<1x40xi32, #tpu.memory_space<vmem>>
          %dma_start3A_256 = tpu.memref_squeeze %dma_start3A_255 : memref<1x40xi32, #tpu.memory_space<vmem>> -> memref<40xi32, #tpu.memory_space<vmem>>
          %dma_start3A_257 = tpu.memref_slice %arg6[%add3A_239] : memref<320000xi32, #tpu.memory_space<hbm>> -> memref<40xi32, #tpu.memory_space<hbm>>
          tpu.enqueue_dma source(%dma_start3A_257 : memref<40xi32, #tpu.memory_space<hbm>>) target(%dma_start3A_256 : memref<40xi32, #tpu.memory_space<vmem>>) target_semaphore(%arg18 : memref<!tpu.dma_semaphore, #tpu.memory_space<semaphore_mem>>)
        } else {
        }
        %mul3A_181 = arith.constant 10000 : i32
        %mul3A_182 = arith.muli %add3A, %mul3A_181 : i32
        %mul3A_183 = arith.constant 40 : i32
        %mul3A_184 = arith.muli %add3A_154, %mul3A_183 : i32
        %add3A_185 = arith.addi %mul3A_182, %mul3A_184 : i32
        %dma_wait3A_186 = arith.constant 2 : i32
        %dma_wait3A_187 = arith.constant 0 : i32
        %dma_wait3A_188 = arith.constant 0 : i32
        %dma_wait3A_189 = arith.constant 0 : i32
        %dma_wait3A_190 = tpu.memref_slice %arg10[%dma_wait3A_187, %dma_wait3A_188, %dma_wait3A_189] : memref<2x40x128xf32, #tpu.memory_space<vmem>> -> memref<1x40x128xf32, #tpu.memory_space<vmem>>
        %dma_wait3A_191 = tpu.memref_squeeze %dma_wait3A_190 : memref<1x40x128xf32, #tpu.memory_space<vmem>> -> memref<40x128xf32, #tpu.memory_space<vmem>>
        %dma_wait3A_192 = arith.constant 0 : i32
        %dma_wait3A_193 = tpu.memref_slice %arg8[%dma_wait3A_186, %dma_wait3A_192] : memref<4x40xi32, #tpu.memory_space<vmem>> -> memref<1x40xi32, #tpu.memory_space<vmem>>
        %dma_wait3A_194 = tpu.memref_squeeze %dma_wait3A_193 : memref<1x40xi32, #tpu.memory_space<vmem>> -> memref<40xi32, #tpu.memory_space<vmem>>
        %dma_wait3A_195 = arith.constant 0 : i32
        %dma_wait3A_196 = arith.constant 0 : i32
        %dma_wait3A_197 = tpu.memref_slice %arg2[%dma_wait3A_195, %dma_wait3A_196] : memref<10000x128xf32, #tpu.memory_space<hbm>> -> memref<10000x128xf32, #tpu.memory_space<hbm>>
        tpu.wait_indirect_dma semaphore(%arg14 : memref<!tpu.dma_semaphore, #tpu.memory_space<semaphore_mem>>) src(%dma_wait3A_197 : memref<10000x128xf32, #tpu.memory_space<hbm>>) dst(%dma_wait3A_191 : memref<40x128xf32, #tpu.memory_space<vmem>>)
        %dma_wait3A_198 = arith.constant 2 : i32
        %dma_wait3A_199 = arith.constant 0 : i32
        %dma_wait3A_200 = arith.constant 0 : i32
        %dma_wait3A_201 = arith.constant 0 : i32
        %dma_wait3A_202 = tpu.memref_slice %arg11[%dma_wait3A_199, %dma_wait3A_200, %dma_wait3A_201] : memref<2x40x128xf32, #tpu.memory_space<vmem>> -> memref<1x40x128xf32, #tpu.memory_space<vmem>>
        %dma_wait3A_203 = tpu.memref_squeeze %dma_wait3A_202 : memref<1x40x128xf32, #tpu.memory_space<vmem>> -> memref<40x128xf32, #tpu.memory_space<vmem>>
        %dma_wait3A_204 = arith.constant 0 : i32
        %dma_wait3A_205 = tpu.memref_slice %arg9[%dma_wait3A_198, %dma_wait3A_204] : memref<4x40xi32, #tpu.memory_space<vmem>> -> memref<1x40xi32, #tpu.memory_space<vmem>>
        %dma_wait3A_206 = tpu.memref_squeeze %dma_wait3A_205 : memref<1x40xi32, #tpu.memory_space<vmem>> -> memref<40xi32, #tpu.memory_space<vmem>>
        %dma_wait3A_207 = arith.constant 0 : i32
        %dma_wait3A_208 = arith.constant 0 : i32
        %dma_wait3A_209 = tpu.memref_slice %arg3[%dma_wait3A_207, %dma_wait3A_208] : memref<10000x128xf32, #tpu.memory_space<hbm>> -> memref<10000x128xf32, #tpu.memory_space<hbm>>
        tpu.wait_indirect_dma semaphore(%arg15 : memref<!tpu.dma_semaphore, #tpu.memory_space<semaphore_mem>>) src(%dma_wait3A_209 : memref<10000x128xf32, #tpu.memory_space<hbm>>) dst(%dma_wait3A_203 : memref<40x128xf32, #tpu.memory_space<vmem>>)
        %dma_wait3A_210 = arith.constant 0 : i32
        %dma_wait3A_211 = arith.constant 0 : i32
        %dma_wait3A_212 = arith.constant 0 : i32
        %dma_wait3A_213 = tpu.memref_slice %arg12[%dma_wait3A_210, %dma_wait3A_211, %dma_wait3A_212] : memref<2x40x128xf32, #tpu.memory_space<vmem>> -> memref<1x40x128xf32, #tpu.memory_space<vmem>>
        %dma_wait3A_214 = tpu.memref_squeeze %dma_wait3A_213 : memref<1x40x128xf32, #tpu.memory_space<vmem>> -> memref<40x128xf32, #tpu.memory_space<vmem>>
        %dma_wait3A_215 = arith.constant 0 : i32
        %dma_wait3A_216 = tpu.memref_slice %arg4[%add3A_185, %dma_wait3A_215] : memref<320000x128xf32, #tpu.memory_space<hbm>> -> memref<40x128xf32, #tpu.memory_space<hbm>>
        %dma_wait3A_217 = arith.constant 0 : i32
        %dma_wait3A_218 = arith.constant 0 : i32
        %dma_wait3A_219 = tpu.memref_slice %arg12[%dma_wait3A_210, %dma_wait3A_217, %dma_wait3A_218] : memref<2x40x128xf32, #tpu.memory_space<vmem>> -> memref<1x40x128xf32, #tpu.memory_space<vmem>>
        %dma_wait3A_220 = tpu.memref_squeeze %dma_wait3A_219 : memref<1x40x128xf32, #tpu.memory_space<vmem>> -> memref<40x128xf32, #tpu.memory_space<vmem>>
        %dma_wait3A_221 = arith.constant 0 : i32
        %dma_wait3A_222 = tpu.memref_slice %arg4[%add3A_185, %dma_wait3A_221] : memref<320000x128xf32, #tpu.memory_space<hbm>> -> memref<40x128xf32, #tpu.memory_space<hbm>>
        tpu.wait_dma2 semaphore(%arg16 : memref<!tpu.dma_semaphore, #tpu.memory_space<semaphore_mem>>) src(%dma_wait3A_222 : memref<40x128xf32, #tpu.memory_space<hbm>>) dst(%dma_wait3A_220 : memref<40x128xf32, #tpu.memory_space<vmem>>)
        %scan3A_223 = arith.constant 0 : i32
        %scan3A_224 = arith.constant 0 : i32
        %scan3A_225 = arith.constant 0 : i32
        %scan3A_226 = arith.constant 0 : i32
        %scan3A_227 = arith.constant 40 : i32
        %scan3A_228 = arith.addi %scan3A_226, %scan3A_227 : i32
        %scan3A_229 = arith.constant 1 : i32
        scf.for %scan3A_233 = %scan3A_226 to %scan3A_228 step %scan3A_229  : i32 {
          %mul3A_234 = arith.constant 1 : i32
          %mul3A_235 = arith.muli %scan3A_233, %mul3A_234 : i32
          %add3A_236 = arith.constant 0 : i32
          %add3A_237 = arith.addi %add3A_236, %mul3A_235 : i32
          %get3A = arith.constant 0 : i32
          %get3A_238 = arith.constant 0 : i32
          %get3A_239 = tpu.memref_slice %arg10[%scan3A_223, %get3A, %get3A_238] : memref<2x40x128xf32, #tpu.memory_space<vmem>> -> memref<1x40x128xf32, #tpu.memory_space<vmem>>
          %get3A_240 = tpu.memref_squeeze %get3A_239 : memref<1x40x128xf32, #tpu.memory_space<vmem>> -> memref<40x128xf32, #tpu.memory_space<vmem>>
          %get3A_241 = arith.index_cast %add3A_237 : i32 to index
          %get3A_242 = arith.constant 0 : index
          %get3A_243 = tpu.vector_load %get3A_240[%get3A_241, %get3A_242] {strides = array<i32>} : memref<40x128xf32, #tpu.memory_space<vmem>>, vector<1x16xf32>,
          %get3A_244 = vector.shape_cast %get3A_243 : vector<1x16xf32> to vector<16xf32>
          %get3A_245 = arith.constant 0 : i32
          %get3A_246 = arith.constant 0 : i32
          %get3A_247 = tpu.memref_slice %arg11[%scan3A_224, %get3A_245, %get3A_246] : memref<2x40x128xf32, #tpu.memory_space<vmem>> -> memref<1x40x128xf32, #tpu.memory_space<vmem>>
          %get3A_248 = tpu.memref_squeeze %get3A_247 : memref<1x40x128xf32, #tpu.memory_space<vmem>> -> memref<40x128xf32, #tpu.memory_space<vmem>>
          %get3A_249 = arith.index_cast %add3A_237 : i32 to index
          %get3A_250 = arith.constant 0 : index
          %get3A_251 = tpu.vector_load %get3A_248[%get3A_249, %get3A_250] {strides = array<i32>} : memref<40x128xf32, #tpu.memory_space<vmem>>, vector<1x16xf32>,
          %get3A_252 = vector.shape_cast %get3A_251 : vector<1x16xf32> to vector<16xf32>
          %add3A_253 = arith.addf %get3A_244, %get3A_252 : vector<16xf32>
          %get3A_254 = arith.constant 0 : i32
          %get3A_255 = arith.constant 0 : i32
          %get3A_256 = tpu.memref_slice %arg12[%scan3A_225, %get3A_254, %get3A_255] : memref<2x40x128xf32, #tpu.memory_space<vmem>> -> memref<1x40x128xf32, #tpu.memory_space<vmem>>
          %get3A_257 = tpu.memref_squeeze %get3A_256 : memref<1x40x128xf32, #tpu.memory_space<vmem>> -> memref<40x128xf32, #tpu.memory_space<vmem>>
          %get3A_258 = arith.index_cast %add3A_237 : i32 to index
          %get3A_259 = arith.constant 0 : index
          %get3A_260 = tpu.vector_load %get3A_257[%get3A_258, %get3A_259] {strides = array<i32>} : memref<40x128xf32, #tpu.memory_space<vmem>>, vector<1x16xf32>,
          %get3A_261 = vector.shape_cast %get3A_260 : vector<1x16xf32> to vector<16xf32>
          %add3A_262 = arith.addf %add3A_253, %get3A_261 : vector<16xf32>
          %max3A = arith.constant 0.000000e+00 : f32
          %max3A_263 = vector.broadcast %max3A : f32 to vector<16xf32>
          %max3A_264 = arith.maximumf %add3A_262, %max3A_263 : vector<16xf32>
          %swap3A = arith.constant 0 : i32
          %swap3A_265 = arith.constant 0 : i32
          %swap3A_266 = tpu.memref_slice %arg10[%scan3A_223, %swap3A, %swap3A_265] : memref<2x40x128xf32, #tpu.memory_space<vmem>> -> memref<1x40x128xf32, #tpu.memory_space<vmem>>
          %swap3A_267 = tpu.memref_squeeze %swap3A_266 : memref<1x40x128xf32, #tpu.memory_space<vmem>> -> memref<40x128xf32, #tpu.memory_space<vmem>>
          %swap3A_268 = arith.index_cast %add3A_237 : i32 to index
          %swap3A_269 = arith.constant 0 : index
          %swap3A_270 = tpu.vector_load %swap3A_267[%swap3A_268, %swap3A_269] {strides = array<i32>} : memref<40x128xf32, #tpu.memory_space<vmem>>, vector<1x16xf32>,
          %swap3A_271 = vector.shape_cast %swap3A_270 : vector<1x16xf32> to vector<16xf32>
          %swap3A_272 = vector.shape_cast %max3A_264 : vector<16xf32> to vector<1x16xf32>
          tpu.vector_store %swap3A_267[%swap3A_268, %swap3A_269], %swap3A_272 {strides = array<i32>} : memref<40x128xf32, #tpu.memory_space<vmem>>, vector<1x16xf32>,
          %get3A_273 = arith.constant 0 : i32
          %get3A_274 = arith.constant 0 : i32
          %get3A_275 = tpu.memref_slice %arg10[%scan3A_223, %get3A_273, %get3A_274] : memref<2x40x128xf32, #tpu.memory_space<vmem>> -> memref<1x40x128xf32, #tpu.memory_space<vmem>>
          %get3A_276 = tpu.memref_squeeze %get3A_275 : memref<1x40x128xf32, #tpu.memory_space<vmem>> -> memref<40x128xf32, #tpu.memory_space<vmem>>
          %get3A_277 = arith.index_cast %add3A_237 : i32 to index
          %get3A_278 = arith.constant 16 : index
          %get3A_279 = tpu.vector_load %get3A_276[%get3A_277, %get3A_278] {strides = array<i32>} : memref<40x128xf32, #tpu.memory_space<vmem>>, vector<1x16xf32>,
          %get3A_280 = vector.shape_cast %get3A_279 : vector<1x16xf32> to vector<16xf32>
          %get3A_281 = arith.constant 0 : i32
          %get3A_282 = arith.constant 0 : i32
          %get3A_283 = tpu.memref_slice %arg11[%scan3A_224, %get3A_281, %get3A_282] : memref<2x40x128xf32, #tpu.memory_space<vmem>> -> memref<1x40x128xf32, #tpu.memory_space<vmem>>
          %get3A_284 = tpu.memref_squeeze %get3A_283 : memref<1x40x128xf32, #tpu.memory_space<vmem>> -> memref<40x128xf32, #tpu.memory_space<vmem>>
          %get3A_285 = arith.index_cast %add3A_237 : i32 to index
          %get3A_286 = arith.constant 16 : index
          %get3A_287 = tpu.vector_load %get3A_284[%get3A_285, %get3A_286] {strides = array<i32>} : memref<40x128xf32, #tpu.memory_space<vmem>>, vector<1x16xf32>,
          %get3A_288 = vector.shape_cast %get3A_287 : vector<1x16xf32> to vector<16xf32>
          %add3A_289 = arith.addf %get3A_280, %get3A_288 : vector<16xf32>
          %get3A_290 = arith.constant 0 : i32
          %get3A_291 = arith.constant 0 : i32
          %get3A_292 = tpu.memref_slice %arg12[%scan3A_225, %get3A_290, %get3A_291] : memref<2x40x128xf32, #tpu.memory_space<vmem>> -> memref<1x40x128xf32, #tpu.memory_space<vmem>>
          %get3A_293 = tpu.memref_squeeze %get3A_292 : memref<1x40x128xf32, #tpu.memory_space<vmem>> -> memref<40x128xf32, #tpu.memory_space<vmem>>
          %get3A_294 = arith.index_cast %add3A_237 : i32 to index
          %get3A_295 = arith.constant 16 : index
          %get3A_296 = tpu.vector_load %get3A_293[%get3A_294, %get3A_295] {strides = array<i32>} : memref<40x128xf32, #tpu.memory_space<vmem>>, vector<1x16xf32>,
          %get3A_297 = vector.shape_cast %get3A_296 : vector<1x16xf32> to vector<16xf32>
          %add3A_298 = arith.addf %add3A_289, %get3A_297 : vector<16xf32>
          %max3A_299 = arith.constant 0.000000e+00 : f32
          %max3A_300 = vector.broadcast %max3A_299 : f32 to vector<16xf32>
          %max3A_301 = arith.maximumf %add3A_298, %max3A_300 : vector<16xf32>
          %swap3A_302 = arith.constant 0 : i32
          %swap3A_303 = arith.constant 0 : i32
          %swap3A_304 = tpu.memref_slice %arg10[%scan3A_223, %swap3A_302, %swap3A_303] : memref<2x40x128xf32, #tpu.memory_space<vmem>> -> memref<1x40x128xf32, #tpu.memory_space<vmem>>
          %swap3A_305 = tpu.memref_squeeze %swap3A_304 : memref<1x40x128xf32, #tpu.memory_space<vmem>> -> memref<40x128xf32, #tpu.memory_space<vmem>>
          %swap3A_306 = arith.index_cast %add3A_237 : i32 to index
          %swap3A_307 = arith.constant 16 : index
          %swap3A_308 = tpu.vector_load %swap3A_305[%swap3A_306, %swap3A_307] {strides = array<i32>} : memref<40x128xf32, #tpu.memory_space<vmem>>, vector<1x16xf32>,
          %swap3A_309 = vector.shape_cast %swap3A_308 : vector<1x16xf32> to vector<16xf32>
          %swap3A_310 = vector.shape_cast %max3A_301 : vector<16xf32> to vector<1x16xf32>
          tpu.vector_store %swap3A_305[%swap3A_306, %swap3A_307], %swap3A_310 {strides = array<i32>} : memref<40x128xf32, #tpu.memory_space<vmem>>, vector<1x16xf32>,
          %get3A_311 = arith.constant 0 : i32
          %get3A_312 = arith.constant 0 : i32
          %get3A_313 = tpu.memref_slice %arg10[%scan3A_223, %get3A_311, %get3A_312] : memref<2x40x128xf32, #tpu.memory_space<vmem>> -> memref<1x40x128xf32, #tpu.memory_space<vmem>>
          %get3A_314 = tpu.memref_squeeze %get3A_313 : memref<1x40x128xf32, #tpu.memory_space<vmem>> -> memref<40x128xf32, #tpu.memory_space<vmem>>
          %get3A_315 = arith.index_cast %add3A_237 : i32 to index
          %get3A_316 = arith.constant 32 : index
          %get3A_317 = tpu.vector_load %get3A_314[%get3A_315, %get3A_316] {strides = array<i32>} : memref<40x128xf32, #tpu.memory_space<vmem>>, vector<1x16xf32>,
          %get3A_318 = vector.shape_cast %get3A_317 : vector<1x16xf32> to vector<16xf32>
          %get3A_319 = arith.constant 0 : i32
          %get3A_320 = arith.constant 0 : i32
          %get3A_321 = tpu.memref_slice %arg11[%scan3A_224, %get3A_319, %get3A_320] : memref<2x40x128xf32, #tpu.memory_space<vmem>> -> memref<1x40x128xf32, #tpu.memory_space<vmem>>
          %get3A_322 = tpu.memref_squeeze %get3A_321 : memref<1x40x128xf32, #tpu.memory_space<vmem>> -> memref<40x128xf32, #tpu.memory_space<vmem>>
          %get3A_323 = arith.index_cast %add3A_237 : i32 to index
          %get3A_324 = arith.constant 32 : index
          %get3A_325 = tpu.vector_load %get3A_322[%get3A_323, %get3A_324] {strides = array<i32>} : memref<40x128xf32, #tpu.memory_space<vmem>>, vector<1x16xf32>,
          %get3A_326 = vector.shape_cast %get3A_325 : vector<1x16xf32> to vector<16xf32>
          %add3A_327 = arith.addf %get3A_318, %get3A_326 : vector<16xf32>
          %get3A_328 = arith.constant 0 : i32
          %get3A_329 = arith.constant 0 : i32
          %get3A_330 = tpu.memref_slice %arg12[%scan3A_225, %get3A_328, %get3A_329] : memref<2x40x128xf32, #tpu.memory_space<vmem>> -> memref<1x40x128xf32, #tpu.memory_space<vmem>>
          %get3A_331 = tpu.memref_squeeze %get3A_330 : memref<1x40x128xf32, #tpu.memory_space<vmem>> -> memref<40x128xf32, #tpu.memory_space<vmem>>
          %get3A_332 = arith.index_cast %add3A_237 : i32 to index
          %get3A_333 = arith.constant 32 : index
          %get3A_334 = tpu.vector_load %get3A_331[%get3A_332, %get3A_333] {strides = array<i32>} : memref<40x128xf32, #tpu.memory_space<vmem>>, vector<1x16xf32>,
          %get3A_335 = vector.shape_cast %get3A_334 : vector<1x16xf32> to vector<16xf32>
          %add3A_336 = arith.addf %add3A_327, %get3A_335 : vector<16xf32>
          %max3A_337 = arith.constant 0.000000e+00 : f32
          %max3A_338 = vector.broadcast %max3A_337 : f32 to vector<16xf32>
          %max3A_339 = arith.maximumf %add3A_336, %max3A_338 : vector<16xf32>
          %swap3A_340 = arith.constant 0 : i32
          %swap3A_341 = arith.constant 0 : i32
          %swap3A_342 = tpu.memref_slice %arg10[%scan3A_223, %swap3A_340, %swap3A_341] : memref<2x40x128xf32, #tpu.memory_space<vmem>> -> memref<1x40x128xf32, #tpu.memory_space<vmem>>
          %swap3A_343 = tpu.memref_squeeze %swap3A_342 : memref<1x40x128xf32, #tpu.memory_space<vmem>> -> memref<40x128xf32, #tpu.memory_space<vmem>>
          %swap3A_344 = arith.index_cast %add3A_237 : i32 to index
          %swap3A_345 = arith.constant 32 : index
          %swap3A_346 = tpu.vector_load %swap3A_343[%swap3A_344, %swap3A_345] {strides = array<i32>} : memref<40x128xf32, #tpu.memory_space<vmem>>, vector<1x16xf32>,
          %swap3A_347 = vector.shape_cast %swap3A_346 : vector<1x16xf32> to vector<16xf32>
          %swap3A_348 = vector.shape_cast %max3A_339 : vector<16xf32> to vector<1x16xf32>
          tpu.vector_store %swap3A_343[%swap3A_344, %swap3A_345], %swap3A_348 {strides = array<i32>} : memref<40x128xf32, #tpu.memory_space<vmem>>, vector<1x16xf32>,
          %get3A_349 = arith.constant 0 : i32
          %get3A_350 = arith.constant 0 : i32
          %get3A_351 = tpu.memref_slice %arg10[%scan3A_223, %get3A_349, %get3A_350] : memref<2x40x128xf32, #tpu.memory_space<vmem>> -> memref<1x40x128xf32, #tpu.memory_space<vmem>>
          %get3A_352 = tpu.memref_squeeze %get3A_351 : memref<1x40x128xf32, #tpu.memory_space<vmem>> -> memref<40x128xf32, #tpu.memory_space<vmem>>
          %get3A_353 = arith.index_cast %add3A_237 : i32 to index
          %get3A_354 = arith.constant 48 : index
          %get3A_355 = tpu.vector_load %get3A_352[%get3A_353, %get3A_354] {strides = array<i32>} : memref<40x128xf32, #tpu.memory_space<vmem>>, vector<1x16xf32>,
          %get3A_356 = vector.shape_cast %get3A_355 : vector<1x16xf32> to vector<16xf32>
          %get3A_357 = arith.constant 0 : i32
          %get3A_358 = arith.constant 0 : i32
          %get3A_359 = tpu.memref_slice %arg11[%scan3A_224, %get3A_357, %get3A_358] : memref<2x40x128xf32, #tpu.memory_space<vmem>> -> memref<1x40x128xf32, #tpu.memory_space<vmem>>
          %get3A_360 = tpu.memref_squeeze %get3A_359 : memref<1x40x128xf32, #tpu.memory_space<vmem>> -> memref<40x128xf32, #tpu.memory_space<vmem>>
          %get3A_361 = arith.index_cast %add3A_237 : i32 to index
          %get3A_362 = arith.constant 48 : index
          %get3A_363 = tpu.vector_load %get3A_360[%get3A_361, %get3A_362] {strides = array<i32>} : memref<40x128xf32, #tpu.memory_space<vmem>>, vector<1x16xf32>,
          %get3A_364 = vector.shape_cast %get3A_363 : vector<1x16xf32> to vector<16xf32>
          %add3A_365 = arith.addf %get3A_356, %get3A_364 : vector<16xf32>
          %get3A_366 = arith.constant 0 : i32
          %get3A_367 = arith.constant 0 : i32
          %get3A_368 = tpu.memref_slice %arg12[%scan3A_225, %get3A_366, %get3A_367] : memref<2x40x128xf32, #tpu.memory_space<vmem>> -> memref<1x40x128xf32, #tpu.memory_space<vmem>>
          %get3A_369 = tpu.memref_squeeze %get3A_368 : memref<1x40x128xf32, #tpu.memory_space<vmem>> -> memref<40x128xf32, #tpu.memory_space<vmem>>
          %get3A_370 = arith.index_cast %add3A_237 : i32 to index
          %get3A_371 = arith.constant 48 : index
          %get3A_372 = tpu.vector_load %get3A_369[%get3A_370, %get3A_371] {strides = array<i32>} : memref<40x128xf32, #tpu.memory_space<vmem>>, vector<1x16xf32>,
          %get3A_373 = vector.shape_cast %get3A_372 : vector<1x16xf32> to vector<16xf32>
          %add3A_374 = arith.addf %add3A_365, %get3A_373 : vector<16xf32>
          %max3A_375 = arith.constant 0.000000e+00 : f32
          %max3A_376 = vector.broadcast %max3A_375 : f32 to vector<16xf32>
          %max3A_377 = arith.maximumf %add3A_374, %max3A_376 : vector<16xf32>
          %swap3A_378 = arith.constant 0 : i32
          %swap3A_379 = arith.constant 0 : i32
          %swap3A_380 = tpu.memref_slice %arg10[%scan3A_223, %swap3A_378, %swap3A_379] : memref<2x40x128xf32, #tpu.memory_space<vmem>> -> memref<1x40x128xf32, #tpu.memory_space<vmem>>
          %swap3A_381 = tpu.memref_squeeze %swap3A_380 : memref<1x40x128xf32, #tpu.memory_space<vmem>> -> memref<40x128xf32, #tpu.memory_space<vmem>>
          %swap3A_382 = arith.index_cast %add3A_237 : i32 to index
          %swap3A_383 = arith.constant 48 : index
          %swap3A_384 = tpu.vector_load %swap3A_381[%swap3A_382, %swap3A_383] {strides = array<i32>} : memref<40x128xf32, #tpu.memory_space<vmem>>, vector<1x16xf32>,
          %swap3A_385 = vector.shape_cast %swap3A_384 : vector<1x16xf32> to vector<16xf32>
          %swap3A_386 = vector.shape_cast %max3A_377 : vector<16xf32> to vector<1x16xf32>
          tpu.vector_store %swap3A_381[%swap3A_382, %swap3A_383], %swap3A_386 {strides = array<i32>} : memref<40x128xf32, #tpu.memory_space<vmem>>, vector<1x16xf32>,
          %get3A_387 = arith.constant 0 : i32
          %get3A_388 = arith.constant 0 : i32
          %get3A_389 = tpu.memref_slice %arg10[%scan3A_223, %get3A_387, %get3A_388] : memref<2x40x128xf32, #tpu.memory_space<vmem>> -> memref<1x40x128xf32, #tpu.memory_space<vmem>>
          %get3A_390 = tpu.memref_squeeze %get3A_389 : memref<1x40x128xf32, #tpu.memory_space<vmem>> -> memref<40x128xf32, #tpu.memory_space<vmem>>
          %get3A_391 = arith.index_cast %add3A_237 : i32 to index
          %get3A_392 = arith.constant 64 : index
          %get3A_393 = tpu.vector_load %get3A_390[%get3A_391, %get3A_392] {strides = array<i32>} : memref<40x128xf32, #tpu.memory_space<vmem>>, vector<1x16xf32>,
          %get3A_394 = vector.shape_cast %get3A_393 : vector<1x16xf32> to vector<16xf32>
          %get3A_395 = arith.constant 0 : i32
          %get3A_396 = arith.constant 0 : i32
          %get3A_397 = tpu.memref_slice %arg11[%scan3A_224, %get3A_395, %get3A_396] : memref<2x40x128xf32, #tpu.memory_space<vmem>> -> memref<1x40x128xf32, #tpu.memory_space<vmem>>
          %get3A_398 = tpu.memref_squeeze %get3A_397 : memref<1x40x128xf32, #tpu.memory_space<vmem>> -> memref<40x128xf32, #tpu.memory_space<vmem>>
          %get3A_399 = arith.index_cast %add3A_237 : i32 to index
          %get3A_400 = arith.constant 64 : index
          %get3A_401 = tpu.vector_load %get3A_398[%get3A_399, %get3A_400] {strides = array<i32>} : memref<40x128xf32, #tpu.memory_space<vmem>>, vector<1x16xf32>,
          %get3A_402 = vector.shape_cast %get3A_401 : vector<1x16xf32> to vector<16xf32>
          %add3A_403 = arith.addf %get3A_394, %get3A_402 : vector<16xf32>
          %get3A_404 = arith.constant 0 : i32
          %get3A_405 = arith.constant 0 : i32
          %get3A_406 = tpu.memref_slice %arg12[%scan3A_225, %get3A_404, %get3A_405] : memref<2x40x128xf32, #tpu.memory_space<vmem>> -> memref<1x40x128xf32, #tpu.memory_space<vmem>>
          %get3A_407 = tpu.memref_squeeze %get3A_406 : memref<1x40x128xf32, #tpu.memory_space<vmem>> -> memref<40x128xf32, #tpu.memory_space<vmem>>
          %get3A_408 = arith.index_cast %add3A_237 : i32 to index
          %get3A_409 = arith.constant 64 : index
          %get3A_410 = tpu.vector_load %get3A_407[%get3A_408, %get3A_409] {strides = array<i32>} : memref<40x128xf32, #tpu.memory_space<vmem>>, vector<1x16xf32>,
          %get3A_411 = vector.shape_cast %get3A_410 : vector<1x16xf32> to vector<16xf32>
          %add3A_412 = arith.addf %add3A_403, %get3A_411 : vector<16xf32>
          %max3A_413 = arith.constant 0.000000e+00 : f32
          %max3A_414 = vector.broadcast %max3A_413 : f32 to vector<16xf32>
          %max3A_415 = arith.maximumf %add3A_412, %max3A_414 : vector<16xf32>
          %swap3A_416 = arith.constant 0 : i32
          %swap3A_417 = arith.constant 0 : i32
          %swap3A_418 = tpu.memref_slice %arg10[%scan3A_223, %swap3A_416, %swap3A_417] : memref<2x40x128xf32, #tpu.memory_space<vmem>> -> memref<1x40x128xf32, #tpu.memory_space<vmem>>
          %swap3A_419 = tpu.memref_squeeze %swap3A_418 : memref<1x40x128xf32, #tpu.memory_space<vmem>> -> memref<40x128xf32, #tpu.memory_space<vmem>>
          %swap3A_420 = arith.index_cast %add3A_237 : i32 to index
          %swap3A_421 = arith.constant 64 : index
          %swap3A_422 = tpu.vector_load %swap3A_419[%swap3A_420, %swap3A_421] {strides = array<i32>} : memref<40x128xf32, #tpu.memory_space<vmem>>, vector<1x16xf32>,
          %swap3A_423 = vector.shape_cast %swap3A_422 : vector<1x16xf32> to vector<16xf32>
          %swap3A_424 = vector.shape_cast %max3A_415 : vector<16xf32> to vector<1x16xf32>
          tpu.vector_store %swap3A_419[%swap3A_420, %swap3A_421], %swap3A_424 {strides = array<i32>} : memref<40x128xf32, #tpu.memory_space<vmem>>, vector<1x16xf32>,
          %get3A_425 = arith.constant 0 : i32
          %get3A_426 = arith.constant 0 : i32
          %get3A_427 = tpu.memref_slice %arg10[%scan3A_223, %get3A_425, %get3A_426] : memref<2x40x128xf32, #tpu.memory_space<vmem>> -> memref<1x40x128xf32, #tpu.memory_space<vmem>>
          %get3A_428 = tpu.memref_squeeze %get3A_427 : memref<1x40x128xf32, #tpu.memory_space<vmem>> -> memref<40x128xf32, #tpu.memory_space<vmem>>
          %get3A_429 = arith.index_cast %add3A_237 : i32 to index
          %get3A_430 = arith.constant 80 : index
          %get3A_431 = tpu.vector_load %get3A_428[%get3A_429, %get3A_430] {strides = array<i32>} : memref<40x128xf32, #tpu.memory_space<vmem>>, vector<1x16xf32>,
          %get3A_432 = vector.shape_cast %get3A_431 : vector<1x16xf32> to vector<16xf32>
          %get3A_433 = arith.constant 0 : i32
          %get3A_434 = arith.constant 0 : i32
          %get3A_435 = tpu.memref_slice %arg11[%scan3A_224, %get3A_433, %get3A_434] : memref<2x40x128xf32, #tpu.memory_space<vmem>> -> memref<1x40x128xf32, #tpu.memory_space<vmem>>
          %get3A_436 = tpu.memref_squeeze %get3A_435 : memref<1x40x128xf32, #tpu.memory_space<vmem>> -> memref<40x128xf32, #tpu.memory_space<vmem>>
          %get3A_437 = arith.index_cast %add3A_237 : i32 to index
          %get3A_438 = arith.constant 80 : index
          %get3A_439 = tpu.vector_load %get3A_436[%get3A_437, %get3A_438] {strides = array<i32>} : memref<40x128xf32, #tpu.memory_space<vmem>>, vector<1x16xf32>,
          %get3A_440 = vector.shape_cast %get3A_439 : vector<1x16xf32> to vector<16xf32>
          %add3A_441 = arith.addf %get3A_432, %get3A_440 : vector<16xf32>
          %get3A_442 = arith.constant 0 : i32
          %get3A_443 = arith.constant 0 : i32
          %get3A_444 = tpu.memref_slice %arg12[%scan3A_225, %get3A_442, %get3A_443] : memref<2x40x128xf32, #tpu.memory_space<vmem>> -> memref<1x40x128xf32, #tpu.memory_space<vmem>>
          %get3A_445 = tpu.memref_squeeze %get3A_444 : memref<1x40x128xf32, #tpu.memory_space<vmem>> -> memref<40x128xf32, #tpu.memory_space<vmem>>
          %get3A_446 = arith.index_cast %add3A_237 : i32 to index
          %get3A_447 = arith.constant 80 : index
          %get3A_448 = tpu.vector_load %get3A_445[%get3A_446, %get3A_447] {strides = array<i32>} : memref<40x128xf32, #tpu.memory_space<vmem>>, vector<1x16xf32>,
          %get3A_449 = vector.shape_cast %get3A_448 : vector<1x16xf32> to vector<16xf32>
          %add3A_450 = arith.addf %add3A_441, %get3A_449 : vector<16xf32>
          %max3A_451 = arith.constant 0.000000e+00 : f32
          %max3A_452 = vector.broadcast %max3A_451 : f32 to vector<16xf32>
          %max3A_453 = arith.maximumf %add3A_450, %max3A_452 : vector<16xf32>
          %swap3A_454 = arith.constant 0 : i32
          %swap3A_455 = arith.constant 0 : i32
          %swap3A_456 = tpu.memref_slice %arg10[%scan3A_223, %swap3A_454, %swap3A_455] : memref<2x40x128xf32, #tpu.memory_space<vmem>> -> memref<1x40x128xf32, #tpu.memory_space<vmem>>
          %swap3A_457 = tpu.memref_squeeze %swap3A_456 : memref<1x40x128xf32, #tpu.memory_space<vmem>> -> memref<40x128xf32, #tpu.memory_space<vmem>>
          %swap3A_458 = arith.index_cast %add3A_237 : i32 to index
          %swap3A_459 = arith.constant 80 : index
          %swap3A_460 = tpu.vector_load %swap3A_457[%swap3A_458, %swap3A_459] {strides = array<i32>} : memref<40x128xf32, #tpu.memory_space<vmem>>, vector<1x16xf32>,
          %swap3A_461 = vector.shape_cast %swap3A_460 : vector<1x16xf32> to vector<16xf32>
          %swap3A_462 = vector.shape_cast %max3A_453 : vector<16xf32> to vector<1x16xf32>
          tpu.vector_store %swap3A_457[%swap3A_458, %swap3A_459], %swap3A_462 {strides = array<i32>} : memref<40x128xf32, #tpu.memory_space<vmem>>, vector<1x16xf32>,
          %get3A_463 = arith.constant 0 : i32
          %get3A_464 = arith.constant 0 : i32
          %get3A_465 = tpu.memref_slice %arg10[%scan3A_223, %get3A_463, %get3A_464] : memref<2x40x128xf32, #tpu.memory_space<vmem>> -> memref<1x40x128xf32, #tpu.memory_space<vmem>>
          %get3A_466 = tpu.memref_squeeze %get3A_465 : memref<1x40x128xf32, #tpu.memory_space<vmem>> -> memref<40x128xf32, #tpu.memory_space<vmem>>
          %get3A_467 = arith.index_cast %add3A_237 : i32 to index
          %get3A_468 = arith.constant 96 : index
          %get3A_469 = tpu.vector_load %get3A_466[%get3A_467, %get3A_468] {strides = array<i32>} : memref<40x128xf32, #tpu.memory_space<vmem>>, vector<1x16xf32>,
          %get3A_470 = vector.shape_cast %get3A_469 : vector<1x16xf32> to vector<16xf32>
          %get3A_471 = arith.constant 0 : i32
          %get3A_472 = arith.constant 0 : i32
          %get3A_473 = tpu.memref_slice %arg11[%scan3A_224, %get3A_471, %get3A_472] : memref<2x40x128xf32, #tpu.memory_space<vmem>> -> memref<1x40x128xf32, #tpu.memory_space<vmem>>
          %get3A_474 = tpu.memref_squeeze %get3A_473 : memref<1x40x128xf32, #tpu.memory_space<vmem>> -> memref<40x128xf32, #tpu.memory_space<vmem>>
          %get3A_475 = arith.index_cast %add3A_237 : i32 to index
          %get3A_476 = arith.constant 96 : index
          %get3A_477 = tpu.vector_load %get3A_474[%get3A_475, %get3A_476] {strides = array<i32>} : memref<40x128xf32, #tpu.memory_space<vmem>>, vector<1x16xf32>,
          %get3A_478 = vector.shape_cast %get3A_477 : vector<1x16xf32> to vector<16xf32>
          %add3A_479 = arith.addf %get3A_470, %get3A_478 : vector<16xf32>
          %get3A_480 = arith.constant 0 : i32
          %get3A_481 = arith.constant 0 : i32
          %get3A_482 = tpu.memref_slice %arg12[%scan3A_225, %get3A_480, %get3A_481] : memref<2x40x128xf32, #tpu.memory_space<vmem>> -> memref<1x40x128xf32, #tpu.memory_space<vmem>>
          %get3A_483 = tpu.memref_squeeze %get3A_482 : memref<1x40x128xf32, #tpu.memory_space<vmem>> -> memref<40x128xf32, #tpu.memory_space<vmem>>
          %get3A_484 = arith.index_cast %add3A_237 : i32 to index
          %get3A_485 = arith.constant 96 : index
          %get3A_486 = tpu.vector_load %get3A_483[%get3A_484, %get3A_485] {strides = array<i32>} : memref<40x128xf32, #tpu.memory_space<vmem>>, vector<1x16xf32>,
          %get3A_487 = vector.shape_cast %get3A_486 : vector<1x16xf32> to vector<16xf32>
          %add3A_488 = arith.addf %add3A_479, %get3A_487 : vector<16xf32>
          %max3A_489 = arith.constant 0.000000e+00 : f32
          %max3A_490 = vector.broadcast %max3A_489 : f32 to vector<16xf32>
          %max3A_491 = arith.maximumf %add3A_488, %max3A_490 : vector<16xf32>
          %swap3A_492 = arith.constant 0 : i32
          %swap3A_493 = arith.constant 0 : i32
          %swap3A_494 = tpu.memref_slice %arg10[%scan3A_223, %swap3A_492, %swap3A_493] : memref<2x40x128xf32, #tpu.memory_space<vmem>> -> memref<1x40x128xf32, #tpu.memory_space<vmem>>
          %swap3A_495 = tpu.memref_squeeze %swap3A_494 : memref<1x40x128xf32, #tpu.memory_space<vmem>> -> memref<40x128xf32, #tpu.memory_space<vmem>>
          %swap3A_496 = arith.index_cast %add3A_237 : i32 to index
          %swap3A_497 = arith.constant 96 : index
          %swap3A_498 = tpu.vector_load %swap3A_495[%swap3A_496, %swap3A_497] {strides = array<i32>} : memref<40x128xf32, #tpu.memory_space<vmem>>, vector<1x16xf32>,
          %swap3A_499 = vector.shape_cast %swap3A_498 : vector<1x16xf32> to vector<16xf32>
          %swap3A_500 = vector.shape_cast %max3A_491 : vector<16xf32> to vector<1x16xf32>
          tpu.vector_store %swap3A_495[%swap3A_496, %swap3A_497], %swap3A_500 {strides = array<i32>} : memref<40x128xf32, #tpu.memory_space<vmem>>, vector<1x16xf32>,
          %get3A_501 = arith.constant 0 : i32
          %get3A_502 = arith.constant 0 : i32
          %get3A_503 = tpu.memref_slice %arg10[%scan3A_223, %get3A_501, %get3A_502] : memref<2x40x128xf32, #tpu.memory_space<vmem>> -> memref<1x40x128xf32, #tpu.memory_space<vmem>>
          %get3A_504 = tpu.memref_squeeze %get3A_503 : memref<1x40x128xf32, #tpu.memory_space<vmem>> -> memref<40x128xf32, #tpu.memory_space<vmem>>
          %get3A_505 = arith.index_cast %add3A_237 : i32 to index
          %get3A_506 = arith.constant 112 : index
          %get3A_507 = tpu.vector_load %get3A_504[%get3A_505, %get3A_506] {strides = array<i32>} : memref<40x128xf32, #tpu.memory_space<vmem>>, vector<1x16xf32>,
          %get3A_508 = vector.shape_cast %get3A_507 : vector<1x16xf32> to vector<16xf32>
          %get3A_509 = arith.constant 0 : i32
          %get3A_510 = arith.constant 0 : i32
          %get3A_511 = tpu.memref_slice %arg11[%scan3A_224, %get3A_509, %get3A_510] : memref<2x40x128xf32, #tpu.memory_space<vmem>> -> memref<1x40x128xf32, #tpu.memory_space<vmem>>
          %get3A_512 = tpu.memref_squeeze %get3A_511 : memref<1x40x128xf32, #tpu.memory_space<vmem>> -> memref<40x128xf32, #tpu.memory_space<vmem>>
          %get3A_513 = arith.index_cast %add3A_237 : i32 to index
          %get3A_514 = arith.constant 112 : index
          %get3A_515 = tpu.vector_load %get3A_512[%get3A_513, %get3A_514] {strides = array<i32>} : memref<40x128xf32, #tpu.memory_space<vmem>>, vector<1x16xf32>,
          %get3A_516 = vector.shape_cast %get3A_515 : vector<1x16xf32> to vector<16xf32>
          %add3A_517 = arith.addf %get3A_508, %get3A_516 : vector<16xf32>
          %get3A_518 = arith.constant 0 : i32
          %get3A_519 = arith.constant 0 : i32
          %get3A_520 = tpu.memref_slice %arg12[%scan3A_225, %get3A_518, %get3A_519] : memref<2x40x128xf32, #tpu.memory_space<vmem>> -> memref<1x40x128xf32, #tpu.memory_space<vmem>>
          %get3A_521 = tpu.memref_squeeze %get3A_520 : memref<1x40x128xf32, #tpu.memory_space<vmem>> -> memref<40x128xf32, #tpu.memory_space<vmem>>
          %get3A_522 = arith.index_cast %add3A_237 : i32 to index
          %get3A_523 = arith.constant 112 : index
          %get3A_524 = tpu.vector_load %get3A_521[%get3A_522, %get3A_523] {strides = array<i32>} : memref<40x128xf32, #tpu.memory_space<vmem>>, vector<1x16xf32>,
          %get3A_525 = vector.shape_cast %get3A_524 : vector<1x16xf32> to vector<16xf32>
          %add3A_526 = arith.addf %add3A_517, %get3A_525 : vector<16xf32>
          %max3A_527 = arith.constant 0.000000e+00 : f32
          %max3A_528 = vector.broadcast %max3A_527 : f32 to vector<16xf32>
          %max3A_529 = arith.maximumf %add3A_526, %max3A_528 : vector<16xf32>
          %swap3A_530 = arith.constant 0 : i32
          %swap3A_531 = arith.constant 0 : i32
          %swap3A_532 = tpu.memref_slice %arg10[%scan3A_223, %swap3A_530, %swap3A_531] : memref<2x40x128xf32, #tpu.memory_space<vmem>> -> memref<1x40x128xf32, #tpu.memory_space<vmem>>
          %swap3A_533 = tpu.memref_squeeze %swap3A_532 : memref<1x40x128xf32, #tpu.memory_space<vmem>> -> memref<40x128xf32, #tpu.memory_space<vmem>>
          %swap3A_534 = arith.index_cast %add3A_237 : i32 to index
          %swap3A_535 = arith.constant 112 : index
          %swap3A_536 = tpu.vector_load %swap3A_533[%swap3A_534, %swap3A_535] {strides = array<i32>} : memref<40x128xf32, #tpu.memory_space<vmem>>, vector<1x16xf32>,
          %swap3A_537 = vector.shape_cast %swap3A_536 : vector<1x16xf32> to vector<16xf32>
          %swap3A_538 = vector.shape_cast %max3A_529 : vector<16xf32> to vector<1x16xf32>
          tpu.vector_store %swap3A_533[%swap3A_534, %swap3A_535], %swap3A_538 {strides = array<i32>} : memref<40x128xf32, #tpu.memory_space<vmem>>, vector<1x16xf32>,
        }
        %scan3A_230 = arith.constant 40 : i32
        %run_scoped3A_231 = arith.constant 0 : i32
        %run_scoped3A_232 = arith.constant 2 : i32
        "tpu.region"() ({
          %run_scoped3A_233 = tpu.sem_alloc : memref<!tpu.dma_semaphore, #tpu.memory_space<semaphore_mem>>
          %dma_start3A_234 = arith.constant 0 : i32
          %dma_start3A_235 = arith.constant 0 : i32
          %dma_start3A_236 = tpu.memref_slice %arg10[%run_scoped3A_231, %dma_start3A_234, %dma_start3A_235] : memref<2x40x128xf32, #tpu.memory_space<vmem>> -> memref<1x40x128xf32, #tpu.memory_space<vmem>>
          %dma_start3A_237 = tpu.memref_squeeze %dma_start3A_236 : memref<1x40x128xf32, #tpu.memory_space<vmem>> -> memref<40x128xf32, #tpu.memory_space<vmem>>
          %dma_start3A_238 = arith.constant 0 : i32
          %dma_start3A_239 = tpu.memref_slice %arg9[%run_scoped3A_232, %dma_start3A_238] : memref<4x40xi32, #tpu.memory_space<vmem>> -> memref<1x40xi32, #tpu.memory_space<vmem>>
          %dma_start3A_240 = tpu.memref_squeeze %dma_start3A_239 : memref<1x40xi32, #tpu.memory_space<vmem>> -> memref<40xi32, #tpu.memory_space<vmem>>
          %dma_start3A_241 = arith.constant 0 : i32
          %dma_start3A_242 = arith.constant 0 : i32
          %dma_start3A_243 = tpu.memref_slice %arg13[%dma_start3A_241, %dma_start3A_242] : memref<10000x128xf32, #tpu.memory_space<vmem_shared>> -> memref<10000x128xf32, #tpu.memory_space<vmem_shared>>
          tpu.enqueue_indirect_dma source(%dma_start3A_237 : memref<40x128xf32, #tpu.memory_space<vmem>>) target(%dma_start3A_243 : memref<10000x128xf32, #tpu.memory_space<vmem_shared>>) offsets(%dma_start3A_240 : memref<40xi32, #tpu.memory_space<vmem>>) semaphore(%run_scoped3A_233 : memref<!tpu.dma_semaphore, #tpu.memory_space<semaphore_mem>>) {add = true}
          %dma_wait3A_244 = arith.constant 0 : i32
          %dma_wait3A_245 = arith.constant 0 : i32
          %dma_wait3A_246 = tpu.memref_slice %arg10[%run_scoped3A_231, %dma_wait3A_244, %dma_wait3A_245] : memref<2x40x128xf32, #tpu.memory_space<vmem>> -> memref<1x40x128xf32, #tpu.memory_space<vmem>>
          %dma_wait3A_247 = tpu.memref_squeeze %dma_wait3A_246 : memref<1x40x128xf32, #tpu.memory_space<vmem>> -> memref<40x128xf32, #tpu.memory_space<vmem>>
          %dma_wait3A_248 = arith.constant 0 : i32
          %dma_wait3A_249 = tpu.memref_slice %arg9[%run_scoped3A_232, %dma_wait3A_248] : memref<4x40xi32, #tpu.memory_space<vmem>> -> memref<1x40xi32, #tpu.memory_space<vmem>>
          %dma_wait3A_250 = tpu.memref_squeeze %dma_wait3A_249 : memref<1x40xi32, #tpu.memory_space<vmem>> -> memref<40xi32, #tpu.memory_space<vmem>>
          %dma_wait3A_251 = arith.constant 0 : i32
          %dma_wait3A_252 = arith.constant 0 : i32
          %dma_wait3A_253 = tpu.memref_slice %arg13[%dma_wait3A_251, %dma_wait3A_252] : memref<10000x128xf32, #tpu.memory_space<vmem_shared>> -> memref<10000x128xf32, #tpu.memory_space<vmem_shared>>
          tpu.wait_indirect_dma semaphore(%run_scoped3A_233 : memref<!tpu.dma_semaphore, #tpu.memory_space<semaphore_mem>>) src(%dma_wait3A_247 : memref<40x128xf32, #tpu.memory_space<vmem>>) dst(%dma_wait3A_253 : memref<10000x128xf32, #tpu.memory_space<vmem_shared>>)
          tpu.yield
        }) : () -> ()
      } else {
      }
      %add3A_160 = arith.constant 3 : i32
      %add3A_161 = arith.addi %add3A_139, %add3A_160 : i32
      %lt3A_162 = arith.constant 250 : i32
      %lt3A_163 = arith.cmpi slt, %add3A_161, %lt3A_162 : i32
      %convert_element_type3A_164 = arith.extui %lt3A_163 : i1 to i32
      %cond3A_165 = arith.constant 0 : i32
      %cond3A_166 = arith.cmpi ne, %convert_element_type3A_164, %cond3A_165 : i32
      scf.if %cond3A_166 {
        %add3A_167 = arith.constant 1 : i32
        %add3A_168 = arith.addi %add3A_161, %add3A_167 : i32
        %lt3A_169 = arith.constant 250 : i32
        %lt3A_170 = arith.cmpi slt, %add3A_168, %lt3A_169 : i32
        %convert_element_type3A_171 = arith.extui %lt3A_170 : i1 to i32
        %cond3A_172 = arith.constant 0 : i32
        %cond3A_173 = arith.cmpi ne, %convert_element_type3A_171, %cond3A_172 : i32
        scf.if %cond3A_173 {
          %add3A_233 = arith.constant 1 : i32
          %add3A_234 = arith.addi %add3A_161, %add3A_233 : i32
          %mul3A_235 = arith.constant 10000 : i32
          %mul3A_236 = arith.muli %add3A, %mul3A_235 : i32
          %mul3A_237 = arith.constant 40 : i32
          %mul3A_238 = arith.muli %add3A_234, %mul3A_237 : i32
          %add3A_239 = arith.addi %mul3A_236, %mul3A_238 : i32
          %dma_wait3A_240 = arith.constant 0 : i32
          %dma_wait3A_241 = arith.constant 0 : i32
          %dma_wait3A_242 = tpu.memref_slice %arg8[%dma_wait3A_240, %dma_wait3A_241] : memref<4x40xi32, #tpu.memory_space<vmem>> -> memref<1x40xi32, #tpu.memory_space<vmem>>
          %dma_wait3A_243 = tpu.memref_squeeze %dma_wait3A_242 : memref<1x40xi32, #tpu.memory_space<vmem>> -> memref<40xi32, #tpu.memory_space<vmem>>
          %dma_wait3A_244 = tpu.memref_slice %arg5[%add3A_239] : memref<320000xi32, #tpu.memory_space<hbm>> -> memref<40xi32, #tpu.memory_space<hbm>>
          %dma_wait3A_245 = arith.constant 0 : i32
          %dma_wait3A_246 = tpu.memref_slice %arg8[%dma_wait3A_240, %dma_wait3A_245] : memref<4x40xi32, #tpu.memory_space<vmem>> -> memref<1x40xi32, #tpu.memory_space<vmem>>
          %dma_wait3A_247 = tpu.memref_squeeze %dma_wait3A_246 : memref<1x40xi32, #tpu.memory_space<vmem>> -> memref<40xi32, #tpu.memory_space<vmem>>
          %dma_wait3A_248 = tpu.memref_slice %arg5[%add3A_239] : memref<320000xi32, #tpu.memory_space<hbm>> -> memref<40xi32, #tpu.memory_space<hbm>>
          tpu.wait_dma2 semaphore(%arg17 : memref<!tpu.dma_semaphore, #tpu.memory_space<semaphore_mem>>) src(%dma_wait3A_248 : memref<40xi32, #tpu.memory_space<hbm>>) dst(%dma_wait3A_247 : memref<40xi32, #tpu.memory_space<vmem>>)
          %dma_wait3A_249 = arith.constant 0 : i32
          %dma_wait3A_250 = arith.constant 0 : i32
          %dma_wait3A_251 = tpu.memref_slice %arg9[%dma_wait3A_249, %dma_wait3A_250] : memref<4x40xi32, #tpu.memory_space<vmem>> -> memref<1x40xi32, #tpu.memory_space<vmem>>
          %dma_wait3A_252 = tpu.memref_squeeze %dma_wait3A_251 : memref<1x40xi32, #tpu.memory_space<vmem>> -> memref<40xi32, #tpu.memory_space<vmem>>
          %dma_wait3A_253 = tpu.memref_slice %arg6[%add3A_239] : memref<320000xi32, #tpu.memory_space<hbm>> -> memref<40xi32, #tpu.memory_space<hbm>>
          %dma_wait3A_254 = arith.constant 0 : i32
          %dma_wait3A_255 = tpu.memref_slice %arg9[%dma_wait3A_249, %dma_wait3A_254] : memref<4x40xi32, #tpu.memory_space<vmem>> -> memref<1x40xi32, #tpu.memory_space<vmem>>
          %dma_wait3A_256 = tpu.memref_squeeze %dma_wait3A_255 : memref<1x40xi32, #tpu.memory_space<vmem>> -> memref<40xi32, #tpu.memory_space<vmem>>
          %dma_wait3A_257 = tpu.memref_slice %arg6[%add3A_239] : memref<320000xi32, #tpu.memory_space<hbm>> -> memref<40xi32, #tpu.memory_space<hbm>>
          tpu.wait_dma2 semaphore(%arg18 : memref<!tpu.dma_semaphore, #tpu.memory_space<semaphore_mem>>) src(%dma_wait3A_257 : memref<40xi32, #tpu.memory_space<hbm>>) dst(%dma_wait3A_256 : memref<40xi32, #tpu.memory_space<vmem>>)
          %add3A_258 = arith.constant 1 : i32
          %add3A_259 = arith.addi %add3A_161, %add3A_258 : i32
          %mul3A_260 = arith.constant 10000 : i32
          %mul3A_261 = arith.muli %add3A, %mul3A_260 : i32
          %mul3A_262 = arith.constant 40 : i32
          %mul3A_263 = arith.muli %add3A_259, %mul3A_262 : i32
          %add3A_264 = arith.addi %mul3A_261, %mul3A_263 : i32
          %dma_start3A_265 = arith.constant 0 : i32
          %dma_start3A_266 = arith.constant 0 : i32
          %dma_start3A_267 = arith.constant 0 : i32
          %dma_start3A_268 = arith.constant 0 : i32
          %dma_start3A_269 = tpu.memref_slice %arg10[%dma_start3A_266, %dma_start3A_267, %dma_start3A_268] : memref<2x40x128xf32, #tpu.memory_space<vmem>> -> memref<1x40x128xf32, #tpu.memory_space<vmem>>
          %dma_start3A_270 = tpu.memref_squeeze %dma_start3A_269 : memref<1x40x128xf32, #tpu.memory_space<vmem>> -> memref<40x128xf32, #tpu.memory_space<vmem>>
          %dma_start3A_271 = arith.constant 0 : i32
          %dma_start3A_272 = tpu.memref_slice %arg8[%dma_start3A_265, %dma_start3A_271] : memref<4x40xi32, #tpu.memory_space<vmem>> -> memref<1x40xi32, #tpu.memory_space<vmem>>
          %dma_start3A_273 = tpu.memref_squeeze %dma_start3A_272 : memref<1x40xi32, #tpu.memory_space<vmem>> -> memref<40xi32, #tpu.memory_space<vmem>>
          %dma_start3A_274 = arith.constant 0 : i32
          %dma_start3A_275 = arith.constant 0 : i32
          %dma_start3A_276 = tpu.memref_slice %arg2[%dma_start3A_274, %dma_start3A_275] : memref<10000x128xf32, #tpu.memory_space<hbm>> -> memref<10000x128xf32, #tpu.memory_space<hbm>>
          tpu.enqueue_indirect_dma source(%dma_start3A_276 : memref<10000x128xf32, #tpu.memory_space<hbm>>) target(%dma_start3A_270 : memref<40x128xf32, #tpu.memory_space<vmem>>) offsets(%dma_start3A_273 : memref<40xi32, #tpu.memory_space<vmem>>) semaphore(%arg14 : memref<!tpu.dma_semaphore, #tpu.memory_space<semaphore_mem>>)
          %dma_start3A_277 = arith.constant 0 : i32
          %dma_start3A_278 = arith.constant 0 : i32
          %dma_start3A_279 = arith.constant 0 : i32
          %dma_start3A_280 = arith.constant 0 : i32
          %dma_start3A_281 = tpu.memref_slice %arg11[%dma_start3A_278, %dma_start3A_279, %dma_start3A_280] : memref<2x40x128xf32, #tpu.memory_space<vmem>> -> memref<1x40x128xf32, #tpu.memory_space<vmem>>
          %dma_start3A_282 = tpu.memref_squeeze %dma_start3A_281 : memref<1x40x128xf32, #tpu.memory_space<vmem>> -> memref<40x128xf32, #tpu.memory_space<vmem>>
          %dma_start3A_283 = arith.constant 0 : i32
          %dma_start3A_284 = tpu.memref_slice %arg9[%dma_start3A_277, %dma_start3A_283] : memref<4x40xi32, #tpu.memory_space<vmem>> -> memref<1x40xi32, #tpu.memory_space<vmem>>
          %dma_start3A_285 = tpu.memref_squeeze %dma_start3A_284 : memref<1x40xi32, #tpu.memory_space<vmem>> -> memref<40xi32, #tpu.memory_space<vmem>>
          %dma_start3A_286 = arith.constant 0 : i32
          %dma_start3A_287 = arith.constant 0 : i32
          %dma_start3A_288 = tpu.memref_slice %arg3[%dma_start3A_286, %dma_start3A_287] : memref<10000x128xf32, #tpu.memory_space<hbm>> -> memref<10000x128xf32, #tpu.memory_space<hbm>>
          tpu.enqueue_indirect_dma source(%dma_start3A_288 : memref<10000x128xf32, #tpu.memory_space<hbm>>) target(%dma_start3A_282 : memref<40x128xf32, #tpu.memory_space<vmem>>) offsets(%dma_start3A_285 : memref<40xi32, #tpu.memory_space<vmem>>) semaphore(%arg15 : memref<!tpu.dma_semaphore, #tpu.memory_space<semaphore_mem>>)
          %dma_start3A_289 = arith.constant 0 : i32
          %dma_start3A_290 = arith.constant 0 : i32
          %dma_start3A_291 = arith.constant 0 : i32
          %dma_start3A_292 = tpu.memref_slice %arg12[%dma_start3A_289, %dma_start3A_290, %dma_start3A_291] : memref<2x40x128xf32, #tpu.memory_space<vmem>> -> memref<1x40x128xf32, #tpu.memory_space<vmem>>
          %dma_start3A_293 = tpu.memref_squeeze %dma_start3A_292 : memref<1x40x128xf32, #tpu.memory_space<vmem>> -> memref<40x128xf32, #tpu.memory_space<vmem>>
          %dma_start3A_294 = arith.constant 0 : i32
          %dma_start3A_295 = tpu.memref_slice %arg4[%add3A_264, %dma_start3A_294] : memref<320000x128xf32, #tpu.memory_space<hbm>> -> memref<40x128xf32, #tpu.memory_space<hbm>>
          %dma_start3A_296 = arith.constant 0 : i32
          %dma_start3A_297 = arith.constant 0 : i32
          %dma_start3A_298 = tpu.memref_slice %arg12[%dma_start3A_289, %dma_start3A_296, %dma_start3A_297] : memref<2x40x128xf32, #tpu.memory_space<vmem>> -> memref<1x40x128xf32, #tpu.memory_space<vmem>>
          %dma_start3A_299 = tpu.memref_squeeze %dma_start3A_298 : memref<1x40x128xf32, #tpu.memory_space<vmem>> -> memref<40x128xf32, #tpu.memory_space<vmem>>
          %dma_start3A_300 = arith.constant 0 : i32
          %dma_start3A_301 = tpu.memref_slice %arg4[%add3A_264, %dma_start3A_300] : memref<320000x128xf32, #tpu.memory_space<hbm>> -> memref<40x128xf32, #tpu.memory_space<hbm>>
          tpu.enqueue_dma source(%dma_start3A_301 : memref<40x128xf32, #tpu.memory_space<hbm>>) target(%dma_start3A_299 : memref<40x128xf32, #tpu.memory_space<vmem>>) target_semaphore(%arg16 : memref<!tpu.dma_semaphore, #tpu.memory_space<semaphore_mem>>)
        } else {
        }
        %add3A_174 = arith.constant 2 : i32
        %add3A_175 = arith.addi %add3A_161, %add3A_174 : i32
        %lt3A_176 = arith.constant 250 : i32
        %lt3A_177 = arith.cmpi slt, %add3A_175, %lt3A_176 : i32
        %convert_element_type3A_178 = arith.extui %lt3A_177 : i1 to i32
        %cond3A_179 = arith.constant 0 : i32
        %cond3A_180 = arith.cmpi ne, %convert_element_type3A_178, %cond3A_179 : i32
        scf.if %cond3A_180 {
          %add3A_233 = arith.constant 2 : i32
          %add3A_234 = arith.addi %add3A_161, %add3A_233 : i32
          %mul3A_235 = arith.constant 10000 : i32
          %mul3A_236 = arith.muli %add3A, %mul3A_235 : i32
          %mul3A_237 = arith.constant 40 : i32
          %mul3A_238 = arith.muli %add3A_234, %mul3A_237 : i32
          %add3A_239 = arith.addi %mul3A_236, %mul3A_238 : i32
          %dma_start3A_240 = arith.constant 1 : i32
          %dma_start3A_241 = arith.constant 0 : i32
          %dma_start3A_242 = tpu.memref_slice %arg8[%dma_start3A_240, %dma_start3A_241] : memref<4x40xi32, #tpu.memory_space<vmem>> -> memref<1x40xi32, #tpu.memory_space<vmem>>
          %dma_start3A_243 = tpu.memref_squeeze %dma_start3A_242 : memref<1x40xi32, #tpu.memory_space<vmem>> -> memref<40xi32, #tpu.memory_space<vmem>>
          %dma_start3A_244 = tpu.memref_slice %arg5[%add3A_239] : memref<320000xi32, #tpu.memory_space<hbm>> -> memref<40xi32, #tpu.memory_space<hbm>>
          %dma_start3A_245 = arith.constant 0 : i32
          %dma_start3A_246 = tpu.memref_slice %arg8[%dma_start3A_240, %dma_start3A_245] : memref<4x40xi32, #tpu.memory_space<vmem>> -> memref<1x40xi32, #tpu.memory_space<vmem>>
          %dma_start3A_247 = tpu.memref_squeeze %dma_start3A_246 : memref<1x40xi32, #tpu.memory_space<vmem>> -> memref<40xi32, #tpu.memory_space<vmem>>
          %dma_start3A_248 = tpu.memref_slice %arg5[%add3A_239] : memref<320000xi32, #tpu.memory_space<hbm>> -> memref<40xi32, #tpu.memory_space<hbm>>
          tpu.enqueue_dma source(%dma_start3A_248 : memref<40xi32, #tpu.memory_space<hbm>>) target(%dma_start3A_247 : memref<40xi32, #tpu.memory_space<vmem>>) target_semaphore(%arg17 : memref<!tpu.dma_semaphore, #tpu.memory_space<semaphore_mem>>)
          %dma_start3A_249 = arith.constant 1 : i32
          %dma_start3A_250 = arith.constant 0 : i32
          %dma_start3A_251 = tpu.memref_slice %arg9[%dma_start3A_249, %dma_start3A_250] : memref<4x40xi32, #tpu.memory_space<vmem>> -> memref<1x40xi32, #tpu.memory_space<vmem>>
          %dma_start3A_252 = tpu.memref_squeeze %dma_start3A_251 : memref<1x40xi32, #tpu.memory_space<vmem>> -> memref<40xi32, #tpu.memory_space<vmem>>
          %dma_start3A_253 = tpu.memref_slice %arg6[%add3A_239] : memref<320000xi32, #tpu.memory_space<hbm>> -> memref<40xi32, #tpu.memory_space<hbm>>
          %dma_start3A_254 = arith.constant 0 : i32
          %dma_start3A_255 = tpu.memref_slice %arg9[%dma_start3A_249, %dma_start3A_254] : memref<4x40xi32, #tpu.memory_space<vmem>> -> memref<1x40xi32, #tpu.memory_space<vmem>>
          %dma_start3A_256 = tpu.memref_squeeze %dma_start3A_255 : memref<1x40xi32, #tpu.memory_space<vmem>> -> memref<40xi32, #tpu.memory_space<vmem>>
          %dma_start3A_257 = tpu.memref_slice %arg6[%add3A_239] : memref<320000xi32, #tpu.memory_space<hbm>> -> memref<40xi32, #tpu.memory_space<hbm>>
          tpu.enqueue_dma source(%dma_start3A_257 : memref<40xi32, #tpu.memory_space<hbm>>) target(%dma_start3A_256 : memref<40xi32, #tpu.memory_space<vmem>>) target_semaphore(%arg18 : memref<!tpu.dma_semaphore, #tpu.memory_space<semaphore_mem>>)
        } else {
        }
        %mul3A_181 = arith.constant 10000 : i32
        %mul3A_182 = arith.muli %add3A, %mul3A_181 : i32
        %mul3A_183 = arith.constant 40 : i32
        %mul3A_184 = arith.muli %add3A_161, %mul3A_183 : i32
        %add3A_185 = arith.addi %mul3A_182, %mul3A_184 : i32
        %dma_wait3A_186 = arith.constant 3 : i32
        %dma_wait3A_187 = arith.constant 1 : i32
        %dma_wait3A_188 = arith.constant 0 : i32
        %dma_wait3A_189 = arith.constant 0 : i32
        %dma_wait3A_190 = tpu.memref_slice %arg10[%dma_wait3A_187, %dma_wait3A_188, %dma_wait3A_189] : memref<2x40x128xf32, #tpu.memory_space<vmem>> -> memref<1x40x128xf32, #tpu.memory_space<vmem>>
        %dma_wait3A_191 = tpu.memref_squeeze %dma_wait3A_190 : memref<1x40x128xf32, #tpu.memory_space<vmem>> -> memref<40x128xf32, #tpu.memory_space<vmem>>
        %dma_wait3A_192 = arith.constant 0 : i32
        %dma_wait3A_193 = tpu.memref_slice %arg8[%dma_wait3A_186, %dma_wait3A_192] : memref<4x40xi32, #tpu.memory_space<vmem>> -> memref<1x40xi32, #tpu.memory_space<vmem>>
        %dma_wait3A_194 = tpu.memref_squeeze %dma_wait3A_193 : memref<1x40xi32, #tpu.memory_space<vmem>> -> memref<40xi32, #tpu.memory_space<vmem>>
        %dma_wait3A_195 = arith.constant 0 : i32
        %dma_wait3A_196 = arith.constant 0 : i32
        %dma_wait3A_197 = tpu.memref_slice %arg2[%dma_wait3A_195, %dma_wait3A_196] : memref<10000x128xf32, #tpu.memory_space<hbm>> -> memref<10000x128xf32, #tpu.memory_space<hbm>>
        tpu.wait_indirect_dma semaphore(%arg14 : memref<!tpu.dma_semaphore, #tpu.memory_space<semaphore_mem>>) src(%dma_wait3A_197 : memref<10000x128xf32, #tpu.memory_space<hbm>>) dst(%dma_wait3A_191 : memref<40x128xf32, #tpu.memory_space<vmem>>)
        %dma_wait3A_198 = arith.constant 3 : i32
        %dma_wait3A_199 = arith.constant 1 : i32
        %dma_wait3A_200 = arith.constant 0 : i32
        %dma_wait3A_201 = arith.constant 0 : i32
        %dma_wait3A_202 = tpu.memref_slice %arg11[%dma_wait3A_199, %dma_wait3A_200, %dma_wait3A_201] : memref<2x40x128xf32, #tpu.memory_space<vmem>> -> memref<1x40x128xf32, #tpu.memory_space<vmem>>
        %dma_wait3A_203 = tpu.memref_squeeze %dma_wait3A_202 : memref<1x40x128xf32, #tpu.memory_space<vmem>> -> memref<40x128xf32, #tpu.memory_space<vmem>>
        %dma_wait3A_204 = arith.constant 0 : i32
        %dma_wait3A_205 = tpu.memref_slice %arg9[%dma_wait3A_198, %dma_wait3A_204] : memref<4x40xi32, #tpu.memory_space<vmem>> -> memref<1x40xi32, #tpu.memory_space<vmem>>
        %dma_wait3A_206 = tpu.memref_squeeze %dma_wait3A_205 : memref<1x40xi32, #tpu.memory_space<vmem>> -> memref<40xi32, #tpu.memory_space<vmem>>
        %dma_wait3A_207 = arith.constant 0 : i32
        %dma_wait3A_208 = arith.constant 0 : i32
        %dma_wait3A_209 = tpu.memref_slice %arg3[%dma_wait3A_207, %dma_wait3A_208] : memref<10000x128xf32, #tpu.memory_space<hbm>> -> memref<10000x128xf32, #tpu.memory_space<hbm>>
        tpu.wait_indirect_dma semaphore(%arg15 : memref<!tpu.dma_semaphore, #tpu.memory_space<semaphore_mem>>) src(%dma_wait3A_209 : memref<10000x128xf32, #tpu.memory_space<hbm>>) dst(%dma_wait3A_203 : memref<40x128xf32, #tpu.memory_space<vmem>>)
        %dma_wait3A_210 = arith.constant 1 : i32
        %dma_wait3A_211 = arith.constant 0 : i32
        %dma_wait3A_212 = arith.constant 0 : i32
        %dma_wait3A_213 = tpu.memref_slice %arg12[%dma_wait3A_210, %dma_wait3A_211, %dma_wait3A_212] : memref<2x40x128xf32, #tpu.memory_space<vmem>> -> memref<1x40x128xf32, #tpu.memory_space<vmem>>
        %dma_wait3A_214 = tpu.memref_squeeze %dma_wait3A_213 : memref<1x40x128xf32, #tpu.memory_space<vmem>> -> memref<40x128xf32, #tpu.memory_space<vmem>>
        %dma_wait3A_215 = arith.constant 0 : i32
        %dma_wait3A_216 = tpu.memref_slice %arg4[%add3A_185, %dma_wait3A_215] : memref<320000x128xf32, #tpu.memory_space<hbm>> -> memref<40x128xf32, #tpu.memory_space<hbm>>
        %dma_wait3A_217 = arith.constant 0 : i32
        %dma_wait3A_218 = arith.constant 0 : i32
        %dma_wait3A_219 = tpu.memref_slice %arg12[%dma_wait3A_210, %dma_wait3A_217, %dma_wait3A_218] : memref<2x40x128xf32, #tpu.memory_space<vmem>> -> memref<1x40x128xf32, #tpu.memory_space<vmem>>
        %dma_wait3A_220 = tpu.memref_squeeze %dma_wait3A_219 : memref<1x40x128xf32, #tpu.memory_space<vmem>> -> memref<40x128xf32, #tpu.memory_space<vmem>>
        %dma_wait3A_221 = arith.constant 0 : i32
        %dma_wait3A_222 = tpu.memref_slice %arg4[%add3A_185, %dma_wait3A_221] : memref<320000x128xf32, #tpu.memory_space<hbm>> -> memref<40x128xf32, #tpu.memory_space<hbm>>
        tpu.wait_dma2 semaphore(%arg16 : memref<!tpu.dma_semaphore, #tpu.memory_space<semaphore_mem>>) src(%dma_wait3A_222 : memref<40x128xf32, #tpu.memory_space<hbm>>) dst(%dma_wait3A_220 : memref<40x128xf32, #tpu.memory_space<vmem>>)
        %scan3A_223 = arith.constant 1 : i32
        %scan3A_224 = arith.constant 1 : i32
        %scan3A_225 = arith.constant 1 : i32
        %scan3A_226 = arith.constant 0 : i32
        %scan3A_227 = arith.constant 40 : i32
        %scan3A_228 = arith.addi %scan3A_226, %scan3A_227 : i32
        %scan3A_229 = arith.constant 1 : i32
        scf.for %scan3A_233 = %scan3A_226 to %scan3A_228 step %scan3A_229  : i32 {
          %mul3A_234 = arith.constant 1 : i32
          %mul3A_235 = arith.muli %scan3A_233, %mul3A_234 : i32
          %add3A_236 = arith.constant 0 : i32
          %add3A_237 = arith.addi %add3A_236, %mul3A_235 : i32
          %get3A = arith.constant 0 : i32
          %get3A_238 = arith.constant 0 : i32
          %get3A_239 = tpu.memref_slice %arg10[%scan3A_223, %get3A, %get3A_238] : memref<2x40x128xf32, #tpu.memory_space<vmem>> -> memref<1x40x128xf32, #tpu.memory_space<vmem>>
          %get3A_240 = tpu.memref_squeeze %get3A_239 : memref<1x40x128xf32, #tpu.memory_space<vmem>> -> memref<40x128xf32, #tpu.memory_space<vmem>>
          %get3A_241 = arith.index_cast %add3A_237 : i32 to index
          %get3A_242 = arith.constant 0 : index
          %get3A_243 = tpu.vector_load %get3A_240[%get3A_241, %get3A_242] {strides = array<i32>} : memref<40x128xf32, #tpu.memory_space<vmem>>, vector<1x16xf32>,
          %get3A_244 = vector.shape_cast %get3A_243 : vector<1x16xf32> to vector<16xf32>
          %get3A_245 = arith.constant 0 : i32
          %get3A_246 = arith.constant 0 : i32
          %get3A_247 = tpu.memref_slice %arg11[%scan3A_224, %get3A_245, %get3A_246] : memref<2x40x128xf32, #tpu.memory_space<vmem>> -> memref<1x40x128xf32, #tpu.memory_space<vmem>>
          %get3A_248 = tpu.memref_squeeze %get3A_247 : memref<1x40x128xf32, #tpu.memory_space<vmem>> -> memref<40x128xf32, #tpu.memory_space<vmem>>
          %get3A_249 = arith.index_cast %add3A_237 : i32 to index
          %get3A_250 = arith.constant 0 : index
          %get3A_251 = tpu.vector_load %get3A_248[%get3A_249, %get3A_250] {strides = array<i32>} : memref<40x128xf32, #tpu.memory_space<vmem>>, vector<1x16xf32>,
          %get3A_252 = vector.shape_cast %get3A_251 : vector<1x16xf32> to vector<16xf32>
          %add3A_253 = arith.addf %get3A_244, %get3A_252 : vector<16xf32>
          %get3A_254 = arith.constant 0 : i32
          %get3A_255 = arith.constant 0 : i32
          %get3A_256 = tpu.memref_slice %arg12[%scan3A_225, %get3A_254, %get3A_255] : memref<2x40x128xf32, #tpu.memory_space<vmem>> -> memref<1x40x128xf32, #tpu.memory_space<vmem>>
          %get3A_257 = tpu.memref_squeeze %get3A_256 : memref<1x40x128xf32, #tpu.memory_space<vmem>> -> memref<40x128xf32, #tpu.memory_space<vmem>>
          %get3A_258 = arith.index_cast %add3A_237 : i32 to index
          %get3A_259 = arith.constant 0 : index
          %get3A_260 = tpu.vector_load %get3A_257[%get3A_258, %get3A_259] {strides = array<i32>} : memref<40x128xf32, #tpu.memory_space<vmem>>, vector<1x16xf32>,
          %get3A_261 = vector.shape_cast %get3A_260 : vector<1x16xf32> to vector<16xf32>
          %add3A_262 = arith.addf %add3A_253, %get3A_261 : vector<16xf32>
          %max3A = arith.constant 0.000000e+00 : f32
          %max3A_263 = vector.broadcast %max3A : f32 to vector<16xf32>
          %max3A_264 = arith.maximumf %add3A_262, %max3A_263 : vector<16xf32>
          %swap3A = arith.constant 0 : i32
          %swap3A_265 = arith.constant 0 : i32
          %swap3A_266 = tpu.memref_slice %arg10[%scan3A_223, %swap3A, %swap3A_265] : memref<2x40x128xf32, #tpu.memory_space<vmem>> -> memref<1x40x128xf32, #tpu.memory_space<vmem>>
          %swap3A_267 = tpu.memref_squeeze %swap3A_266 : memref<1x40x128xf32, #tpu.memory_space<vmem>> -> memref<40x128xf32, #tpu.memory_space<vmem>>
          %swap3A_268 = arith.index_cast %add3A_237 : i32 to index
          %swap3A_269 = arith.constant 0 : index
          %swap3A_270 = tpu.vector_load %swap3A_267[%swap3A_268, %swap3A_269] {strides = array<i32>} : memref<40x128xf32, #tpu.memory_space<vmem>>, vector<1x16xf32>,
          %swap3A_271 = vector.shape_cast %swap3A_270 : vector<1x16xf32> to vector<16xf32>
          %swap3A_272 = vector.shape_cast %max3A_264 : vector<16xf32> to vector<1x16xf32>
          tpu.vector_store %swap3A_267[%swap3A_268, %swap3A_269], %swap3A_272 {strides = array<i32>} : memref<40x128xf32, #tpu.memory_space<vmem>>, vector<1x16xf32>,
          %get3A_273 = arith.constant 0 : i32
          %get3A_274 = arith.constant 0 : i32
          %get3A_275 = tpu.memref_slice %arg10[%scan3A_223, %get3A_273, %get3A_274] : memref<2x40x128xf32, #tpu.memory_space<vmem>> -> memref<1x40x128xf32, #tpu.memory_space<vmem>>
          %get3A_276 = tpu.memref_squeeze %get3A_275 : memref<1x40x128xf32, #tpu.memory_space<vmem>> -> memref<40x128xf32, #tpu.memory_space<vmem>>
          %get3A_277 = arith.index_cast %add3A_237 : i32 to index
          %get3A_278 = arith.constant 16 : index
          %get3A_279 = tpu.vector_load %get3A_276[%get3A_277, %get3A_278] {strides = array<i32>} : memref<40x128xf32, #tpu.memory_space<vmem>>, vector<1x16xf32>,
          %get3A_280 = vector.shape_cast %get3A_279 : vector<1x16xf32> to vector<16xf32>
          %get3A_281 = arith.constant 0 : i32
          %get3A_282 = arith.constant 0 : i32
          %get3A_283 = tpu.memref_slice %arg11[%scan3A_224, %get3A_281, %get3A_282] : memref<2x40x128xf32, #tpu.memory_space<vmem>> -> memref<1x40x128xf32, #tpu.memory_space<vmem>>
          %get3A_284 = tpu.memref_squeeze %get3A_283 : memref<1x40x128xf32, #tpu.memory_space<vmem>> -> memref<40x128xf32, #tpu.memory_space<vmem>>
          %get3A_285 = arith.index_cast %add3A_237 : i32 to index
          %get3A_286 = arith.constant 16 : index
          %get3A_287 = tpu.vector_load %get3A_284[%get3A_285, %get3A_286] {strides = array<i32>} : memref<40x128xf32, #tpu.memory_space<vmem>>, vector<1x16xf32>,
          %get3A_288 = vector.shape_cast %get3A_287 : vector<1x16xf32> to vector<16xf32>
          %add3A_289 = arith.addf %get3A_280, %get3A_288 : vector<16xf32>
          %get3A_290 = arith.constant 0 : i32
          %get3A_291 = arith.constant 0 : i32
          %get3A_292 = tpu.memref_slice %arg12[%scan3A_225, %get3A_290, %get3A_291] : memref<2x40x128xf32, #tpu.memory_space<vmem>> -> memref<1x40x128xf32, #tpu.memory_space<vmem>>
          %get3A_293 = tpu.memref_squeeze %get3A_292 : memref<1x40x128xf32, #tpu.memory_space<vmem>> -> memref<40x128xf32, #tpu.memory_space<vmem>>
          %get3A_294 = arith.index_cast %add3A_237 : i32 to index
          %get3A_295 = arith.constant 16 : index
          %get3A_296 = tpu.vector_load %get3A_293[%get3A_294, %get3A_295] {strides = array<i32>} : memref<40x128xf32, #tpu.memory_space<vmem>>, vector<1x16xf32>,
          %get3A_297 = vector.shape_cast %get3A_296 : vector<1x16xf32> to vector<16xf32>
          %add3A_298 = arith.addf %add3A_289, %get3A_297 : vector<16xf32>
          %max3A_299 = arith.constant 0.000000e+00 : f32
          %max3A_300 = vector.broadcast %max3A_299 : f32 to vector<16xf32>
          %max3A_301 = arith.maximumf %add3A_298, %max3A_300 : vector<16xf32>
          %swap3A_302 = arith.constant 0 : i32
          %swap3A_303 = arith.constant 0 : i32
          %swap3A_304 = tpu.memref_slice %arg10[%scan3A_223, %swap3A_302, %swap3A_303] : memref<2x40x128xf32, #tpu.memory_space<vmem>> -> memref<1x40x128xf32, #tpu.memory_space<vmem>>
          %swap3A_305 = tpu.memref_squeeze %swap3A_304 : memref<1x40x128xf32, #tpu.memory_space<vmem>> -> memref<40x128xf32, #tpu.memory_space<vmem>>
          %swap3A_306 = arith.index_cast %add3A_237 : i32 to index
          %swap3A_307 = arith.constant 16 : index
          %swap3A_308 = tpu.vector_load %swap3A_305[%swap3A_306, %swap3A_307] {strides = array<i32>} : memref<40x128xf32, #tpu.memory_space<vmem>>, vector<1x16xf32>,
          %swap3A_309 = vector.shape_cast %swap3A_308 : vector<1x16xf32> to vector<16xf32>
          %swap3A_310 = vector.shape_cast %max3A_301 : vector<16xf32> to vector<1x16xf32>
          tpu.vector_store %swap3A_305[%swap3A_306, %swap3A_307], %swap3A_310 {strides = array<i32>} : memref<40x128xf32, #tpu.memory_space<vmem>>, vector<1x16xf32>,
          %get3A_311 = arith.constant 0 : i32
          %get3A_312 = arith.constant 0 : i32
          %get3A_313 = tpu.memref_slice %arg10[%scan3A_223, %get3A_311, %get3A_312] : memref<2x40x128xf32, #tpu.memory_space<vmem>> -> memref<1x40x128xf32, #tpu.memory_space<vmem>>
          %get3A_314 = tpu.memref_squeeze %get3A_313 : memref<1x40x128xf32, #tpu.memory_space<vmem>> -> memref<40x128xf32, #tpu.memory_space<vmem>>
          %get3A_315 = arith.index_cast %add3A_237 : i32 to index
          %get3A_316 = arith.constant 32 : index
          %get3A_317 = tpu.vector_load %get3A_314[%get3A_315, %get3A_316] {strides = array<i32>} : memref<40x128xf32, #tpu.memory_space<vmem>>, vector<1x16xf32>,
          %get3A_318 = vector.shape_cast %get3A_317 : vector<1x16xf32> to vector<16xf32>
          %get3A_319 = arith.constant 0 : i32
          %get3A_320 = arith.constant 0 : i32
          %get3A_321 = tpu.memref_slice %arg11[%scan3A_224, %get3A_319, %get3A_320] : memref<2x40x128xf32, #tpu.memory_space<vmem>> -> memref<1x40x128xf32, #tpu.memory_space<vmem>>
          %get3A_322 = tpu.memref_squeeze %get3A_321 : memref<1x40x128xf32, #tpu.memory_space<vmem>> -> memref<40x128xf32, #tpu.memory_space<vmem>>
          %get3A_323 = arith.index_cast %add3A_237 : i32 to index
          %get3A_324 = arith.constant 32 : index
          %get3A_325 = tpu.vector_load %get3A_322[%get3A_323, %get3A_324] {strides = array<i32>} : memref<40x128xf32, #tpu.memory_space<vmem>>, vector<1x16xf32>,
          %get3A_326 = vector.shape_cast %get3A_325 : vector<1x16xf32> to vector<16xf32>
          %add3A_327 = arith.addf %get3A_318, %get3A_326 : vector<16xf32>
          %get3A_328 = arith.constant 0 : i32
          %get3A_329 = arith.constant 0 : i32
          %get3A_330 = tpu.memref_slice %arg12[%scan3A_225, %get3A_328, %get3A_329] : memref<2x40x128xf32, #tpu.memory_space<vmem>> -> memref<1x40x128xf32, #tpu.memory_space<vmem>>
          %get3A_331 = tpu.memref_squeeze %get3A_330 : memref<1x40x128xf32, #tpu.memory_space<vmem>> -> memref<40x128xf32, #tpu.memory_space<vmem>>
          %get3A_332 = arith.index_cast %add3A_237 : i32 to index
          %get3A_333 = arith.constant 32 : index
          %get3A_334 = tpu.vector_load %get3A_331[%get3A_332, %get3A_333] {strides = array<i32>} : memref<40x128xf32, #tpu.memory_space<vmem>>, vector<1x16xf32>,
          %get3A_335 = vector.shape_cast %get3A_334 : vector<1x16xf32> to vector<16xf32>
          %add3A_336 = arith.addf %add3A_327, %get3A_335 : vector<16xf32>
          %max3A_337 = arith.constant 0.000000e+00 : f32
          %max3A_338 = vector.broadcast %max3A_337 : f32 to vector<16xf32>
          %max3A_339 = arith.maximumf %add3A_336, %max3A_338 : vector<16xf32>
          %swap3A_340 = arith.constant 0 : i32
          %swap3A_341 = arith.constant 0 : i32
          %swap3A_342 = tpu.memref_slice %arg10[%scan3A_223, %swap3A_340, %swap3A_341] : memref<2x40x128xf32, #tpu.memory_space<vmem>> -> memref<1x40x128xf32, #tpu.memory_space<vmem>>
          %swap3A_343 = tpu.memref_squeeze %swap3A_342 : memref<1x40x128xf32, #tpu.memory_space<vmem>> -> memref<40x128xf32, #tpu.memory_space<vmem>>
          %swap3A_344 = arith.index_cast %add3A_237 : i32 to index
          %swap3A_345 = arith.constant 32 : index
          %swap3A_346 = tpu.vector_load %swap3A_343[%swap3A_344, %swap3A_345] {strides = array<i32>} : memref<40x128xf32, #tpu.memory_space<vmem>>, vector<1x16xf32>,
          %swap3A_347 = vector.shape_cast %swap3A_346 : vector<1x16xf32> to vector<16xf32>
          %swap3A_348 = vector.shape_cast %max3A_339 : vector<16xf32> to vector<1x16xf32>
          tpu.vector_store %swap3A_343[%swap3A_344, %swap3A_345], %swap3A_348 {strides = array<i32>} : memref<40x128xf32, #tpu.memory_space<vmem>>, vector<1x16xf32>,
          %get3A_349 = arith.constant 0 : i32
          %get3A_350 = arith.constant 0 : i32
          %get3A_351 = tpu.memref_slice %arg10[%scan3A_223, %get3A_349, %get3A_350] : memref<2x40x128xf32, #tpu.memory_space<vmem>> -> memref<1x40x128xf32, #tpu.memory_space<vmem>>
          %get3A_352 = tpu.memref_squeeze %get3A_351 : memref<1x40x128xf32, #tpu.memory_space<vmem>> -> memref<40x128xf32, #tpu.memory_space<vmem>>
          %get3A_353 = arith.index_cast %add3A_237 : i32 to index
          %get3A_354 = arith.constant 48 : index
          %get3A_355 = tpu.vector_load %get3A_352[%get3A_353, %get3A_354] {strides = array<i32>} : memref<40x128xf32, #tpu.memory_space<vmem>>, vector<1x16xf32>,
          %get3A_356 = vector.shape_cast %get3A_355 : vector<1x16xf32> to vector<16xf32>
          %get3A_357 = arith.constant 0 : i32
          %get3A_358 = arith.constant 0 : i32
          %get3A_359 = tpu.memref_slice %arg11[%scan3A_224, %get3A_357, %get3A_358] : memref<2x40x128xf32, #tpu.memory_space<vmem>> -> memref<1x40x128xf32, #tpu.memory_space<vmem>>
          %get3A_360 = tpu.memref_squeeze %get3A_359 : memref<1x40x128xf32, #tpu.memory_space<vmem>> -> memref<40x128xf32, #tpu.memory_space<vmem>>
          %get3A_361 = arith.index_cast %add3A_237 : i32 to index
          %get3A_362 = arith.constant 48 : index
          %get3A_363 = tpu.vector_load %get3A_360[%get3A_361, %get3A_362] {strides = array<i32>} : memref<40x128xf32, #tpu.memory_space<vmem>>, vector<1x16xf32>,
          %get3A_364 = vector.shape_cast %get3A_363 : vector<1x16xf32> to vector<16xf32>
          %add3A_365 = arith.addf %get3A_356, %get3A_364 : vector<16xf32>
          %get3A_366 = arith.constant 0 : i32
          %get3A_367 = arith.constant 0 : i32
          %get3A_368 = tpu.memref_slice %arg12[%scan3A_225, %get3A_366, %get3A_367] : memref<2x40x128xf32, #tpu.memory_space<vmem>> -> memref<1x40x128xf32, #tpu.memory_space<vmem>>
          %get3A_369 = tpu.memref_squeeze %get3A_368 : memref<1x40x128xf32, #tpu.memory_space<vmem>> -> memref<40x128xf32, #tpu.memory_space<vmem>>
          %get3A_370 = arith.index_cast %add3A_237 : i32 to index
          %get3A_371 = arith.constant 48 : index
          %get3A_372 = tpu.vector_load %get3A_369[%get3A_370, %get3A_371] {strides = array<i32>} : memref<40x128xf32, #tpu.memory_space<vmem>>, vector<1x16xf32>,
          %get3A_373 = vector.shape_cast %get3A_372 : vector<1x16xf32> to vector<16xf32>
          %add3A_374 = arith.addf %add3A_365, %get3A_373 : vector<16xf32>
          %max3A_375 = arith.constant 0.000000e+00 : f32
          %max3A_376 = vector.broadcast %max3A_375 : f32 to vector<16xf32>
          %max3A_377 = arith.maximumf %add3A_374, %max3A_376 : vector<16xf32>
          %swap3A_378 = arith.constant 0 : i32
          %swap3A_379 = arith.constant 0 : i32
          %swap3A_380 = tpu.memref_slice %arg10[%scan3A_223, %swap3A_378, %swap3A_379] : memref<2x40x128xf32, #tpu.memory_space<vmem>> -> memref<1x40x128xf32, #tpu.memory_space<vmem>>
          %swap3A_381 = tpu.memref_squeeze %swap3A_380 : memref<1x40x128xf32, #tpu.memory_space<vmem>> -> memref<40x128xf32, #tpu.memory_space<vmem>>
          %swap3A_382 = arith.index_cast %add3A_237 : i32 to index
          %swap3A_383 = arith.constant 48 : index
          %swap3A_384 = tpu.vector_load %swap3A_381[%swap3A_382, %swap3A_383] {strides = array<i32>} : memref<40x128xf32, #tpu.memory_space<vmem>>, vector<1x16xf32>,
          %swap3A_385 = vector.shape_cast %swap3A_384 : vector<1x16xf32> to vector<16xf32>
          %swap3A_386 = vector.shape_cast %max3A_377 : vector<16xf32> to vector<1x16xf32>
          tpu.vector_store %swap3A_381[%swap3A_382, %swap3A_383], %swap3A_386 {strides = array<i32>} : memref<40x128xf32, #tpu.memory_space<vmem>>, vector<1x16xf32>,
          %get3A_387 = arith.constant 0 : i32
          %get3A_388 = arith.constant 0 : i32
          %get3A_389 = tpu.memref_slice %arg10[%scan3A_223, %get3A_387, %get3A_388] : memref<2x40x128xf32, #tpu.memory_space<vmem>> -> memref<1x40x128xf32, #tpu.memory_space<vmem>>
          %get3A_390 = tpu.memref_squeeze %get3A_389 : memref<1x40x128xf32, #tpu.memory_space<vmem>> -> memref<40x128xf32, #tpu.memory_space<vmem>>
          %get3A_391 = arith.index_cast %add3A_237 : i32 to index
          %get3A_392 = arith.constant 64 : index
          %get3A_393 = tpu.vector_load %get3A_390[%get3A_391, %get3A_392] {strides = array<i32>} : memref<40x128xf32, #tpu.memory_space<vmem>>, vector<1x16xf32>,
          %get3A_394 = vector.shape_cast %get3A_393 : vector<1x16xf32> to vector<16xf32>
          %get3A_395 = arith.constant 0 : i32
          %get3A_396 = arith.constant 0 : i32
          %get3A_397 = tpu.memref_slice %arg11[%scan3A_224, %get3A_395, %get3A_396] : memref<2x40x128xf32, #tpu.memory_space<vmem>> -> memref<1x40x128xf32, #tpu.memory_space<vmem>>
          %get3A_398 = tpu.memref_squeeze %get3A_397 : memref<1x40x128xf32, #tpu.memory_space<vmem>> -> memref<40x128xf32, #tpu.memory_space<vmem>>
          %get3A_399 = arith.index_cast %add3A_237 : i32 to index
          %get3A_400 = arith.constant 64 : index
          %get3A_401 = tpu.vector_load %get3A_398[%get3A_399, %get3A_400] {strides = array<i32>} : memref<40x128xf32, #tpu.memory_space<vmem>>, vector<1x16xf32>,
          %get3A_402 = vector.shape_cast %get3A_401 : vector<1x16xf32> to vector<16xf32>
          %add3A_403 = arith.addf %get3A_394, %get3A_402 : vector<16xf32>
          %get3A_404 = arith.constant 0 : i32
          %get3A_405 = arith.constant 0 : i32
          %get3A_406 = tpu.memref_slice %arg12[%scan3A_225, %get3A_404, %get3A_405] : memref<2x40x128xf32, #tpu.memory_space<vmem>> -> memref<1x40x128xf32, #tpu.memory_space<vmem>>
          %get3A_407 = tpu.memref_squeeze %get3A_406 : memref<1x40x128xf32, #tpu.memory_space<vmem>> -> memref<40x128xf32, #tpu.memory_space<vmem>>
          %get3A_408 = arith.index_cast %add3A_237 : i32 to index
          %get3A_409 = arith.constant 64 : index
          %get3A_410 = tpu.vector_load %get3A_407[%get3A_408, %get3A_409] {strides = array<i32>} : memref<40x128xf32, #tpu.memory_space<vmem>>, vector<1x16xf32>,
          %get3A_411 = vector.shape_cast %get3A_410 : vector<1x16xf32> to vector<16xf32>
          %add3A_412 = arith.addf %add3A_403, %get3A_411 : vector<16xf32>
          %max3A_413 = arith.constant 0.000000e+00 : f32
          %max3A_414 = vector.broadcast %max3A_413 : f32 to vector<16xf32>
          %max3A_415 = arith.maximumf %add3A_412, %max3A_414 : vector<16xf32>
          %swap3A_416 = arith.constant 0 : i32
          %swap3A_417 = arith.constant 0 : i32
          %swap3A_418 = tpu.memref_slice %arg10[%scan3A_223, %swap3A_416, %swap3A_417] : memref<2x40x128xf32, #tpu.memory_space<vmem>> -> memref<1x40x128xf32, #tpu.memory_space<vmem>>
          %swap3A_419 = tpu.memref_squeeze %swap3A_418 : memref<1x40x128xf32, #tpu.memory_space<vmem>> -> memref<40x128xf32, #tpu.memory_space<vmem>>
          %swap3A_420 = arith.index_cast %add3A_237 : i32 to index
          %swap3A_421 = arith.constant 64 : index
          %swap3A_422 = tpu.vector_load %swap3A_419[%swap3A_420, %swap3A_421] {strides = array<i32>} : memref<40x128xf32, #tpu.memory_space<vmem>>, vector<1x16xf32>,
          %swap3A_423 = vector.shape_cast %swap3A_422 : vector<1x16xf32> to vector<16xf32>
          %swap3A_424 = vector.shape_cast %max3A_415 : vector<16xf32> to vector<1x16xf32>
          tpu.vector_store %swap3A_419[%swap3A_420, %swap3A_421], %swap3A_424 {strides = array<i32>} : memref<40x128xf32, #tpu.memory_space<vmem>>, vector<1x16xf32>,
          %get3A_425 = arith.constant 0 : i32
          %get3A_426 = arith.constant 0 : i32
          %get3A_427 = tpu.memref_slice %arg10[%scan3A_223, %get3A_425, %get3A_426] : memref<2x40x128xf32, #tpu.memory_space<vmem>> -> memref<1x40x128xf32, #tpu.memory_space<vmem>>
          %get3A_428 = tpu.memref_squeeze %get3A_427 : memref<1x40x128xf32, #tpu.memory_space<vmem>> -> memref<40x128xf32, #tpu.memory_space<vmem>>
          %get3A_429 = arith.index_cast %add3A_237 : i32 to index
          %get3A_430 = arith.constant 80 : index
          %get3A_431 = tpu.vector_load %get3A_428[%get3A_429, %get3A_430] {strides = array<i32>} : memref<40x128xf32, #tpu.memory_space<vmem>>, vector<1x16xf32>,
          %get3A_432 = vector.shape_cast %get3A_431 : vector<1x16xf32> to vector<16xf32>
          %get3A_433 = arith.constant 0 : i32
          %get3A_434 = arith.constant 0 : i32
          %get3A_435 = tpu.memref_slice %arg11[%scan3A_224, %get3A_433, %get3A_434] : memref<2x40x128xf32, #tpu.memory_space<vmem>> -> memref<1x40x128xf32, #tpu.memory_space<vmem>>
          %get3A_436 = tpu.memref_squeeze %get3A_435 : memref<1x40x128xf32, #tpu.memory_space<vmem>> -> memref<40x128xf32, #tpu.memory_space<vmem>>
          %get3A_437 = arith.index_cast %add3A_237 : i32 to index
          %get3A_438 = arith.constant 80 : index
          %get3A_439 = tpu.vector_load %get3A_436[%get3A_437, %get3A_438] {strides = array<i32>} : memref<40x128xf32, #tpu.memory_space<vmem>>, vector<1x16xf32>,
          %get3A_440 = vector.shape_cast %get3A_439 : vector<1x16xf32> to vector<16xf32>
          %add3A_441 = arith.addf %get3A_432, %get3A_440 : vector<16xf32>
          %get3A_442 = arith.constant 0 : i32
          %get3A_443 = arith.constant 0 : i32
          %get3A_444 = tpu.memref_slice %arg12[%scan3A_225, %get3A_442, %get3A_443] : memref<2x40x128xf32, #tpu.memory_space<vmem>> -> memref<1x40x128xf32, #tpu.memory_space<vmem>>
          %get3A_445 = tpu.memref_squeeze %get3A_444 : memref<1x40x128xf32, #tpu.memory_space<vmem>> -> memref<40x128xf32, #tpu.memory_space<vmem>>
          %get3A_446 = arith.index_cast %add3A_237 : i32 to index
          %get3A_447 = arith.constant 80 : index
          %get3A_448 = tpu.vector_load %get3A_445[%get3A_446, %get3A_447] {strides = array<i32>} : memref<40x128xf32, #tpu.memory_space<vmem>>, vector<1x16xf32>,
          %get3A_449 = vector.shape_cast %get3A_448 : vector<1x16xf32> to vector<16xf32>
          %add3A_450 = arith.addf %add3A_441, %get3A_449 : vector<16xf32>
          %max3A_451 = arith.constant 0.000000e+00 : f32
          %max3A_452 = vector.broadcast %max3A_451 : f32 to vector<16xf32>
          %max3A_453 = arith.maximumf %add3A_450, %max3A_452 : vector<16xf32>
          %swap3A_454 = arith.constant 0 : i32
          %swap3A_455 = arith.constant 0 : i32
          %swap3A_456 = tpu.memref_slice %arg10[%scan3A_223, %swap3A_454, %swap3A_455] : memref<2x40x128xf32, #tpu.memory_space<vmem>> -> memref<1x40x128xf32, #tpu.memory_space<vmem>>
          %swap3A_457 = tpu.memref_squeeze %swap3A_456 : memref<1x40x128xf32, #tpu.memory_space<vmem>> -> memref<40x128xf32, #tpu.memory_space<vmem>>
          %swap3A_458 = arith.index_cast %add3A_237 : i32 to index
          %swap3A_459 = arith.constant 80 : index
          %swap3A_460 = tpu.vector_load %swap3A_457[%swap3A_458, %swap3A_459] {strides = array<i32>} : memref<40x128xf32, #tpu.memory_space<vmem>>, vector<1x16xf32>,
          %swap3A_461 = vector.shape_cast %swap3A_460 : vector<1x16xf32> to vector<16xf32>
          %swap3A_462 = vector.shape_cast %max3A_453 : vector<16xf32> to vector<1x16xf32>
          tpu.vector_store %swap3A_457[%swap3A_458, %swap3A_459], %swap3A_462 {strides = array<i32>} : memref<40x128xf32, #tpu.memory_space<vmem>>, vector<1x16xf32>,
          %get3A_463 = arith.constant 0 : i32
          %get3A_464 = arith.constant 0 : i32
          %get3A_465 = tpu.memref_slice %arg10[%scan3A_223, %get3A_463, %get3A_464] : memref<2x40x128xf32, #tpu.memory_space<vmem>> -> memref<1x40x128xf32, #tpu.memory_space<vmem>>
          %get3A_466 = tpu.memref_squeeze %get3A_465 : memref<1x40x128xf32, #tpu.memory_space<vmem>> -> memref<40x128xf32, #tpu.memory_space<vmem>>
          %get3A_467 = arith.index_cast %add3A_237 : i32 to index
          %get3A_468 = arith.constant 96 : index
          %get3A_469 = tpu.vector_load %get3A_466[%get3A_467, %get3A_468] {strides = array<i32>} : memref<40x128xf32, #tpu.memory_space<vmem>>, vector<1x16xf32>,
          %get3A_470 = vector.shape_cast %get3A_469 : vector<1x16xf32> to vector<16xf32>
          %get3A_471 = arith.constant 0 : i32
          %get3A_472 = arith.constant 0 : i32
          %get3A_473 = tpu.memref_slice %arg11[%scan3A_224, %get3A_471, %get3A_472] : memref<2x40x128xf32, #tpu.memory_space<vmem>> -> memref<1x40x128xf32, #tpu.memory_space<vmem>>
          %get3A_474 = tpu.memref_squeeze %get3A_473 : memref<1x40x128xf32, #tpu.memory_space<vmem>> -> memref<40x128xf32, #tpu.memory_space<vmem>>
          %get3A_475 = arith.index_cast %add3A_237 : i32 to index
          %get3A_476 = arith.constant 96 : index
          %get3A_477 = tpu.vector_load %get3A_474[%get3A_475, %get3A_476] {strides = array<i32>} : memref<40x128xf32, #tpu.memory_space<vmem>>, vector<1x16xf32>,
          %get3A_478 = vector.shape_cast %get3A_477 : vector<1x16xf32> to vector<16xf32>
          %add3A_479 = arith.addf %get3A_470, %get3A_478 : vector<16xf32>
          %get3A_480 = arith.constant 0 : i32
          %get3A_481 = arith.constant 0 : i32
          %get3A_482 = tpu.memref_slice %arg12[%scan3A_225, %get3A_480, %get3A_481] : memref<2x40x128xf32, #tpu.memory_space<vmem>> -> memref<1x40x128xf32, #tpu.memory_space<vmem>>
          %get3A_483 = tpu.memref_squeeze %get3A_482 : memref<1x40x128xf32, #tpu.memory_space<vmem>> -> memref<40x128xf32, #tpu.memory_space<vmem>>
          %get3A_484 = arith.index_cast %add3A_237 : i32 to index
          %get3A_485 = arith.constant 96 : index
          %get3A_486 = tpu.vector_load %get3A_483[%get3A_484, %get3A_485] {strides = array<i32>} : memref<40x128xf32, #tpu.memory_space<vmem>>, vector<1x16xf32>,
          %get3A_487 = vector.shape_cast %get3A_486 : vector<1x16xf32> to vector<16xf32>
          %add3A_488 = arith.addf %add3A_479, %get3A_487 : vector<16xf32>
          %max3A_489 = arith.constant 0.000000e+00 : f32
          %max3A_490 = vector.broadcast %max3A_489 : f32 to vector<16xf32>
          %max3A_491 = arith.maximumf %add3A_488, %max3A_490 : vector<16xf32>
          %swap3A_492 = arith.constant 0 : i32
          %swap3A_493 = arith.constant 0 : i32
          %swap3A_494 = tpu.memref_slice %arg10[%scan3A_223, %swap3A_492, %swap3A_493] : memref<2x40x128xf32, #tpu.memory_space<vmem>> -> memref<1x40x128xf32, #tpu.memory_space<vmem>>
          %swap3A_495 = tpu.memref_squeeze %swap3A_494 : memref<1x40x128xf32, #tpu.memory_space<vmem>> -> memref<40x128xf32, #tpu.memory_space<vmem>>
          %swap3A_496 = arith.index_cast %add3A_237 : i32 to index
          %swap3A_497 = arith.constant 96 : index
          %swap3A_498 = tpu.vector_load %swap3A_495[%swap3A_496, %swap3A_497] {strides = array<i32>} : memref<40x128xf32, #tpu.memory_space<vmem>>, vector<1x16xf32>,
          %swap3A_499 = vector.shape_cast %swap3A_498 : vector<1x16xf32> to vector<16xf32>
          %swap3A_500 = vector.shape_cast %max3A_491 : vector<16xf32> to vector<1x16xf32>
          tpu.vector_store %swap3A_495[%swap3A_496, %swap3A_497], %swap3A_500 {strides = array<i32>} : memref<40x128xf32, #tpu.memory_space<vmem>>, vector<1x16xf32>,
          %get3A_501 = arith.constant 0 : i32
          %get3A_502 = arith.constant 0 : i32
          %get3A_503 = tpu.memref_slice %arg10[%scan3A_223, %get3A_501, %get3A_502] : memref<2x40x128xf32, #tpu.memory_space<vmem>> -> memref<1x40x128xf32, #tpu.memory_space<vmem>>
          %get3A_504 = tpu.memref_squeeze %get3A_503 : memref<1x40x128xf32, #tpu.memory_space<vmem>> -> memref<40x128xf32, #tpu.memory_space<vmem>>
          %get3A_505 = arith.index_cast %add3A_237 : i32 to index
          %get3A_506 = arith.constant 112 : index
          %get3A_507 = tpu.vector_load %get3A_504[%get3A_505, %get3A_506] {strides = array<i32>} : memref<40x128xf32, #tpu.memory_space<vmem>>, vector<1x16xf32>,
          %get3A_508 = vector.shape_cast %get3A_507 : vector<1x16xf32> to vector<16xf32>
          %get3A_509 = arith.constant 0 : i32
          %get3A_510 = arith.constant 0 : i32
          %get3A_511 = tpu.memref_slice %arg11[%scan3A_224, %get3A_509, %get3A_510] : memref<2x40x128xf32, #tpu.memory_space<vmem>> -> memref<1x40x128xf32, #tpu.memory_space<vmem>>
          %get3A_512 = tpu.memref_squeeze %get3A_511 : memref<1x40x128xf32, #tpu.memory_space<vmem>> -> memref<40x128xf32, #tpu.memory_space<vmem>>
          %get3A_513 = arith.index_cast %add3A_237 : i32 to index
          %get3A_514 = arith.constant 112 : index
          %get3A_515 = tpu.vector_load %get3A_512[%get3A_513, %get3A_514] {strides = array<i32>} : memref<40x128xf32, #tpu.memory_space<vmem>>, vector<1x16xf32>,
          %get3A_516 = vector.shape_cast %get3A_515 : vector<1x16xf32> to vector<16xf32>
          %add3A_517 = arith.addf %get3A_508, %get3A_516 : vector<16xf32>
          %get3A_518 = arith.constant 0 : i32
          %get3A_519 = arith.constant 0 : i32
          %get3A_520 = tpu.memref_slice %arg12[%scan3A_225, %get3A_518, %get3A_519] : memref<2x40x128xf32, #tpu.memory_space<vmem>> -> memref<1x40x128xf32, #tpu.memory_space<vmem>>
          %get3A_521 = tpu.memref_squeeze %get3A_520 : memref<1x40x128xf32, #tpu.memory_space<vmem>> -> memref<40x128xf32, #tpu.memory_space<vmem>>
          %get3A_522 = arith.index_cast %add3A_237 : i32 to index
          %get3A_523 = arith.constant 112 : index
          %get3A_524 = tpu.vector_load %get3A_521[%get3A_522, %get3A_523] {strides = array<i32>} : memref<40x128xf32, #tpu.memory_space<vmem>>, vector<1x16xf32>,
          %get3A_525 = vector.shape_cast %get3A_524 : vector<1x16xf32> to vector<16xf32>
          %add3A_526 = arith.addf %add3A_517, %get3A_525 : vector<16xf32>
          %max3A_527 = arith.constant 0.000000e+00 : f32
          %max3A_528 = vector.broadcast %max3A_527 : f32 to vector<16xf32>
          %max3A_529 = arith.maximumf %add3A_526, %max3A_528 : vector<16xf32>
          %swap3A_530 = arith.constant 0 : i32
          %swap3A_531 = arith.constant 0 : i32
          %swap3A_532 = tpu.memref_slice %arg10[%scan3A_223, %swap3A_530, %swap3A_531] : memref<2x40x128xf32, #tpu.memory_space<vmem>> -> memref<1x40x128xf32, #tpu.memory_space<vmem>>
          %swap3A_533 = tpu.memref_squeeze %swap3A_532 : memref<1x40x128xf32, #tpu.memory_space<vmem>> -> memref<40x128xf32, #tpu.memory_space<vmem>>
          %swap3A_534 = arith.index_cast %add3A_237 : i32 to index
          %swap3A_535 = arith.constant 112 : index
          %swap3A_536 = tpu.vector_load %swap3A_533[%swap3A_534, %swap3A_535] {strides = array<i32>} : memref<40x128xf32, #tpu.memory_space<vmem>>, vector<1x16xf32>,
          %swap3A_537 = vector.shape_cast %swap3A_536 : vector<1x16xf32> to vector<16xf32>
          %swap3A_538 = vector.shape_cast %max3A_529 : vector<16xf32> to vector<1x16xf32>
          tpu.vector_store %swap3A_533[%swap3A_534, %swap3A_535], %swap3A_538 {strides = array<i32>} : memref<40x128xf32, #tpu.memory_space<vmem>>, vector<1x16xf32>,
        }
        %scan3A_230 = arith.constant 40 : i32
        %run_scoped3A_231 = arith.constant 1 : i32
        %run_scoped3A_232 = arith.constant 3 : i32
        "tpu.region"() ({
          %run_scoped3A_233 = tpu.sem_alloc : memref<!tpu.dma_semaphore, #tpu.memory_space<semaphore_mem>>
          %dma_start3A_234 = arith.constant 0 : i32
          %dma_start3A_235 = arith.constant 0 : i32
          %dma_start3A_236 = tpu.memref_slice %arg10[%run_scoped3A_231, %dma_start3A_234, %dma_start3A_235] : memref<2x40x128xf32, #tpu.memory_space<vmem>> -> memref<1x40x128xf32, #tpu.memory_space<vmem>>
          %dma_start3A_237 = tpu.memref_squeeze %dma_start3A_236 : memref<1x40x128xf32, #tpu.memory_space<vmem>> -> memref<40x128xf32, #tpu.memory_space<vmem>>
          %dma_start3A_238 = arith.constant 0 : i32
          %dma_start3A_239 = tpu.memref_slice %arg9[%run_scoped3A_232, %dma_start3A_238] : memref<4x40xi32, #tpu.memory_space<vmem>> -> memref<1x40xi32, #tpu.memory_space<vmem>>
          %dma_start3A_240 = tpu.memref_squeeze %dma_start3A_239 : memref<1x40xi32, #tpu.memory_space<vmem>> -> memref<40xi32, #tpu.memory_space<vmem>>
          %dma_start3A_241 = arith.constant 0 : i32
          %dma_start3A_242 = arith.constant 0 : i32
          %dma_start3A_243 = tpu.memref_slice %arg13[%dma_start3A_241, %dma_start3A_242] : memref<10000x128xf32, #tpu.memory_space<vmem_shared>> -> memref<10000x128xf32, #tpu.memory_space<vmem_shared>>
          tpu.enqueue_indirect_dma source(%dma_start3A_237 : memref<40x128xf32, #tpu.memory_space<vmem>>) target(%dma_start3A_243 : memref<10000x128xf32, #tpu.memory_space<vmem_shared>>) offsets(%dma_start3A_240 : memref<40xi32, #tpu.memory_space<vmem>>) semaphore(%run_scoped3A_233 : memref<!tpu.dma_semaphore, #tpu.memory_space<semaphore_mem>>) {add = true}
          %dma_wait3A_244 = arith.constant 0 : i32
          %dma_wait3A_245 = arith.constant 0 : i32
          %dma_wait3A_246 = tpu.memref_slice %arg10[%run_scoped3A_231, %dma_wait3A_244, %dma_wait3A_245] : memref<2x40x128xf32, #tpu.memory_space<vmem>> -> memref<1x40x128xf32, #tpu.memory_space<vmem>>
          %dma_wait3A_247 = tpu.memref_squeeze %dma_wait3A_246 : memref<1x40x128xf32, #tpu.memory_space<vmem>> -> memref<40x128xf32, #tpu.memory_space<vmem>>
          %dma_wait3A_248 = arith.constant 0 : i32
          %dma_wait3A_249 = tpu.memref_slice %arg9[%run_scoped3A_232, %dma_wait3A_248] : memref<4x40xi32, #tpu.memory_space<vmem>> -> memref<1x40xi32, #tpu.memory_space<vmem>>
          %dma_wait3A_250 = tpu.memref_squeeze %dma_wait3A_249 : memref<1x40xi32, #tpu.memory_space<vmem>> -> memref<40xi32, #tpu.memory_space<vmem>>
          %dma_wait3A_251 = arith.constant 0 : i32
          %dma_wait3A_252 = arith.constant 0 : i32
          %dma_wait3A_253 = tpu.memref_slice %arg13[%dma_wait3A_251, %dma_wait3A_252] : memref<10000x128xf32, #tpu.memory_space<vmem_shared>> -> memref<10000x128xf32, #tpu.memory_space<vmem_shared>>
          tpu.wait_indirect_dma semaphore(%run_scoped3A_233 : memref<!tpu.dma_semaphore, #tpu.memory_space<semaphore_mem>>) src(%dma_wait3A_247 : memref<40x128xf32, #tpu.memory_space<vmem>>) dst(%dma_wait3A_253 : memref<10000x128xf32, #tpu.memory_space<vmem_shared>>)
          tpu.yield
        }) : () -> ()
      } else {
      }
    }
    %scan3A_128 = arith.constant 63 : i32
    %barrier3A_129 = arith.constant 0 : index
    tpu.barrier barrier_id(%barrier3A_129)
    "tpu.region"() ({
      %run_scoped3A_135 = tpu.sem_alloc : memref<!tpu.dma_semaphore, #tpu.memory_space<semaphore_mem>>
      %dma_start3A_136 = arith.constant 0 : i32
      %dma_start3A_137 = tpu.memref_slice %arg7[%arg0, %mul3A_7, %dma_start3A_136] : memref<2x10000x128xf32, #tpu.memory_space<hbm>> -> memref<1x624x128xf32, #tpu.memory_space<hbm>>
      %dma_start3A_138 = tpu.memref_squeeze %dma_start3A_137 : memref<1x624x128xf32, #tpu.memory_space<hbm>> -> memref<624x128xf32, #tpu.memory_space<hbm>>
      %dma_start3A_139 = arith.constant 0 : i32
      %dma_start3A_140 = tpu.memref_slice %arg13[%mul3A_7, %dma_start3A_139] : memref<10000x128xf32, #tpu.memory_space<vmem_shared>> -> memref<624x128xf32, #tpu.memory_space<vmem_shared>>
      tpu.enqueue_dma source(%dma_start3A_140 : memref<624x128xf32, #tpu.memory_space<vmem_shared>>) target(%dma_start3A_138 : memref<624x128xf32, #tpu.memory_space<hbm>>) target_semaphore(%run_scoped3A_135 : memref<!tpu.dma_semaphore, #tpu.memory_space<semaphore_mem>>)
      %dma_wait3A_141 = arith.constant 0 : i32
      %dma_wait3A_142 = tpu.memref_slice %arg7[%arg0, %mul3A_7, %dma_wait3A_141] : memref<2x10000x128xf32, #tpu.memory_space<hbm>> -> memref<1x624x128xf32, #tpu.memory_space<hbm>>
      %dma_wait3A_143 = tpu.memref_squeeze %dma_wait3A_142 : memref<1x624x128xf32, #tpu.memory_space<hbm>> -> memref<624x128xf32, #tpu.memory_space<hbm>>
      %dma_wait3A_144 = arith.constant 0 : i32
      %dma_wait3A_145 = tpu.memref_slice %arg13[%mul3A_7, %dma_wait3A_144] : memref<10000x128xf32, #tpu.memory_space<vmem_shared>> -> memref<624x128xf32, #tpu.memory_space<vmem_shared>>
      tpu.wait_dma2 semaphore(%run_scoped3A_135 : memref<!tpu.dma_semaphore, #tpu.memory_space<semaphore_mem>>) src(%dma_wait3A_145 : memref<624x128xf32, #tpu.memory_space<vmem_shared>>) dst(%dma_wait3A_143 : memref<624x128xf32, #tpu.memory_space<hbm>>)
      tpu.yield
    }) : () -> ()
    %eq3A_130 = arith.constant 15 : i32
    %eq3A_131 = arith.cmpi eq, %arg1, %eq3A_130 : i32
    %convert_element_type3A_132 = arith.extui %eq3A_131 : i1 to i32
    %cond3A_133 = arith.constant 0 : i32
    %cond3A_134 = arith.cmpi ne, %convert_element_type3A_132, %cond3A_133 : i32
    scf.if %cond3A_134 {
      "tpu.region"() ({
        %run_scoped3A_135 = tpu.sem_alloc : memref<!tpu.dma_semaphore, #tpu.memory_space<semaphore_mem>>
        %dma_start3A_136 = arith.constant 9984 : i32
        %dma_start3A_137 = arith.constant 0 : i32
        %dma_start3A_138 = tpu.memref_slice %arg7[%arg0, %dma_start3A_136, %dma_start3A_137] : memref<2x10000x128xf32, #tpu.memory_space<hbm>> -> memref<1x16x128xf32, #tpu.memory_space<hbm>>
        %dma_start3A_139 = tpu.memref_squeeze %dma_start3A_138 : memref<1x16x128xf32, #tpu.memory_space<hbm>> -> memref<16x128xf32, #tpu.memory_space<hbm>>
        %dma_start3A_140 = arith.constant 9984 : i32
        %dma_start3A_141 = arith.constant 0 : i32
        %dma_start3A_142 = tpu.memref_slice %arg13[%dma_start3A_140, %dma_start3A_141] : memref<10000x128xf32, #tpu.memory_space<vmem_shared>> -> memref<16x128xf32, #tpu.memory_space<vmem_shared>>
        tpu.enqueue_dma source(%dma_start3A_142 : memref<16x128xf32, #tpu.memory_space<vmem_shared>>) target(%dma_start3A_139 : memref<16x128xf32, #tpu.memory_space<hbm>>) target_semaphore(%run_scoped3A_135 : memref<!tpu.dma_semaphore, #tpu.memory_space<semaphore_mem>>)
        %dma_wait3A_143 = arith.constant 9984 : i32
        %dma_wait3A_144 = arith.constant 0 : i32
        %dma_wait3A_145 = tpu.memref_slice %arg7[%arg0, %dma_wait3A_143, %dma_wait3A_144] : memref<2x10000x128xf32, #tpu.memory_space<hbm>> -> memref<1x16x128xf32, #tpu.memory_space<hbm>>
        %dma_wait3A_146 = tpu.memref_squeeze %dma_wait3A_145 : memref<1x16x128xf32, #tpu.memory_space<hbm>> -> memref<16x128xf32, #tpu.memory_space<hbm>>
        %dma_wait3A_147 = arith.constant 9984 : i32
        %dma_wait3A_148 = arith.constant 0 : i32
        %dma_wait3A_149 = tpu.memref_slice %arg13[%dma_wait3A_147, %dma_wait3A_148] : memref<10000x128xf32, #tpu.memory_space<vmem_shared>> -> memref<16x128xf32, #tpu.memory_space<vmem_shared>>
        tpu.wait_dma2 semaphore(%run_scoped3A_135 : memref<!tpu.dma_semaphore, #tpu.memory_space<semaphore_mem>>) src(%dma_wait3A_149 : memref<16x128xf32, #tpu.memory_space<vmem_shared>>) dst(%dma_wait3A_146 : memref<16x128xf32, #tpu.memory_space<hbm>>)
        tpu.yield
      }) : () -> ()
    } else {
    }
    return
  }
}

module attributes {stable_mosaic.version = 14 : i64} {
  func.func @_cmsg_body(%arg0: i32, %arg1: memref<16x12800xf32, #tpu.memory_space<vmem>>, %arg2: memref<16x128xf32, #tpu.memory_space<vmem>>, %arg3: memref<12800x128xf32, #tpu.memory_space<vmem>>) attributes {dimension_semantics = [#tpu.dimension_semantics<parallel>], iteration_bounds = array<i64: 25>, scalar_prefetch = 0 : i64, scratch_operands = 0 : i64, tpu.core_type = #tpu.core_type<tc>, window_params = [{transform_indices = @transform_0, window_bounds = array<i64: 16, 12800>}, {pipeline_mode = #tpu.pipeline_mode<synchronous>, transform_indices = @transform_1, window_bounds = array<i64: 16, 128>}, {transform_indices = @transform_2, window_bounds = array<i64: 12800, 128>}]} {
    %get3A = arith.constant 0 : index
    %get3A_0 = arith.constant 0 : index
    %get3A_1 = vector.load %arg1[%get3A, %get3A_0] : memref<16x12800xf32, #tpu.memory_space<vmem>>, vector<16x12800xf32>
    %get3A_2 = arith.constant 0 : index
    %get3A_3 = arith.constant 0 : index
    %get3A_4 = vector.load %arg2[%get3A_2, %get3A_3] : memref<16x128xf32, #tpu.memory_space<vmem>>, vector<16x128xf32>
    %dot_general3A = arith.constant dense<0.000000e+00> : vector<12800x128xf32>
    %dot_general3A_5 = tpu.matmul %get3A_1, %get3A_4, %dot_general3A {dimension_numbers = #tpu.dot_dimension_numbers<[0], [0], [1], [1], [0, 1, 1, 1], [], []>, transpose_lhs_hint = false} : vector<16x12800xf32>, vector<16x128xf32>, vector<12800x128xf32> -> vector<12800x128xf32>
    %swap3A = arith.constant 0 : index
    %swap3A_6 = arith.constant 0 : index
    %swap3A_7 = vector.load %arg3[%swap3A, %swap3A_6] : memref<12800x128xf32, #tpu.memory_space<vmem>>, vector<12800x128xf32>
    tpu.vector_store %arg3[%swap3A, %swap3A_6], %dot_general3A_5 {strides = array<i32>} : memref<12800x128xf32, #tpu.memory_space<vmem>>, vector<12800x128xf32>,
    return
  }
  func.func @transform_0(%arg0: i32) -> (i32, i32) {
    %c0_i32 = arith.constant 0 : i32
    %c0_i32_0 = arith.constant 0 : i32
    return %c0_i32, %arg0 : i32, i32
  }
  func.func @transform_1(%arg0: i32) -> (i32, i32) {
    %c0_i32 = arith.constant 0 : i32
    %c0_i32_0 = arith.constant 0 : i32
    %c0_i32_1 = arith.constant 0 : i32
    return %c0_i32, %c0_i32_0 : i32, i32
  }
  func.func @transform_2(%arg0: i32) -> (i32, i32) {
    %c0_i32 = arith.constant 0 : i32
    %c0_i32_0 = arith.constant 0 : i32
    return %arg0, %c0_i32 : i32, i32
  }
}

module attributes {stable_mosaic.version = 14 : i64} {
  func.func @_prep_body(%arg0: i32, %arg1: memref<2000x128xf32, #tpu.memory_space<vmem>>, %arg2: memref<128x128xf32, #tpu.memory_space<vmem>>, %arg3: memref<128x128xf32, #tpu.memory_space<vmem>>, %arg4: memref<1x128xf32, #tpu.memory_space<vmem>>, %arg5: memref<2000x128xf32, #tpu.memory_space<vmem>>, %arg6: memref<2000x128xf32, #tpu.memory_space<vmem>>) attributes {dimension_semantics = [#tpu.dimension_semantics<parallel>], iteration_bounds = array<i64: 5>, scalar_prefetch = 0 : i64, scratch_operands = 0 : i64, tpu.core_type = #tpu.core_type<tc>, window_params = [{transform_indices = @transform_0, window_bounds = array<i64: 2000, 128>}, {pipeline_mode = #tpu.pipeline_mode<synchronous>, transform_indices = @transform_1, window_bounds = array<i64: 128, 128>}, {pipeline_mode = #tpu.pipeline_mode<synchronous>, transform_indices = @transform_2, window_bounds = array<i64: 128, 128>}, {pipeline_mode = #tpu.pipeline_mode<synchronous>, transform_indices = @transform_3, window_bounds = array<i64: 1, 128>}, {transform_indices = @transform_4, window_bounds = array<i64: 2000, 128>}, {transform_indices = @transform_5, window_bounds = array<i64: 2000, 128>}]} {
    %get3A = arith.constant 0 : index
    %get3A_0 = arith.constant 0 : index
    %get3A_1 = vector.load %arg1[%get3A, %get3A_0] : memref<2000x128xf32, #tpu.memory_space<vmem>>, vector<2000x128xf32>
    %get3A_2 = arith.constant 0 : index
    %get3A_3 = arith.constant 0 : index
    %get3A_4 = vector.load %arg2[%get3A_2, %get3A_3] : memref<128x128xf32, #tpu.memory_space<vmem>>, vector<128x128xf32>
    %dot_general3A = arith.constant dense<0.000000e+00> : vector<2000x128xf32>
    %dot_general3A_5 = tpu.matmul %get3A_1, %get3A_4, %dot_general3A {dimension_numbers = #tpu.dot_dimension_numbers<[1], [0], [0], [1], [0, 0, 1, 1], [], []>, transpose_lhs_hint = false} : vector<2000x128xf32>, vector<128x128xf32>, vector<2000x128xf32> -> vector<2000x128xf32>
    %swap3A = arith.constant 0 : index
    %swap3A_6 = arith.constant 0 : index
    %swap3A_7 = vector.load %arg5[%swap3A, %swap3A_6] : memref<2000x128xf32, #tpu.memory_space<vmem>>, vector<2000x128xf32>
    tpu.vector_store %arg5[%swap3A, %swap3A_6], %dot_general3A_5 {strides = array<i32>} : memref<2000x128xf32, #tpu.memory_space<vmem>>, vector<2000x128xf32>,
    %get3A_8 = arith.constant 0 : index
    %get3A_9 = arith.constant 0 : index
    %get3A_10 = vector.load %arg3[%get3A_8, %get3A_9] : memref<128x128xf32, #tpu.memory_space<vmem>>, vector<128x128xf32>
    %dot_general3A_11 = arith.constant dense<0.000000e+00> : vector<2000x128xf32>
    %dot_general3A_12 = tpu.matmul %get3A_1, %get3A_10, %dot_general3A_11 {dimension_numbers = #tpu.dot_dimension_numbers<[1], [0], [0], [1], [0, 0, 1, 1], [], []>, transpose_lhs_hint = false} : vector<2000x128xf32>, vector<128x128xf32>, vector<2000x128xf32> -> vector<2000x128xf32>
    %get3A_13 = arith.constant 0 : index
    %get3A_14 = arith.constant 0 : index
    %get3A_15 = vector.load %arg4[%get3A_13, %get3A_14] : memref<1x128xf32, #tpu.memory_space<vmem>>, vector<1x128xf32>
    %add3A = vector.broadcast %get3A_15 : vector<1x128xf32> to vector<2000x128xf32>
    %add3A_16 = arith.addf %dot_general3A_12, %add3A : vector<2000x128xf32>
    %swap3A_17 = arith.constant 0 : index
    %swap3A_18 = arith.constant 0 : index
    %swap3A_19 = vector.load %arg6[%swap3A_17, %swap3A_18] : memref<2000x128xf32, #tpu.memory_space<vmem>>, vector<2000x128xf32>
    tpu.vector_store %arg6[%swap3A_17, %swap3A_18], %add3A_16 {strides = array<i32>} : memref<2000x128xf32, #tpu.memory_space<vmem>>, vector<2000x128xf32>,
    return
  }
  func.func @transform_0(%arg0: i32) -> (i32, i32) {
    %c0_i32 = arith.constant 0 : i32
    %c0_i32_0 = arith.constant 0 : i32
    return %arg0, %c0_i32 : i32, i32
  }
  func.func @transform_1(%arg0: i32) -> (i32, i32) {
    %c0_i32 = arith.constant 0 : i32
    %c0_i32_0 = arith.constant 0 : i32
    %c0_i32_1 = arith.constant 0 : i32
    return %c0_i32, %c0_i32_0 : i32, i32
  }
  func.func @transform_2(%arg0: i32) -> (i32, i32) {
    %c0_i32 = arith.constant 0 : i32
    %c0_i32_0 = arith.constant 0 : i32
    %c0_i32_1 = arith.constant 0 : i32
    return %c0_i32, %c0_i32_0 : i32, i32
  }
  func.func @transform_3(%arg0: i32) -> (i32, i32) {
    %c0_i32 = arith.constant 0 : i32
    %c0_i32_0 = arith.constant 0 : i32
    %c0_i32_1 = arith.constant 0 : i32
    return %c0_i32, %c0_i32_0 : i32, i32
  }
  func.func @transform_4(%arg0: i32) -> (i32, i32) {
    %c0_i32 = arith.constant 0 : i32
    %c0_i32_0 = arith.constant 0 : i32
    return %arg0, %c0_i32 : i32, i32
  }
  func.func @transform_5(%arg0: i32) -> (i32, i32) {
    %c0_i32 = arith.constant 0 : i32
    %c0_i32_0 = arith.constant 0 : i32
    return %arg0, %c0_i32 : i32, i32
  }
}

module attributes {stable_mosaic.version = 14 : i64} {
  func.func @_update_body(%arg0: i32, %arg1: memref<2000x128xf32, #tpu.memory_space<vmem>>, %arg2: memref<2000x128xf32, #tpu.memory_space<vmem>>, %arg3: memref<2000x128xf32, #tpu.memory_space<vmem>>, %arg4: memref<128x128xf32, #tpu.memory_space<vmem>>, %arg5: memref<128x128xf32, #tpu.memory_space<vmem>>, %arg6: memref<1x128xf32, #tpu.memory_space<vmem>>, %arg7: memref<2000x128xf32, #tpu.memory_space<vmem>>) attributes {dimension_semantics = [#tpu.dimension_semantics<parallel>], iteration_bounds = array<i64: 5>, scalar_prefetch = 0 : i64, scratch_operands = 0 : i64, tpu.core_type = #tpu.core_type<tc>, window_params = [{transform_indices = @transform_0, window_bounds = array<i64: 2000, 128>}, {transform_indices = @transform_1, window_bounds = array<i64: 2000, 128>}, {transform_indices = @transform_2, window_bounds = array<i64: 2000, 128>}, {pipeline_mode = #tpu.pipeline_mode<synchronous>, transform_indices = @transform_3, window_bounds = array<i64: 128, 128>}, {pipeline_mode = #tpu.pipeline_mode<synchronous>, transform_indices = @transform_4, window_bounds = array<i64: 128, 128>}, {pipeline_mode = #tpu.pipeline_mode<synchronous>, transform_indices = @transform_5, window_bounds = array<i64: 1, 128>}, {transform_indices = @transform_6, window_bounds = array<i64: 2000, 128>}]} {
    %get3A = arith.constant 0 : index
    %get3A_0 = arith.constant 0 : index
    %get3A_1 = vector.load %arg1[%get3A, %get3A_0] : memref<2000x128xf32, #tpu.memory_space<vmem>>, vector<2000x128xf32>
    %get3A_2 = arith.constant 0 : index
    %get3A_3 = arith.constant 0 : index
    %get3A_4 = vector.load %arg2[%get3A_2, %get3A_3] : memref<2000x128xf32, #tpu.memory_space<vmem>>, vector<2000x128xf32>
    %get3A_5 = arith.constant 0 : index
    %get3A_6 = arith.constant 0 : index
    %get3A_7 = vector.load %arg3[%get3A_5, %get3A_6] : memref<2000x128xf32, #tpu.memory_space<vmem>>, vector<2000x128xf32>
    %add3A = arith.addf %get3A_4, %get3A_7 : vector<2000x128xf32>
    %get3A_8 = arith.constant 0 : index
    %get3A_9 = arith.constant 0 : index
    %get3A_10 = vector.load %arg4[%get3A_8, %get3A_9] : memref<128x128xf32, #tpu.memory_space<vmem>>, vector<128x128xf32>
    %dot_general3A = arith.constant dense<0.000000e+00> : vector<2000x128xf32>
    %dot_general3A_11 = tpu.matmul %get3A_1, %get3A_10, %dot_general3A {dimension_numbers = #tpu.dot_dimension_numbers<[1], [0], [0], [1], [0, 0, 1, 1], [], []>, transpose_lhs_hint = false} : vector<2000x128xf32>, vector<128x128xf32>, vector<2000x128xf32> -> vector<2000x128xf32>
    %get3A_12 = arith.constant 0 : index
    %get3A_13 = arith.constant 0 : index
    %get3A_14 = vector.load %arg5[%get3A_12, %get3A_13] : memref<128x128xf32, #tpu.memory_space<vmem>>, vector<128x128xf32>
    %dot_general3A_15 = arith.constant dense<0.000000e+00> : vector<2000x128xf32>
    %dot_general3A_16 = tpu.matmul %add3A, %get3A_14, %dot_general3A_15 {dimension_numbers = #tpu.dot_dimension_numbers<[1], [0], [0], [1], [0, 0, 1, 1], [], []>, transpose_lhs_hint = false} : vector<2000x128xf32>, vector<128x128xf32>, vector<2000x128xf32> -> vector<2000x128xf32>
    %add3A_17 = arith.addf %dot_general3A_11, %dot_general3A_16 : vector<2000x128xf32>
    %get3A_18 = arith.constant 0 : index
    %get3A_19 = arith.constant 0 : index
    %get3A_20 = vector.load %arg6[%get3A_18, %get3A_19] : memref<1x128xf32, #tpu.memory_space<vmem>>, vector<1x128xf32>
    %add3A_21 = vector.broadcast %get3A_20 : vector<1x128xf32> to vector<2000x128xf32>
    %add3A_22 = arith.addf %add3A_17, %add3A_21 : vector<2000x128xf32>
    %max3A = arith.constant 0.000000e+00 : f32
    %max3A_23 = vector.broadcast %max3A : f32 to vector<2000x128xf32>
    %max3A_24 = arith.maximumf %add3A_22, %max3A_23 : vector<2000x128xf32>
    %add3A_25 = arith.addf %get3A_1, %max3A_24 : vector<2000x128xf32>
    %swap3A = arith.constant 0 : index
    %swap3A_26 = arith.constant 0 : index
    %swap3A_27 = vector.load %arg7[%swap3A, %swap3A_26] : memref<2000x128xf32, #tpu.memory_space<vmem>>, vector<2000x128xf32>
    tpu.vector_store %arg7[%swap3A, %swap3A_26], %add3A_25 {strides = array<i32>} : memref<2000x128xf32, #tpu.memory_space<vmem>>, vector<2000x128xf32>,
    return
  }
  func.func @transform_0(%arg0: i32) -> (i32, i32) {
    %c0_i32 = arith.constant 0 : i32
    %c0_i32_0 = arith.constant 0 : i32
    return %arg0, %c0_i32 : i32, i32
  }
  func.func @transform_1(%arg0: i32) -> (i32, i32) {
    %c0_i32 = arith.constant 0 : i32
    %c0_i32_0 = arith.constant 0 : i32
    return %arg0, %c0_i32 : i32, i32
  }
  func.func @transform_2(%arg0: i32) -> (i32, i32) {
    %c0_i32 = arith.constant 0 : i32
    %c0_i32_0 = arith.constant 0 : i32
    return %arg0, %c0_i32 : i32, i32
  }
  func.func @transform_3(%arg0: i32) -> (i32, i32) {
    %c0_i32 = arith.constant 0 : i32
    %c0_i32_0 = arith.constant 0 : i32
    %c0_i32_1 = arith.constant 0 : i32
    return %c0_i32, %c0_i32_0 : i32, i32
  }
  func.func @transform_4(%arg0: i32) -> (i32, i32) {
    %c0_i32 = arith.constant 0 : i32
    %c0_i32_0 = arith.constant 0 : i32
    %c0_i32_1 = arith.constant 0 : i32
    return %c0_i32, %c0_i32_0 : i32, i32
  }
  func.func @transform_5(%arg0: i32) -> (i32, i32) {
    %c0_i32 = arith.constant 0 : i32
    %c0_i32_0 = arith.constant 0 : i32
    %c0_i32_1 = arith.constant 0 : i32
    return %c0_i32, %c0_i32_0 : i32, i32
  }
  func.func @transform_6(%arg0: i32) -> (i32, i32) {
    %c0_i32 = arith.constant 0 : i32
    %c0_i32_0 = arith.constant 0 : i32
    return %arg0, %c0_i32 : i32, i32
  }
}

</mosaic_0001>

<sc_bundles>
// kernel: kernel.6.cloned.1.call-start
scs
__scs_entry_jumppad:
0x0: {  	(pc) =	sbr.rel $0x88, $3  }
0x1: {  	(tag) =	ssettag $0x0;
	lr =	simm.s32 $0x1  }
0x2: {  	[smem:$0x3F9A] =	sst lr;
	_ =	strace $0xD0000000  }
0x3: {  	_ = 	snop  }
0x4: {  	_ = 	snop  }
0x5: {  	_ = 	snop  }
0x6: {  	_ = 	snop  }
0x7: {  	_ = 	snop  }
__scs_overlays_trampoline_lowered:
0x8: {  	[smem:$0x3FA9] =	sst s0  }
0x9: {  	[smem:$0x3FAA] =	sst s1  }
0xa: {  	[smem:$0x3FAB] =	sst s2  }
0xb: {  	[smem:$0x3FAC] =	sst s3  }
0xc: {  	[smem:$0x3FAD] =	sst s4  }
0xd: {  	[smem:$0x3FAE] =	sst s5  }
0xe: {  	[smem:$0x3FAF] =	sst s6  }
0xf: {  	[smem:$0x3FB0] =	sst s7  }
0x10: {  	[smem:$0x3FB1] =	sst s8  }
0x11: {  	[smem:$0x3FB2] =	sst s9;
	s0 =	simm.s32 @!p0 $0x0  }
0x12: {  	s1 =	sld [smem:$0x3F98];
	s0 =	simm.s32 @p0 $0x1  }
0x13: {  	[smem:$0x3FB3] =	sst s0;
	s0 =	simm.s32 @!p1 $0x0  }
0x14: {  	s2 =	sld [smem:$0x3F97];
	s0 =	simm.s32 @p1 $0x1  }
0x15: {  	[smem:$0x3FB4] =	sst s0;
	s0 =	simm.s32 @!p2 $0x0  }
0x16: {  	s3 =	sld [smem:$0x3FDB];
	s0 =	simm.s32 @p2 $0x1  }
0x17: {  	s4 =	simm.s32 $0x1BF5;
	[smem:$0x3FB6] =	sst s0  }
0x18: {  	s0 =	sld [smem:$0x3F99];
	_ =	swait.ge [sflag:s4], $0x0  }
0x19: {  	s7 =	sld [smem:$0x3F9A]  }
0x1a: {  	s8 =	sadd.s32 $0xFFFFE003, lr  }
0x1b: {  	s9 =	sadd.s32 $0xFFFFFEF7, lr;
	s5 =	simm.s32 $0xFFFFFFFF;
	p2 =	slt.u32 s8, $0xFFFFF086  }
0x1c: {  	p1 =	slt.u32 s9, $0xF7A;
	s5 =	simm.s32 @!p2 $0x0  }
0x1d: {  	s5 =	simm.s32 @p1 $0x1;
	p0 =	seq.s32 s7, s2  }
0x1e: {  	s7 =	smul.u32 @!p0 $0xF7A, s2;
	p2 =	seq.s32 @!p0 s5, $0x0  }
0x1f: {  	s9 =	smul.u32 $0xF7A, s1;
	s8 =	simm.s32 @!p0 $0x1BF5;
	p2 =	por !p2, p0  }
0x20: {  	[sflag:s8] =	ssyncset.s32 @!p0 $0xFFFFF086;
	s6 =	sadd.s32 @!p0 s3, s7;
	s7 =	simm.s32 @!p0 $0x108  }
0x21: {  	s3 =	sadd.s32 s3, s9;
	s6 =	sadd.s32 @!p0 $0x88, s6;
	s7 =	simm.s32 @p2 $0x1082  }
0x22: {  	[simem:s7], [sflag:s8] =	dma.local @!p0 [hbm:s6], $0xF7A  }
0x23: {  	s9 =	sor.u32 $0xD0000000, s2;
	s6 =	simm.s32 $0x108;
	_ =	swait.ge @!p0 [sflag:s8], $0x0  }
0x24: {  	s3 =	sadd.s32 $0x88, s3;
	s6 =	simm.s32 @!p1 $0x1082;
	[sflag:s4] =	ssyncset.s32 $0xFFFFF086  }
0x25: {  	[simem:s6], [sflag:s4] =	dma.local [hbm:s3], $0xF7A  }
0x26: {  	[smem:$0x3F9A] =	sst s1;
	(tag) =	ssettag s2;
	_ =	strace s9  }
0x27: {  	s1 =	sld [smem:$0x3FAA]  }
0x28: {  	s2 =	sld [smem:$0x3FAB]  }
0x29: {  	s4 =	sld [smem:$0x3FAD]  }
0x2a: {  	p0 =	seq.s32 s5, $0x0;
	s5 =	sld [smem:$0x3FAE]  }
0x2b: {  	s6 =	sld [smem:$0x3FAF]  }
0x2c: {  	s7 =	sld [smem:$0x3FB0]  }
0x2d: {  	s3 =	simm.s32 $0x108;
	s8 =	sld [smem:$0x3FB1]  }
0x2e: {  	s3 =	simm.s32 @!p0 $0x1082;
	s9 =	sld [smem:$0x3FB2]  }
0x2f: {  	lr =	sadd.s32 s0, s3;
	s0 =	sld [smem:$0x3FA9]  }
0x30: {  	s3 =	sld [smem:$0x3FAC]  }
0x31: {  	[smem:$0x3FB5] =	sst s10  }
0x32: {  	s10 =	sld [smem:$0x3FB3];
	_ =	sdelay $0x3  }
0x33: {  	p0 =	seq.s32 s10, $0x1;
	s10 =	sld [smem:$0x3FB5];
	_ =	sdelay $0x3  }
0x34: {  	[smem:$0x3FB5] =	sst s10  }
0x35: {  	s10 =	sld [smem:$0x3FB4];
	_ =	sdelay $0x3  }
0x36: {  	p1 =	seq.s32 s10, $0x1;
	s10 =	sld [smem:$0x3FB5];
	_ =	sdelay $0x3  }
0x37: {  	[smem:$0x3FB5] =	sst s10  }
0x38: {  	s10 =	sld [smem:$0x3FB6]  }
0x39: {  	_ = 	snop;
	(pc) =	sbr.ind lr, $3  }
0x3a: {  	_ = 	snop  }
0x3b: {  	_ = 	snop  }
0x3c: {  	p2 =	seq.s32 s10, $0x1;
	s10 =	sld [smem:$0x3FB5]  }
0x3d: {  	_ =	shalt  }
0x3e: {  	_ =	shalt  }
0x3f: {  	_ =	shalt  }
0x40: {  	_ =	shalt  }
0x41: {  	_ =	shalt  }
0x42: {  	_ =	shalt  }
0x43: {  	_ =	shalt  }
0x44: {  	_ =	shalt  }
0x45: {  	_ =	shalt  }
0x46: {  	_ =	shalt  }
0x47: {  	_ =	shalt  }
0x48: {  	_ =	shalt  }
0x49: {  	_ =	shalt  }
0x4a: {  	_ =	shalt  }
0x4b: {  	_ =	shalt  }
0x4c: {  	_ =	shalt  }
0x4d: {  	_ =	shalt  }
0x4e: {  	_ =	shalt  }
0x4f: {  	_ =	shalt  }
0x50: {  	_ =	shalt  }
0x51: {  	_ =	shalt  }
0x52: {  	_ =	shalt  }
0x53: {  	_ =	shalt  }
0x54: {  	_ =	shalt  }
0x55: {  	_ =	shalt  }
0x56: {  	_ =	shalt  }
0x57: {  	_ =	shalt  }
0x58: {  	_ =	shalt  }
0x59: {  	_ =	shalt  }
0x5a: {  	_ =	shalt  }
0x5b: {  	_ =	shalt  }
0x5c: {  	_ =	shalt  }
0x5d: {  	_ =	shalt  }
0x5e: {  	_ =	shalt  }
0x5f: {  	_ =	shalt  }
0x60: {  	_ =	shalt  }
0x61: {  	_ =	shalt  }
0x62: {  	_ =	shalt  }
0x63: {  	_ =	shalt  }
0x64: {  	_ =	shalt  }
0x65: {  	_ =	shalt  }
0x66: {  	_ =	shalt  }
0x67: {  	_ =	shalt  }
0x68: {  	_ =	shalt  }
0x69: {  	_ =	shalt  }
0x6a: {  	_ =	shalt  }
0x6b: {  	_ =	shalt  }
0x6c: {  	_ =	shalt  }
0x6d: {  	_ =	shalt  }
0x6e: {  	_ =	shalt  }
0x6f: {  	_ =	shalt  }
0x70: {  	_ =	shalt  }
0x71: {  	_ =	shalt  }
0x72: {  	_ =	shalt  }
0x73: {  	_ =	shalt  }
0x74: {  	_ =	shalt  }
0x75: {  	_ =	shalt  }
0x76: {  	_ =	shalt  }
0x77: {  	_ =	shalt  }
0x78: {  	_ =	shalt  }
0x79: {  	_ =	shalt  }
0x7a: {  	_ =	shalt  }
0x7b: {  	_ =	shalt  }
0x7c: {  	_ =	shalt  }
0x7d: {  	_ =	shalt  }
0x7e: {  	_ =	shalt  }
0x7f: {  	_ =	shalt  }
0x80: {  	_ =	shalt  }
0x81: {  	_ =	shalt  }
0x82: {  	_ =	shalt  }
0x83: {  	_ =	shalt  }
0x84: {  	_ =	shalt  }
0x85: {  	_ =	shalt  }
0x86: {  	_ =	shalt  }
0x87: {  	_ =	shalt  }
.Lfunc_end0:
.L_simem_size_0:
called_computation_lowered:
.L_overlay_start_0:
0x88: {  	s2 =	sld [smem:$0x3FD9]  }
0x89: {  	s3 =	sld [smem:$0x3FFE];
	_ =	sdelay $0x1  }
0x8a: {  	s1 =	srdreg.scid  }
0x8b: {  	s0 =	sand.u32 $0x1, s1  }
0x8c: {  	s17 =	sshll.u32 s0, $0xA;
	s2 =	sadd.s32 s3, s2  }
0x8d: {  	s2 =	sadd.s32 s2, s17  }
0x8e: {  	[smem:$0x3FC1] =	sst s2  }
0x8f: {  	_ = 	snop  }
0x90: {  	s2 =	sld [smem:$0x3FD0];
	(tm) =	ssettm $0x1  }
0x91: {  	s18 =	sld [smem:$0x3FFB];
	_ =	sdelay $0x3  }
0x92: {  	_ =	strace s18  }
0x93: {  	s3 =	sld [smem:$0x3FFC];
	_ =	sdelay $0x3  }
0x94: {  	_ =	strace s3  }
0x95: {  	s3 =	sld [smem:$0x3FFD];
	_ =	sdelay $0x3  }
0x96: {  	_ =	strace s3  }
0x97: {  	_ =	strace $0x8FFFFFFF  }
0x98: {  	s19 =	sld [smem:$0x3FDB];
	_ =	sdelay $0x1  }
0x99: {  	s4 =	simm.s32 $_scs_section_size  }
0x9a: {  	s5 =	simm.s32 $_size__tile_overlayer_lowered;
	s6 =	simm.s32 $_tile_overlayer_lowered  }
0x9b: {  	s22 =	simm.s32 $0x1BFF;
	s21 =	sshll.u32 s6, $0x1;
	s3 =	sadd.s32 s4, s19  }
0x9c: {  	s7 =	simm.s32 $0x0;
	s20 =	sshll.u32 s5, $0x1;
	s5 =	sadd.s32 s21, s3  }
0x9d: {  	[timem:s7], [sflag:s22] =	dma.local [hbm:s5], s20  }
0x9e: {  	_ =	swait.ge [sflag:s22], s20  }
0x9f: {  	s4 =	ssub.s32 $0x0, s20;
	[sflag:s22] =	ssyncset.done $0x0  }
0xa0: {  	[sflag:s22] =	ssyncadd.s32 s4;
	_ =	sdelay $0x1  }
0xa1: {  	s23 =	simm.s32 $0x1B8B  }
0xa2: {  	_ =	swait.ge [sflag:s23], $0x1  }
0xa3: {  	[sflag:s23] =	ssyncset.done $0x0  }
0xa4: {  	s25 =	simm.s32 $0x1B8E;
	s24 =	sld [smem:$0x3FFE];
	[sflag:s23] =	ssyncadd.s32 $0xFFFFFFFF  }
0xa5: {  	s26 =	simm.s32 $execute0_lowered;
	[smem:$0x3FD2] =	sst s25  }
0xa6: {  	s5 =	sshll.u32 s26, $0x1;
	_ =	strace $0x80000046;
	[dreg:$0x1] =	wrdreg $0xFFFFFFFF  }
0xa7: {  	s28 =	simm.s32 $_size_execute0_lowered;
	s3 =	sadd.s32 s3, s5;
	[dreg:$0x0] =	wrdreg $0x0  }
0xa8: {  	s5 =	sshll.u32 s28, $0x1;
	[dreg:$0x2] =	wrdreg s3  }
0xa9: {  	[dreg:$0x3] =	wrdreg s5  }
0xaa: {  	[dreg:$0x4] =	wrdreg $0xC0  }
0xab: {  	_ =	task [dreg:s7], $0x5FFFF  }
0xac: {  	[dreg:$0x1] =	wrdreg $0xFFFFFFFF  }
0xad: {  	[dreg:$0x0] =	wrdreg $0x60  }
0xae: {  	[dreg:$0x2] =	wrdreg s2  }
0xaf: {  	[dreg:$0x3] =	wrdreg s24  }
0xb0: {  	[dreg:$0x4] =	wrdreg $0x7C000  }
0xb1: {  	[dreg:$0x5] =	wrdreg $0x9  }
0xb2: {  	_ =	task.clear_ibuf [dreg:s7], $0x6FFFF;
	_ =	strace $0x90000046  }
0xb3: {  	s29 =	simm.s32 $0x9;
	_ =	strace $0x80000048  }
0xb4: {  	_ =	swait.ge [sflag:s29], $0x1  }
0xb5: {  	[sflag:s29] =	ssyncadd.s32 $0xFFFFFFFF  }
0xb6: {  	_ =	strace $0x90000048  }
0xb7: {  	_ =	sfence  }
0xb8: {  	s30 =	sld [smem:$0x0];
	_ =	sdelay $0x2  }
0xb9: {  	s31 =	sshll.u32 s1, $0xD;
	s1 =	sshrl.u32 s1, $0x2  }
0xba: {  	s3 =	sand.u32 $0x4000, s31;
	s1 =	sadd.s32 s1, s30  }
0xbb: {  	s0 =	sor.u32 s3, s0;
	s1 =	sshll.u32 s1, $0x11  }
0xbc: {  	s0 =	sor.u32 s1, s0  }
0xbd: {  	s0 =	sadd.s32 $0x8F2B, s0  }
0xbe: {  	[sflag:s0] =	ssyncadd.remote.s32 $0x1  }
0xbf: {  	_ =	sfence.sel $0xFFFF  }
0xc0: {  	[dreg:$0x0] =	wrdreg $0xFFFFFFFF;
	(pc) =	sbr.abs _section_cstart, $3  }
0xc1: {  	[dreg:$0x1] =	wrdreg $0xFFFFFFFF  }
0xc2: {  	_ =	task.clear_ibuf [dreg:s7], $0x2FFFF;
	_ =	strace $0x9FFFFFFF  }
0xc3: {  	(tm) =	ssettm $0x7FFFFFFF  }
tec
execute0_lowered:
.L_overlay_start_1:
0x0: {  	(tag) =	ssettag $0x1  }
0x1: {  	s1 =	rddreg [dreg:$0x0]  }
0x2: {  	s0 =	rddreg [dreg:$0x1]  }
0x3: {  	s2 =	rddreg [dreg:$0x2];
	s3 =	simm.s32 $0x0;
	s19 =	srdreg.scid  }
0x4: {  	s15 =	stileid.u32;
	s28 =	simm.s32 $0x28;
	s31 =	simm.s32 $0x1800  }
0x5: {  	[smem:$0x7FF] =	sst s3;
	s5 =	sadd.s32 $0x4F7600, s0;
	s6 =	sadd.s32 $0x15600, s0  }
0x6: {  	s7 =	sadd.s32 $0xB800, s0;
	s8 =	sadd.s32 $0x1A00, s0;
	s4 =	smul.u32 $0x4E000, s15  }
0x7: {  	s3 =	sand.u32 $0x1, s19;
	s10 =	sshll.u32 s15, $0x1;
	s19 =	sadd.s32 $0x138000, s2  }
0x8: {  	_ =	strace $0x80000047;
	s12 =	sor.u32 s3, s10;
	s4 =	sshrl.u32 s4, $0x2  }
0x9: {  	[dreg:$0x6] =	wrdreg s19;
	s10 =	smul.u32 $0x2710, s12;
	s17 =	sadd.s32 s4, s2  }
0xa: {  	s14 =	smul.u32 $0x13800, s15;
	s4 =	sadd.s32 $0x12C00, s17;
	[dreg:$0x4] =	wrdreg s17  }
0xb: {  	s9 =	ssub.s32 $0x2, s3;
	s29 =	sadd.s32 $0xA0, s10;
	[dreg:$0x5] =	wrdreg s4  }
0xc: {  	s3 =	smul.u32 $0x138800, s3;
	s30 =	sadd.s32 $0xC8, s10;
	[dreg:$0xc] =	wrdreg s29  }
0xd: {  	s20 =	smul.u32 $0x27100, s12;
	s12 =	sadd.s32 $0x1400, s17;
	[dreg:$0xd] =	wrdreg s30  }
0xe: {  	s26 =	sadd.s32 s14, s3;
	s14 =	sadd.s32 $0x2800, s17;
	[dreg:$0x11] =	wrdreg s12  }
0xf: {  	p0 =	sne.s32 s15, $0xF;
	s15 =	sadd.s32 $0x3C00, s17;
	[dreg:$0x12] =	wrdreg s14  }
0x10: {  	s0 =	sadd.s32 $0x51E800, s0;
	s16 =	sadd.s32 $0x5000, s17;
	[dreg:$0x13] =	wrdreg s15  }
0x11: {  	s21 =	sshrl.u32 s10, $0x3;
	s18 =	sadd.s32 $0x6400, s17;
	[dreg:$0x14] =	wrdreg s16  }
0x12: {  	s11 =	sshrl.u32 s9, $0x1;
	s22 =	sadd.s32 s7, s21;
	[dreg:$0x15] =	wrdreg s18  }
0x13: {  	s9 =	ssub.s32 s9, s11;
	s11 =	sadd.s32 s8, s21;
	[dreg:$0x7] =	wrdreg s22  }
0x14: {  	s3 =	sshrl.u32 s3, $0x3;
	s4 =	sadd.s32 s6, s20;
	[dreg:$0x8] =	wrdreg s11  }
0x15: {  	s13 =	sadd.s32 $0x28, s10;
	s20 =	sadd.s32 $0x7800, s17;
	[dreg:$0xb] =	wrdreg s4  }
0x16: {  	s3 =	sadd.s32 s0, s3;
	s21 =	sadd.s32 $0x8C00, s17;
	[dreg:$0x16] =	wrdreg s20  }
0x17: {  	s23 =	sshrl.u32 s13, $0x3;
	s29 =	sadd.s32 $0x10400, s17;
	[dreg:$0x17] =	wrdreg s21  }
0x18: {  	s30 =	sadd.s32 $0x11800, s17;
	s18 =	simm.s32 $0x400;
	[dreg:$0x1d] =	wrdreg s29  }
0x19: {  	s14 =	simm.s32 $0x2;
	s24 =	sadd.s32 s7, s23;
	[dreg:$0x1e] =	wrdreg s30  }
0x1a: {  	s15 =	simm.s32 $0x3;
	s25 =	sadd.s32 s8, s23;
	[dreg:$0x9] =	wrdreg s24  }
0x1b: {  	s16 =	simm.s32 $0x7;
	s11 =	smax.u32 s9, $0x1;
	[dreg:$0xa] =	wrdreg s25  }
0x1c: {  	s12 =	simm.s32 $0x0;
	s22 =	sadd.s32 $0xA000, s17;
	[dreg:$0x10] =	wrdreg s11  }
0x1d: {  	s4 =	sshrl.u32 s26, $0x3;
	s23 =	sadd.s32 $0xB400, s17;
	[dreg:$0x18] =	wrdreg s22  }
0x1e: {  	s26 =	sadd.s32 $0xF000, s17;
	s21 =	simm.s32 $0x6;
	[dreg:$0x19] =	wrdreg s23  }
0x1f: {  	s0 =	sadd.s32 s0, s4;
	s4 =	sadd.s32 $0x27000, s3;
	[dreg:$0x1c] =	wrdreg s26  }
.Ltmp0:
0x20: {  	s24 =	sadd.s32 $0xC800, s17;
	[dreg:$0xe] =	wrdreg s0;
	(pc) =	sbr.rel .LBB2_1-.Ltmp0, $4  }
0x21: {  	s25 =	sadd.s32 $0xDC00, s17;
	s22 =	simm.s32 $0x200;
	[dreg:$0xf] =	wrdreg s4  }
0x22: {  	s23 =	simm.s32 $0x80;
	s26 =	simm.s32 $0x5;
	[dreg:$0x1a] =	wrdreg s24  }
0x23: {  	s11 =	simm.s32 $0x1;
	[dreg:$0x1b] =	wrdreg s25;
	s24 =	simm.s32 $0x280  }
0x24: {  	v0 =	vimm.f32 $0.0e+00;
	s25 =	simm.s32 $0x4;
	s0 =	simm.s32 $0x4000;
	s4 =	simm.s32 $0x6800  }
.LBB2_15:
0x25: {  	s3 =	stileid.u32;
	[bflag:$0x0] =	sbarrier.arrive $0xFFFF  }
0x26: {  	s3 =	sshll.u32 s3, $0x6;
	s17 =	rddreg [dreg:$0x4]  }
0x27: {  	s12 =	rddreg [dreg:$0xe];
	s3 =	sor.u32 $0x1C06, s3;
	s9 =	sshrl.u32 s17, $0x3  }
0x28: {  	[hbm:s12], [sflag:s3] =	dma.local [spmem:s9], $0x2700  }
0x29: {  	_ =	swait.ge [sflag:s21], $0x2700  }
0x2a: {  	[sflag:s21] =	ssyncset.done $0x0;
	s19 =	rddreg [dreg:$0x6]  }
0x2b: {  	s12 =	rddreg [dreg:$0xf];
	[sflag:s21] =	ssyncadd.s32 $0xFFFFD900;
	s9 =	sshrl.u32 @!p0 s19, $0x3  }
0x2c: {  	[hbm:s12], [sflag:s3] =	dma.local @!p0 [spmem:s9], $0x100  }
0x2d: {  	s3 =	simm.s32 @!p0 $0x6  }
0x2e: {  	_ =	swait.ge @!p0 [sflag:s3], $0x100  }
0x2f: {  	s29 =	rddreg [dreg:$0x1f]  }
0x30: {  	s30 =	rddreg [dreg:$0x10];
	s12 =	sadd.s32 $0x1, s29  }
0x31: {  	p1 =	sne.s32 s12, s30  }
.Ltmp1:
0x32: {  	_ = 	snop;
	(pc) =	sbr.rel @!p1 .LBB2_16-.Ltmp1, $3  }
0x33: {  	_ =	sdelay $0x1  }
0x34: {  	[sflag:s3] =	ssyncset.done @!p0 $0x0  }
0x35: {  	[sflag:s3] =	ssyncadd.s32 @!p0 $0xFFFFFF00  }
.LBB2_1:
0x36: {  	[dreg:$0x1f] =	wrdreg s12;
	s3 =	simm.s32 $0x0;
	s9 =	simm.s32 $0x200  }
.LBB2_2:
0x37: {  	p1 =	sne.s32 s9, $0x4E00;
	[tilespmem:s3+$0x470] =	vst v0  }
0x38: {  	[tilespmem:s3+$0x400] =	vst v0  }
0x39: {  	[tilespmem:s3+$0x410] =	vst v0  }
.Ltmp2:
0x3a: {  	[tilespmem:s3+$0x420] =	vst v0;
	(pc) =	sbr.rel @p1 .LBB2_2-.Ltmp2, $4  }
0x3b: {  	[tilespmem:s3+$0x430] =	vst v0  }
0x3c: {  	[tilespmem:s3+$0x440] =	vst v0  }
0x3d: {  	[tilespmem:s3+$0x450] =	vst v0  }
0x3e: {  	[tilespmem:s3+$0x460] =	vst v0;
	s3 =	sshra.s32 s9, $0x2;
	s9 =	sadd.s32 $0x200, s9  }
0x3f: {  	[tilespmem:s3+$0x470] =	vst v0  }
0x40: {  	[tilespmem:s3+$0x400] =	vst v0  }
0x41: {  	[tilespmem:s3+$0x410] =	vst v0  }
0x42: {  	[tilespmem:s3+$0x420] =	vst v0  }
0x43: {  	[tilespmem:s3+$0x430] =	vst v0  }
0x44: {  	[tilespmem:s3+$0x440] =	vst v0  }
0x45: {  	[tilespmem:s3+$0x450] =	vst v0  }
0x46: {  	[tilespmem:s3+$0x460] =	vst v0  }
0x47: {  	[spmem:s17] =	stream.linear.scatter [tilespmem:s18], [sflag:$0x6], $0x1400, $0x38;
	[tilespmem:$0x1B480] =	vst v63  }
0x48: {  	_ =	swait.ge [sflag:s21], $0x1400  }
0x49: {  	[sflag:s21] =	ssyncset.done $0x0  }
0x4a: {  	s29 =	rddreg [dreg:$0x11];
	[sflag:s21] =	ssyncadd.s32 $0xFFFFEC00  }
0x4b: {  	[spmem:s29] =	stream.linear.scatter [tilespmem:s18], [sflag:$0x6], $0x1400, $0x38;
	[tilespmem:$0x1B480] =	vst v63  }
0x4c: {  	_ =	swait.ge [sflag:s21], $0x1400  }
0x4d: {  	[sflag:s21] =	ssyncset.done $0x0  }
0x4e: {  	s30 =	rddreg [dreg:$0x12];
	[sflag:s21] =	ssyncadd.s32 $0xFFFFEC00  }
0x4f: {  	[spmem:s30] =	stream.linear.scatter [tilespmem:s18], [sflag:$0x6], $0x1400, $0x38;
	[tilespmem:$0x1B480] =	vst v63  }
0x50: {  	_ =	swait.ge [sflag:s21], $0x1400  }
0x51: {  	[sflag:s21] =	ssyncset.done $0x0  }
0x52: {  	s9 =	rddreg [dreg:$0x13];
	[sflag:s21] =	ssyncadd.s32 $0xFFFFEC00  }
0x53: {  	[spmem:s9] =	stream.linear.scatter [tilespmem:s18], [sflag:$0x6], $0x1400, $0x38;
	[tilespmem:$0x1B480] =	vst v63  }
0x54: {  	_ =	swait.ge [sflag:s21], $0x1400  }
0x55: {  	[sflag:s21] =	ssyncset.done $0x0  }
0x56: {  	s12 =	rddreg [dreg:$0x14];
	[sflag:s21] =	ssyncadd.s32 $0xFFFFEC00  }
0x57: {  	[spmem:s12] =	stream.linear.scatter [tilespmem:s18], [sflag:$0x6], $0x1400, $0x38;
	[tilespmem:$0x1B480] =	vst v63  }
0x58: {  	_ =	swait.ge [sflag:s21], $0x1400  }
0x59: {  	[sflag:s21] =	ssyncset.done $0x0  }
0x5a: {  	s17 =	rddreg [dreg:$0x15];
	[sflag:s21] =	ssyncadd.s32 $0xFFFFEC00  }
0x5b: {  	[spmem:s17] =	stream.linear.scatter [tilespmem:s18], [sflag:$0x6], $0x1400, $0x38;
	[tilespmem:$0x1B480] =	vst v63  }
0x5c: {  	_ =	swait.ge [sflag:s21], $0x1400  }
0x5d: {  	[sflag:s21] =	ssyncset.done $0x0  }
0x5e: {  	s20 =	rddreg [dreg:$0x16];
	[sflag:s21] =	ssyncadd.s32 $0xFFFFEC00  }
0x5f: {  	[spmem:s20] =	stream.linear.scatter [tilespmem:s18], [sflag:$0x6], $0x1400, $0x38;
	[tilespmem:$0x1B480] =	vst v63  }
0x60: {  	_ =	swait.ge [sflag:s21], $0x1400  }
0x61: {  	[sflag:s21] =	ssyncset.done $0x0  }
0x62: {  	s29 =	rddreg [dreg:$0x17];
	[sflag:s21] =	ssyncadd.s32 $0xFFFFEC00  }
0x63: {  	[spmem:s29] =	stream.linear.scatter [tilespmem:s18], [sflag:$0x6], $0x1400, $0x38;
	[tilespmem:$0x1B480] =	vst v63  }
0x64: {  	_ =	swait.ge [sflag:s21], $0x1400  }
0x65: {  	[sflag:s21] =	ssyncset.done $0x0  }
0x66: {  	s30 =	rddreg [dreg:$0x18];
	[sflag:s21] =	ssyncadd.s32 $0xFFFFEC00  }
0x67: {  	[spmem:s30] =	stream.linear.scatter [tilespmem:s18], [sflag:$0x6], $0x1400, $0x38;
	[tilespmem:$0x1B480] =	vst v63  }
0x68: {  	_ =	swait.ge [sflag:s21], $0x1400  }
0x69: {  	[sflag:s21] =	ssyncset.done $0x0  }
0x6a: {  	s9 =	rddreg [dreg:$0x19];
	[sflag:s21] =	ssyncadd.s32 $0xFFFFEC00  }
0x6b: {  	[spmem:s9] =	stream.linear.scatter [tilespmem:s18], [sflag:$0x6], $0x1400, $0x38;
	[tilespmem:$0x1B480] =	vst v63  }
0x6c: {  	_ =	swait.ge [sflag:s21], $0x1400  }
0x6d: {  	[sflag:s21] =	ssyncset.done $0x0  }
0x6e: {  	s12 =	rddreg [dreg:$0x1a];
	[sflag:s21] =	ssyncadd.s32 $0xFFFFEC00  }
0x6f: {  	[spmem:s12] =	stream.linear.scatter [tilespmem:s18], [sflag:$0x6], $0x1400, $0x38;
	[tilespmem:$0x1B480] =	vst v63  }
0x70: {  	_ =	swait.ge [sflag:s21], $0x1400  }
0x71: {  	[sflag:s21] =	ssyncset.done $0x0  }
0x72: {  	s17 =	rddreg [dreg:$0x1b];
	[sflag:s21] =	ssyncadd.s32 $0xFFFFEC00  }
0x73: {  	[spmem:s17] =	stream.linear.scatter [tilespmem:s18], [sflag:$0x6], $0x1400, $0x38;
	[tilespmem:$0x1B480] =	vst v63  }
0x74: {  	_ =	swait.ge [sflag:s21], $0x1400  }
0x75: {  	[sflag:s21] =	ssyncset.done $0x0  }
0x76: {  	s20 =	rddreg [dreg:$0x1c];
	[sflag:s21] =	ssyncadd.s32 $0xFFFFEC00  }
0x77: {  	[spmem:s20] =	stream.linear.scatter [tilespmem:s18], [sflag:$0x6], $0x1400, $0x38;
	[tilespmem:$0x1B480] =	vst v63  }
0x78: {  	_ =	swait.ge [sflag:s21], $0x1400  }
0x79: {  	[sflag:s21] =	ssyncset.done $0x0  }
0x7a: {  	s29 =	rddreg [dreg:$0x1d];
	[sflag:s21] =	ssyncadd.s32 $0xFFFFEC00  }
0x7b: {  	[spmem:s29] =	stream.linear.scatter [tilespmem:s18], [sflag:$0x6], $0x1400, $0x38;
	[tilespmem:$0x1B480] =	vst v63  }
0x7c: {  	_ =	swait.ge [sflag:s21], $0x1400  }
0x7d: {  	[sflag:s21] =	ssyncset.done $0x0  }
0x7e: {  	s30 =	rddreg [dreg:$0x1e];
	[sflag:s21] =	ssyncadd.s32 $0xFFFFEC00  }
0x7f: {  	[spmem:s30] =	stream.linear.scatter [tilespmem:s18], [sflag:$0x6], $0x1400, $0x38;
	[tilespmem:$0x1B480] =	vst v63  }
0x80: {  	_ =	swait.ge [sflag:s21], $0x1400  }
0x81: {  	[sflag:s21] =	ssyncset.done $0x0  }
0x82: {  	s9 =	rddreg [dreg:$0x5];
	[sflag:s21] =	ssyncadd.s32 $0xFFFFEC00  }
0x83: {  	[spmem:s9] =	stream.linear.scatter [tilespmem:s18], [sflag:$0x6], $0xC00, $0x38;
	[tilespmem:$0x1B480] =	vst v63  }
0x84: {  	_ =	swait.ge [sflag:s21], $0xC00  }
0x85: {  	[sflag:s21] =	ssyncset.done $0x0  }
0x86: {  	s3 =	simm.s32 @!p0 $0x400;
	[sflag:s21] =	ssyncadd.s32 $0xFFFFF400  }
0x87: {  	[spmem:s19] =	stream.linear.scatter @!p0 [tilespmem:s3], [sflag:$0x6], $0x800, $0x38;
	[tilespmem:$0x1B480] =	vst v63  }
0x88: {  	s3 =	simm.s32 @!p0 $0x6  }
0x89: {  	_ =	swait.ge @!p0 [sflag:s3], $0x800  }
0x8a: {  	[sflag:s3] =	ssyncset.done @!p0 $0x0  }
0x8b: {  	[sflag:s3] =	ssyncadd.s32 @!p0 $0xFFFFF800  }
0x8c: {  	[bflag:$0x0] =	sbarrier.arrive $0xFFFF  }
0x8d: {  	s9 =	simm.s32 $0x0;
	s12 =	rddreg [dreg:$0x7]  }
0x8e: {  	[tilespmem:s9], [sflag:$0x4] =	stream.linear.gather [hbm4b:s12+s9], $0x28, $0x38;
	[tilespmem:$0x1B480] =	vst v63  }
0x8f: {  	s17 =	rddreg [dreg:$0x8]  }
0x90: {  	[tilespmem:s22], [sflag:$0x5] =	stream.linear.gather [hbm4b:s17+s9], $0x28, $0x38;
	[tilespmem:$0x1B480] =	vst v63  }
0x91: {  	s19 =	rddreg [dreg:$0x9]  }
0x92: {  	[tilespmem:s23], [sflag:$0x4] =	stream.linear.gather [hbm4b:s19+s9], $0x28, $0x38;
	[tilespmem:$0x1B480] =	vst v63  }
0x93: {  	s20 =	rddreg [dreg:$0xa]  }
0x94: {  	[tilespmem:s24], [sflag:$0x5] =	stream.linear.gather [hbm4b:s20+s9], $0x28, $0x38;
	[tilespmem:$0x1B480] =	vst v63  }
0x95: {  	_ =	swait.ge [sflag:s25], $0x28  }
0x96: {  	[sflag:s25] =	ssyncset.done $0x0  }
0x97: {  	[sflag:s25] =	ssyncadd.s32 $0xFFFFFFD8  }
0x98: {  	_ =	swait.ge [sflag:s26], $0x28  }
0x99: {  	[sflag:s26] =	ssyncset.done $0x0  }
0x9a: {  	[sflag:s26] =	ssyncadd.s32 $0xFFFFFFD8  }
0x9b: {  	[tilespmem:s18], [sflag:$0x1] =	stream.indirect.gather [hbm4b:s1+s28], $0x80, s9, s28, $0xb8;
	[tilespmem:$0x1B480] =	vst v63  }
.Ltmp3:
0x9c: {  	_ = 	snop;
	(pc) =	sbr.rel .LBB2_4-.Ltmp3, $4  }
0x9d: {  	s29 =	simm.s32 $0x2C00  }
0x9e: {  	[tilespmem:s29], [sflag:$0x2] =	stream.indirect.gather [hbm4b:s5+s28], $0x80, s22, s28, $0xb8;
	[tilespmem:$0x1B480] =	vst v63  }
0x9f: {  	s12 =	simm.s32 $0x5400;
	s30 =	rddreg [dreg:$0xb]  }
0xa0: {  	[tilespmem:s12], [sflag:$0x3] =	stream.linear.gather [hbm4b:s30+s9], $0x1400, $0x38;
	[tilespmem:$0x1B480] =	vst v63  }
.LBB2_14:
0xa1: {  	s9 =	sadd.s32 $0x1, s9  }
0xa2: {  	p1 =	sne.s32 s9, $0x3F  }
.Ltmp4:
0xa3: {  	_ = 	snop;
	(pc) =	sbr.rel @!p1 .LBB2_15-.Ltmp4, $1  }
0xa4: {  	_ =	sdelay $0x3  }
.LBB2_4:
0xa5: {  	_ =	swait.ge [sflag:s25], $0x28  }
0xa6: {  	[sflag:s25] =	ssyncset.done $0x0  }
0xa7: {  	[sflag:s25] =	ssyncadd.s32 $0xFFFFFFD8  }
0xa8: {  	s12 =	sshll.u32 s9, $0x2;
	s17 =	smul.u32 $0xA0, s9;
	_ =	swait.ge [sflag:s26], $0x28  }
0xa9: {  	s29 =	sor.u32 $0x2, s12;
	[sflag:s26] =	ssyncset.done $0x0  }
0xaa: {  	s3 =	sadd.s32 s17, s13;
	p1 =	sgt.u32 s29, $0xF9;
	[sflag:s26] =	ssyncadd.s32 $0xFFFFFFD8  }
0xab: {  	[tilespmem:s31], [sflag:$0x1] =	stream.indirect.gather [hbm4b:s1+s28], $0x80, s23, s28, $0xb8;
	[tilespmem:$0x1B480] =	vst v63  }
0xac: {  	s3 =	sshll.u32 s3, $0x4;
	s29 =	smul.u32 @!p1 $0x28, s29  }
0xad: {  	[tilespmem:s0], [sflag:$0x2] =	stream.indirect.gather [hbm4b:s5+s28], $0x80, s24, s28, $0xb8;
	[tilespmem:$0x1B480] =	vst v63  }
0xae: {  	s19 =	simm.s32 $0x0;
	s3 =	sadd.s32 s6, s3;
	s29 =	sadd.s32 @!p1 s10, s29  }
0xaf: {  	[tilespmem:s4], [sflag:$0x3] =	stream.linear.gather [hbm4b:s3+s19], $0x1400, $0x38;
	[tilespmem:$0x1B480] =	vst v63  }
0xb0: {  	s3 =	sshrl.u32 @!p1 s29, $0x3  }
0xb1: {  	s20 =	simm.s32 @!p1 $0x100;
	s19 =	simm.s32 @!p1 $0x0;
	s30 =	sadd.s32 @!p1 s7, s3  }
0xb2: {  	[tilespmem:s20], [sflag:$0x4] =	stream.linear.gather @!p1 [hbm4b:s30+s19], $0x28, $0x38;
	[tilespmem:$0x1B480] =	vst v63  }
0xb3: {  	s3 =	sadd.s32 @!p1 s8, s3;
	s20 =	simm.s32 @!p1 $0x300  }
0xb4: {  	[tilespmem:s20], [sflag:$0x5] =	stream.linear.gather @!p1 [hbm4b:s3+s19], $0x28, $0x38;
	[tilespmem:$0x1B480] =	vst v63  }
0xb5: {  	_ =	swait.ge [sflag:s11], $0x1400  }
0xb6: {  	[sflag:s11] =	ssyncset.done $0x0  }
0xb7: {  	[sflag:s11] =	ssyncadd.s32 $0xFFFFEC00  }
0xb8: {  	_ =	swait.ge [sflag:s14], $0x1400  }
0xb9: {  	[sflag:s14] =	ssyncset.done $0x0  }
0xba: {  	[sflag:s14] =	ssyncadd.s32 $0xFFFFEC00  }
0xbb: {  	_ =	swait.ge [sflag:s15], $0x1400  }
0xbc: {  	[sflag:s15] =	ssyncset.done $0x0  }
0xbd: {  	s30 =	simm.s32 $0x0;
	[sflag:s15] =	ssyncadd.s32 $0xFFFFEC00  }
0xbe: {  	v5 =	vld [tilespmem:s30+$0x5400]  }
0xbf: {  	v6 =	vld [tilespmem:s30+$0x5410]  }
0xc0: {  	v4 =	vld [tilespmem:s30+$0x5420]  }
0xc1: {  	v3 =	vld [tilespmem:s30+$0x5430]  }
0xc2: {  	v2 =	vld [tilespmem:s30+$0x5440]  }
0xc3: {  	v1 =	vld [tilespmem:s30+$0x5450]  }
0xc4: {  	v13 =	vld [tilespmem:s30+$0x2C00]  }
0xc5: {  	v18 =	vld [tilespmem:s30+$0x2C10]  }
0xc6: {  	v12 =	vld [tilespmem:s30+$0x2C20]  }
0xc7: {  	v11 =	vld [tilespmem:s30+$0x2C30]  }
0xc8: {  	v10 =	vld [tilespmem:s30+$0x2C40]  }
0xc9: {  	v9 =	vld [tilespmem:s30+$0x2C50]  }
0xca: {  	v8 =	vld [tilespmem:s30+$0x2C60]  }
0xcb: {  	v7 =	vld [tilespmem:s30+$0x2C70]  }
0xcc: {  	v19 =	vld [tilespmem:s30+$0x400]  }
0xcd: {  	v20 =	vld [tilespmem:s30+$0x410]  }
0xce: {  	v17 =	vld [tilespmem:s30+$0x420]  }
0xcf: {  	v16 =	vld [tilespmem:s30+$0x430]  }
0xd0: {  	v15 =	vld [tilespmem:s30+$0x440]  }
0xd1: {  	v14 =	vld [tilespmem:s30+$0x450];
	v19 =	vadd.f32 v13, v19  }
0xd2: {  	s3 =	simm.s32 $0x200;
	v18 =	vadd.f32 v18, v20;
	v13 =	vld [tilespmem:s30+$0x460]  }
.LBB2_5:
0xd3: {  	p2 =	sne.s32 s3, $0x4E00;
	v5 =	vadd.f32 v5, v19;
	v12 =	vadd.f32 v12, v17;
	v17 =	vld [tilespmem:s30+$0x470]  }
0xd4: {  	v6 =	vadd.f32 v6, v18;
	v11 =	vadd.f32 v11, v16;
	v16 =	vld [tilespmem:s30+$0x5460]  }
0xd5: {  	s19 =	sshra.s32 s3, $0x2;
	v18 =	vmax.f32 v5, $0.0e+00;
	v4 =	vadd.f32 v4, v12;
	v10 =	vadd.f32 v10, v15;
	v12 =	vld [tilespmem:s30+$0x5470]  }
0xd6: {  	v5 =	vld [tilespmem:s19+$0x5400];
	[tilespmem:s30+$0x400] =	vst v18;
	v15 =	vmax.f32 v6, $0.0e+00;
	v3 =	vadd.f32 v3, v11;
	v9 =	vadd.f32 v9, v14  }
0xd7: {  	v6 =	vld [tilespmem:s19+$0x5410];
	[tilespmem:s30+$0x410] =	vst v15;
	v11 =	vmax.f32 v4, $0.0e+00;
	v2 =	vadd.f32 v2, v10;
	v8 =	vadd.f32 v8, v13  }
0xd8: {  	v4 =	vld [tilespmem:s19+$0x5420];
	[tilespmem:s30+$0x420] =	vst v11;
	v10 =	vmax.f32 v3, $0.0e+00;
	v1 =	vadd.f32 v1, v9;
	v7 =	vadd.f32 v7, v17  }
0xd9: {  	v3 =	vld [tilespmem:s19+$0x5430];
	[tilespmem:s30+$0x430] =	vst v10;
	v9 =	vmax.f32 v2, $0.0e+00;
	v8 =	vadd.f32 v16, v8  }
0xda: {  	v2 =	vld [tilespmem:s19+$0x5440];
	[tilespmem:s30+$0x440] =	vst v9;
	v9 =	vmax.f32 v1, $0.0e+00;
	v7 =	vadd.f32 v12, v7  }
0xdb: {  	v1 =	vld [tilespmem:s19+$0x5450];
	[tilespmem:s30+$0x450] =	vst v9;
	v8 =	vmax.f32 v8, $0.0e+00  }
0xdc: {  	v13 =	vld [tilespmem:s19+$0x2C00];
	[tilespmem:s30+$0x460] =	vst v8;
	v7 =	vmax.f32 v7, $0.0e+00  }
0xdd: {  	v18 =	vld [tilespmem:s19+$0x2C10];
	[tilespmem:s30+$0x470] =	vst v7;
	s30 =	smov.u32 s19  }
0xde: {  	v12 =	vld [tilespmem:s30+$0x2C20]  }
0xdf: {  	v11 =	vld [tilespmem:s30+$0x2C30]  }
0xe0: {  	v10 =	vld [tilespmem:s30+$0x2C40]  }
0xe1: {  	v9 =	vld [tilespmem:s30+$0x2C50]  }
0xe2: {  	v8 =	vld [tilespmem:s30+$0x2C60]  }
0xe3: {  	v7 =	vld [tilespmem:s30+$0x2C70]  }
0xe4: {  	v14 =	vld [tilespmem:s30+$0x400]  }
0xe5: {  	v20 =	vld [tilespmem:s30+$0x410]  }
.Ltmp5:
0xe6: {  	v17 =	vld [tilespmem:s30+$0x420];
	(pc) =	sbr.rel @p2 .LBB2_5-.Ltmp5, $4  }
0xe7: {  	v16 =	vld [tilespmem:s30+$0x430]  }
0xe8: {  	v15 =	vld [tilespmem:s30+$0x440]  }
0xe9: {  	v19 =	vadd.f32 v13, v14;
	v14 =	vld [tilespmem:s30+$0x450]  }
0xea: {  	s3 =	sadd.s32 $0x200, s3;
	v18 =	vadd.f32 v18, v20;
	v13 =	vld [tilespmem:s30+$0x460]  }
0xeb: {  	v5 =	vadd.f32 v5, v19;
	v12 =	vadd.f32 v12, v17;
	v17 =	vld [tilespmem:s30+$0x470]  }
0xec: {  	v6 =	vadd.f32 v6, v18;
	v11 =	vadd.f32 v11, v16;
	v16 =	vld [tilespmem:s30+$0x5460]  }
0xed: {  	v5 =	vmax.f32 v5, $0.0e+00;
	v4 =	vadd.f32 v4, v12;
	v10 =	vadd.f32 v10, v15;
	v12 =	vld [tilespmem:s30+$0x5470]  }
0xee: {  	[tilespmem:s30+$0x400] =	vst v5;
	v5 =	vmax.f32 v6, $0.0e+00;
	v3 =	vadd.f32 v3, v11;
	v6 =	vadd.f32 v9, v14  }
0xef: {  	[tilespmem:s30+$0x410] =	vst v5;
	v4 =	vmax.f32 v4, $0.0e+00;
	v2 =	vadd.f32 v2, v10;
	v5 =	vadd.f32 v8, v13  }
0xf0: {  	[tilespmem:s30+$0x420] =	vst v4;
	v3 =	vmax.f32 v3, $0.0e+00;
	v1 =	vadd.f32 v1, v6;
	v4 =	vadd.f32 v7, v17  }
0xf1: {  	[tilespmem:s30+$0x430] =	vst v3;
	v2 =	vmax.f32 v2, $0.0e+00;
	v3 =	vadd.f32 v16, v5  }
0xf2: {  	[tilespmem:s30+$0x440] =	vst v2;
	v1 =	vmax.f32 v1, $0.0e+00;
	v2 =	vadd.f32 v12, v4  }
0xf3: {  	[tilespmem:s30+$0x450] =	vst v1;
	v1 =	vmax.f32 v3, $0.0e+00  }
0xf4: {  	[tilespmem:s30+$0x460] =	vst v1;
	v1 =	vmax.f32 v2, $0.0e+00  }
0xf5: {  	[tilespmem:s30+$0x470] =	vst v1  }
0xf6: {  	[spmem:s2] =	stream.indirect.scatter.add.f32 [tilespmem:s18], [sflag:$0x7], $0x80, s22, s28, $0xb8;
	[tilespmem:$0x1B480] =	vst v63  }
0xf7: {  	_ =	swait.ge [sflag:s16], $0x1400  }
0xf8: {  	[sflag:s16] =	ssyncset.done $0x0  }
0xf9: {  	s3 =	simm.s32 @!p1 $0x4;
	[sflag:s16] =	ssyncadd.s32 $0xFFFFEC00  }
0xfa: {  	_ =	swait.ge @!p1 [sflag:s3], $0x28  }
0xfb: {  	[sflag:s3] =	ssyncset.done @!p1 $0x0  }
0xfc: {  	[sflag:s3] =	ssyncadd.s32 @!p1 $0xFFFFFFD8;
	s3 =	simm.s32 @!p1 $0x5  }
0xfd: {  	s19 =	simm.s32 @!p1 $0x100;
	_ =	swait.ge @!p1 [sflag:s3], $0x28  }
0xfe: {  	s20 =	simm.s32 @!p1 $0x400;
	s12 =	sor.u32 $0x3, s12;
	[sflag:s3] =	ssyncset.done @!p1 $0x0  }
0xff: {  	p2 =	sgt.u32 s12, $0xF9;
	[sflag:s3] =	ssyncadd.s32 @!p1 $0xFFFFFFD8;
	s3 =	simm.s32 @!p1 $0x28  }
0x100: {  	[tilespmem:s20], [sflag:$0x1] =	stream.indirect.gather @!p1 [hbm4b:s1+s3], $0x80, s19, s3, $0xb8;
	[tilespmem:$0x1B480] =	vst v63  }
0x101: {  	s12 =	smul.u32 @!p2 $0x28, s12;
	s19 =	simm.s32 @!p1 $0x300;
	s20 =	simm.s32 @!p1 $0x2C00  }
0x102: {  	[tilespmem:s20], [sflag:$0x2] =	stream.indirect.gather @!p1 [hbm4b:s5+s3], $0x80, s19, s3, $0xb8;
	[tilespmem:$0x1B480] =	vst v63  }
0x103: {  	s12 =	sadd.s32 @!p2 s10, s12;
	s3 =	sshll.u32 @!p1 s29, $0x4  }
0x104: {  	s19 =	simm.s32 @!p1 $0x0;
	s20 =	simm.s32 @!p1 $0x5400;
	s3 =	sadd.s32 @!p1 s6, s3  }
0x105: {  	[tilespmem:s20], [sflag:$0x3] =	stream.linear.gather @!p1 [hbm4b:s3+s19], $0x1400, $0x38;
	[tilespmem:$0x1B480] =	vst v63  }
0x106: {  	s3 =	sshrl.u32 @!p2 s12, $0x3  }
0x107: {  	s29 =	simm.s32 @!p2 $0x180;
	s20 =	simm.s32 @!p2 $0x0;
	s19 =	sadd.s32 @!p2 s7, s3  }
0x108: {  	[tilespmem:s29], [sflag:$0x4] =	stream.linear.gather @!p2 [hbm4b:s19+s20], $0x28, $0x38;
	[tilespmem:$0x1B480] =	vst v63  }
0x109: {  	s3 =	sadd.s32 @!p2 s8, s3;
	s19 =	simm.s32 @!p2 $0x380  }
0x10a: {  	[tilespmem:s19], [sflag:$0x5] =	stream.linear.gather @!p2 [hbm4b:s3+s20], $0x28, $0x38;
	[tilespmem:$0x1B480] =	vst v63  }
0x10b: {  	_ =	swait.ge [sflag:s11], $0x1400  }
0x10c: {  	[sflag:s11] =	ssyncset.done $0x0  }
0x10d: {  	[sflag:s11] =	ssyncadd.s32 $0xFFFFEC00  }
0x10e: {  	_ =	swait.ge [sflag:s14], $0x1400  }
0x10f: {  	[sflag:s14] =	ssyncset.done $0x0  }
0x110: {  	[sflag:s14] =	ssyncadd.s32 $0xFFFFEC00  }
0x111: {  	_ =	swait.ge [sflag:s15], $0x1400  }
0x112: {  	[sflag:s15] =	ssyncset.done $0x0  }
0x113: {  	s29 =	simm.s32 $0x0;
	[sflag:s15] =	ssyncadd.s32 $0xFFFFEC00  }
0x114: {  	v5 =	vld [tilespmem:s29+$0x6800]  }
0x115: {  	v6 =	vld [tilespmem:s29+$0x6810]  }
0x116: {  	v4 =	vld [tilespmem:s29+$0x6820]  }
0x117: {  	v3 =	vld [tilespmem:s29+$0x6830]  }
0x118: {  	v2 =	vld [tilespmem:s29+$0x6840]  }
0x119: {  	v1 =	vld [tilespmem:s29+$0x6850]  }
0x11a: {  	v13 =	vld [tilespmem:s29+$0x4000]  }
0x11b: {  	v18 =	vld [tilespmem:s29+$0x4010]  }
0x11c: {  	v12 =	vld [tilespmem:s29+$0x4020]  }
0x11d: {  	v11 =	vld [tilespmem:s29+$0x4030]  }
0x11e: {  	v10 =	vld [tilespmem:s29+$0x4040]  }
0x11f: {  	v9 =	vld [tilespmem:s29+$0x4050]  }
0x120: {  	v8 =	vld [tilespmem:s29+$0x4060]  }
0x121: {  	v7 =	vld [tilespmem:s29+$0x4070]  }
0x122: {  	v19 =	vld [tilespmem:s29+$0x1800]  }
0x123: {  	v20 =	vld [tilespmem:s29+$0x1810]  }
0x124: {  	v17 =	vld [tilespmem:s29+$0x1820]  }
0x125: {  	v16 =	vld [tilespmem:s29+$0x1830]  }
0x126: {  	v15 =	vld [tilespmem:s29+$0x1840]  }
0x127: {  	v14 =	vld [tilespmem:s29+$0x1850];
	v19 =	vadd.f32 v13, v19  }
0x128: {  	s3 =	simm.s32 $0x200;
	v18 =	vadd.f32 v18, v20;
	v13 =	vld [tilespmem:s29+$0x1860]  }
.LBB2_7:
0x129: {  	p3 =	sne.s32 s3, $0x4E00;
	v5 =	vadd.f32 v5, v19;
	v12 =	vadd.f32 v12, v17;
	v17 =	vld [tilespmem:s29+$0x1870]  }
0x12a: {  	v6 =	vadd.f32 v6, v18;
	v11 =	vadd.f32 v11, v16;
	v16 =	vld [tilespmem:s29+$0x6860]  }
0x12b: {  	s19 =	sshra.s32 s3, $0x2;
	v18 =	vmax.f32 v5, $0.0e+00;
	v4 =	vadd.f32 v4, v12;
	v10 =	vadd.f32 v10, v15;
	v12 =	vld [tilespmem:s29+$0x6870]  }
0x12c: {  	v5 =	vld [tilespmem:s19+$0x6800];
	[tilespmem:s29+$0x1800] =	vst v18;
	v15 =	vmax.f32 v6, $0.0e+00;
	v3 =	vadd.f32 v3, v11;
	v9 =	vadd.f32 v9, v14  }
0x12d: {  	v6 =	vld [tilespmem:s19+$0x6810];
	[tilespmem:s29+$0x1810] =	vst v15;
	v11 =	vmax.f32 v4, $0.0e+00;
	v2 =	vadd.f32 v2, v10;
	v8 =	vadd.f32 v8, v13  }
0x12e: {  	v4 =	vld [tilespmem:s19+$0x6820];
	[tilespmem:s29+$0x1820] =	vst v11;
	v10 =	vmax.f32 v3, $0.0e+00;
	v1 =	vadd.f32 v1, v9;
	v7 =	vadd.f32 v7, v17  }
0x12f: {  	v3 =	vld [tilespmem:s19+$0x6830];
	[tilespmem:s29+$0x1830] =	vst v10;
	v9 =	vmax.f32 v2, $0.0e+00;
	v8 =	vadd.f32 v16, v8  }
0x130: {  	v2 =	vld [tilespmem:s19+$0x6840];
	[tilespmem:s29+$0x1840] =	vst v9;
	v9 =	vmax.f32 v1, $0.0e+00;
	v7 =	vadd.f32 v12, v7  }
0x131: {  	v1 =	vld [tilespmem:s19+$0x6850];
	[tilespmem:s29+$0x1850] =	vst v9;
	v8 =	vmax.f32 v8, $0.0e+00  }
0x132: {  	v13 =	vld [tilespmem:s19+$0x4000];
	[tilespmem:s29+$0x1860] =	vst v8;
	v7 =	vmax.f32 v7, $0.0e+00  }
0x133: {  	v18 =	vld [tilespmem:s19+$0x4010];
	[tilespmem:s29+$0x1870] =	vst v7;
	s29 =	smov.u32 s19  }
0x134: {  	v12 =	vld [tilespmem:s29+$0x4020]  }
0x135: {  	v11 =	vld [tilespmem:s29+$0x4030]  }
0x136: {  	v10 =	vld [tilespmem:s29+$0x4040]  }
0x137: {  	v9 =	vld [tilespmem:s29+$0x4050]  }
0x138: {  	v8 =	vld [tilespmem:s29+$0x4060]  }
0x139: {  	v7 =	vld [tilespmem:s29+$0x4070]  }
0x13a: {  	v14 =	vld [tilespmem:s29+$0x1800]  }
0x13b: {  	v20 =	vld [tilespmem:s29+$0x1810]  }
.Ltmp6:
0x13c: {  	v17 =	vld [tilespmem:s29+$0x1820];
	(pc) =	sbr.rel @p3 .LBB2_7-.Ltmp6, $4  }
0x13d: {  	v16 =	vld [tilespmem:s29+$0x1830]  }
0x13e: {  	v15 =	vld [tilespmem:s29+$0x1840]  }
0x13f: {  	v19 =	vadd.f32 v13, v14;
	v14 =	vld [tilespmem:s29+$0x1850]  }
0x140: {  	s3 =	sadd.s32 $0x200, s3;
	v18 =	vadd.f32 v18, v20;
	v13 =	vld [tilespmem:s29+$0x1860]  }
0x141: {  	v5 =	vadd.f32 v5, v19;
	v12 =	vadd.f32 v12, v17;
	v57 =	vld [tilespmem:s29+$0x1870]  }
0x142: {  	v58 =	vld [tilespmem:s29+$0x6860];
	v6 =	vadd.f32 v6, v18;
	v11 =	vadd.f32 v11, v16  }
0x143: {  	v59 =	vld [tilespmem:s29+$0x6870];
	v5 =	vmax.f32 v5, $0.0e+00;
	v4 =	vadd.f32 v4, v12;
	v10 =	vadd.f32 v10, v15  }
0x144: {  	[tilespmem:s29+$0x1800] =	vst v5;
	v60 =	vmax.f32 v6, $0.0e+00;
	v3 =	vadd.f32 v3, v11;
	v61 =	vadd.f32 v9, v14  }
0x145: {  	[tilespmem:s29+$0x1810] =	vst v60;
	v4 =	vmax.f32 v4, $0.0e+00;
	v2 =	vadd.f32 v2, v10;
	v62 =	vadd.f32 v8, v13  }
0x146: {  	[tilespmem:s29+$0x1820] =	vst v4;
	v3 =	vmax.f32 v3, $0.0e+00;
	v1 =	vadd.f32 v1, v61;
	v63 =	vadd.f32 v7, v57  }
0x147: {  	[tilespmem:s29+$0x1830] =	vst v3;
	v2 =	vmax.f32 v2, $0.0e+00;
	v3 =	vadd.f32 v58, v62  }
0x148: {  	[tilespmem:s29+$0x1840] =	vst v2;
	v1 =	vmax.f32 v1, $0.0e+00;
	v2 =	vadd.f32 v59, v63  }
0x149: {  	[tilespmem:s29+$0x1850] =	vst v1;
	v1 =	vmax.f32 v3, $0.0e+00  }
0x14a: {  	[tilespmem:s29+$0x1860] =	vst v1;
	v1 =	vmax.f32 v2, $0.0e+00  }
.Ltmp7:
0x14b: {  	[tilespmem:s29+$0x1870] =	vst v1;
	(pc) =	sbr.rel @p1 .LBB2_14-.Ltmp7, $4  }
0x14c: {  	[spmem:s2] =	stream.indirect.scatter.add.f32 [tilespmem:s31], [sflag:$0x7], $0x80, s24, s28, $0xb8;
	[tilespmem:$0x1B480] =	vst v63  }
0x14d: {  	_ =	swait.ge [sflag:s16], $0x1400  }
0x14e: {  	[sflag:s16] =	ssyncset.done $0x0  }
0x14f: {  	[sflag:s16] =	ssyncadd.s32 $0xFFFFEC00  }
0x150: {  	s3 =	simm.s32 @!p2 $0x4  }
0x151: {  	_ =	swait.ge @!p2 [sflag:s3], $0x28  }
0x152: {  	[sflag:s3] =	ssyncset.done @!p2 $0x0  }
0x153: {  	[sflag:s3] =	ssyncadd.s32 @!p2 $0xFFFFFFD8;
	s3 =	simm.s32 @!p2 $0x5  }
0x154: {  	_ =	swait.ge @!p2 [sflag:s3], $0x28  }
0x155: {  	s19 =	simm.s32 @!p2 $0x180;
	[sflag:s3] =	ssyncset.done @!p2 $0x0  }
0x156: {  	s20 =	simm.s32 @!p2 $0x1800;
	[sflag:s3] =	ssyncadd.s32 @!p2 $0xFFFFFFD8;
	s3 =	simm.s32 @!p2 $0x28  }
0x157: {  	[tilespmem:s20], [sflag:$0x1] =	stream.indirect.gather @!p2 [hbm4b:s1+s3], $0x80, s19, s3, $0xb8;
	[tilespmem:$0x1B480] =	vst v63  }
0x158: {  	s19 =	simm.s32 @!p2 $0x380;
	s20 =	simm.s32 @!p2 $0x4000  }
0x159: {  	[tilespmem:s20], [sflag:$0x2] =	stream.indirect.gather @!p2 [hbm4b:s5+s3], $0x80, s19, s3, $0xb8;
	[tilespmem:$0x1B480] =	vst v63  }
0x15a: {  	s3 =	sshll.u32 @!p2 s12, $0x4  }
0x15b: {  	s12 =	simm.s32 @!p2 $0x0;
	s19 =	simm.s32 @!p2 $0x6800;
	s3 =	sadd.s32 @!p2 s6, s3  }
0x15c: {  	[tilespmem:s19], [sflag:$0x3] =	stream.linear.gather @!p2 [hbm4b:s3+s12], $0x1400, $0x38;
	[tilespmem:$0x1B480] =	vst v63  }
0x15d: {  	s19 =	rddreg [dreg:$0xc]  }
0x15e: {  	s12 =	sadd.s32 s17, s19  }
0x15f: {  	s3 =	sshrl.u32 s12, $0x3  }
0x160: {  	s30 =	simm.s32 $0x0;
	s20 =	sadd.s32 s7, s3  }
0x161: {  	[tilespmem:s30], [sflag:$0x4] =	stream.linear.gather [hbm4b:s20+s30], $0x28, $0x38;
	[tilespmem:$0x1B480] =	vst v63  }
0x162: {  	s3 =	sadd.s32 s8, s3  }
0x163: {  	[tilespmem:s22], [sflag:$0x5] =	stream.linear.gather [hbm4b:s3+s30], $0x28, $0x38;
	[tilespmem:$0x1B480] =	vst v63  }
0x164: {  	_ =	swait.ge [sflag:s11], $0x1400  }
0x165: {  	[sflag:s11] =	ssyncset.done $0x0  }
0x166: {  	[sflag:s11] =	ssyncadd.s32 $0xFFFFEC00  }
0x167: {  	_ =	swait.ge [sflag:s14], $0x1400  }
0x168: {  	[sflag:s14] =	ssyncset.done $0x0  }
0x169: {  	[sflag:s14] =	ssyncadd.s32 $0xFFFFEC00  }
0x16a: {  	_ =	swait.ge [sflag:s15], $0x1400  }
0x16b: {  	[sflag:s15] =	ssyncset.done $0x0  }
0x16c: {  	s29 =	simm.s32 $0x0;
	[sflag:s15] =	ssyncadd.s32 $0xFFFFEC00  }
0x16d: {  	v5 =	vld [tilespmem:s29+$0x5400]  }
0x16e: {  	v6 =	vld [tilespmem:s29+$0x5410]  }
0x16f: {  	v4 =	vld [tilespmem:s29+$0x5420]  }
0x170: {  	v3 =	vld [tilespmem:s29+$0x5430]  }
0x171: {  	v2 =	vld [tilespmem:s29+$0x5440]  }
0x172: {  	v1 =	vld [tilespmem:s29+$0x5450]  }
0x173: {  	v13 =	vld [tilespmem:s29+$0x2C00]  }
0x174: {  	v18 =	vld [tilespmem:s29+$0x2C10]  }
0x175: {  	v12 =	vld [tilespmem:s29+$0x2C20]  }
0x176: {  	v11 =	vld [tilespmem:s29+$0x2C30]  }
0x177: {  	v10 =	vld [tilespmem:s29+$0x2C40]  }
0x178: {  	v9 =	vld [tilespmem:s29+$0x2C50]  }
0x179: {  	v8 =	vld [tilespmem:s29+$0x2C60]  }
0x17a: {  	v7 =	vld [tilespmem:s29+$0x2C70]  }
0x17b: {  	v19 =	vld [tilespmem:s29+$0x400]  }
0x17c: {  	v20 =	vld [tilespmem:s29+$0x410]  }
0x17d: {  	v17 =	vld [tilespmem:s29+$0x420]  }
0x17e: {  	v16 =	vld [tilespmem:s29+$0x430]  }
0x17f: {  	v15 =	vld [tilespmem:s29+$0x440]  }
0x180: {  	v14 =	vld [tilespmem:s29+$0x450];
	v19 =	vadd.f32 v13, v19  }
0x181: {  	s3 =	simm.s32 $0x200;
	v18 =	vadd.f32 v18, v20;
	v13 =	vld [tilespmem:s29+$0x460]  }
.LBB2_10:
0x182: {  	p1 =	sne.s32 s3, $0x4E00;
	v5 =	vadd.f32 v5, v19;
	v12 =	vadd.f32 v12, v17;
	v17 =	vld [tilespmem:s29+$0x470]  }
0x183: {  	v6 =	vadd.f32 v6, v18;
	v11 =	vadd.f32 v11, v16;
	v16 =	vld [tilespmem:s29+$0x5460]  }
0x184: {  	s19 =	sshra.s32 s3, $0x2;
	v18 =	vmax.f32 v5, $0.0e+00;
	v4 =	vadd.f32 v4, v12;
	v10 =	vadd.f32 v10, v15;
	v12 =	vld [tilespmem:s29+$0x5470]  }
0x185: {  	v5 =	vld [tilespmem:s19+$0x5400];
	[tilespmem:s29+$0x400] =	vst v18;
	v15 =	vmax.f32 v6, $0.0e+00;
	v3 =	vadd.f32 v3, v11;
	v9 =	vadd.f32 v9, v14  }
0x186: {  	v6 =	vld [tilespmem:s19+$0x5410];
	[tilespmem:s29+$0x410] =	vst v15;
	v11 =	vmax.f32 v4, $0.0e+00;
	v2 =	vadd.f32 v2, v10;
	v8 =	vadd.f32 v8, v13  }
0x187: {  	v4 =	vld [tilespmem:s19+$0x5420];
	[tilespmem:s29+$0x420] =	vst v11;
	v10 =	vmax.f32 v3, $0.0e+00;
	v1 =	vadd.f32 v1, v9;
	v7 =	vadd.f32 v7, v17  }
0x188: {  	v3 =	vld [tilespmem:s19+$0x5430];
	[tilespmem:s29+$0x430] =	vst v10;
	v9 =	vmax.f32 v2, $0.0e+00;
	v8 =	vadd.f32 v16, v8  }
0x189: {  	v2 =	vld [tilespmem:s19+$0x5440];
	[tilespmem:s29+$0x440] =	vst v9;
	v9 =	vmax.f32 v1, $0.0e+00;
	v7 =	vadd.f32 v12, v7  }
0x18a: {  	v1 =	vld [tilespmem:s19+$0x5450];
	[tilespmem:s29+$0x450] =	vst v9;
	v8 =	vmax.f32 v8, $0.0e+00  }
0x18b: {  	v13 =	vld [tilespmem:s19+$0x2C00];
	[tilespmem:s29+$0x460] =	vst v8;
	v7 =	vmax.f32 v7, $0.0e+00  }
0x18c: {  	v18 =	vld [tilespmem:s19+$0x2C10];
	[tilespmem:s29+$0x470] =	vst v7;
	s29 =	smov.u32 s19  }
0x18d: {  	v12 =	vld [tilespmem:s29+$0x2C20]  }
0x18e: {  	v11 =	vld [tilespmem:s29+$0x2C30]  }
0x18f: {  	v10 =	vld [tilespmem:s29+$0x2C40]  }
0x190: {  	v9 =	vld [tilespmem:s29+$0x2C50]  }
0x191: {  	v8 =	vld [tilespmem:s29+$0x2C60]  }
0x192: {  	v7 =	vld [tilespmem:s29+$0x2C70]  }
0x193: {  	v14 =	vld [tilespmem:s29+$0x400]  }
0x194: {  	v20 =	vld [tilespmem:s29+$0x410]  }
.Ltmp8:
0x195: {  	v17 =	vld [tilespmem:s29+$0x420];
	(pc) =	sbr.rel @p1 .LBB2_10-.Ltmp8, $4  }
0x196: {  	v16 =	vld [tilespmem:s29+$0x430]  }
0x197: {  	v15 =	vld [tilespmem:s29+$0x440]  }
0x198: {  	v19 =	vadd.f32 v13, v14;
	v14 =	vld [tilespmem:s29+$0x450]  }
0x199: {  	s3 =	sadd.s32 $0x200, s3;
	v18 =	vadd.f32 v18, v20;
	v13 =	vld [tilespmem:s29+$0x460]  }
0x19a: {  	v5 =	vadd.f32 v5, v19;
	v12 =	vadd.f32 v12, v17;
	v17 =	vld [tilespmem:s29+$0x470]  }
0x19b: {  	v6 =	vadd.f32 v6, v18;
	v11 =	vadd.f32 v11, v16;
	v16 =	vld [tilespmem:s29+$0x5460]  }
0x19c: {  	v5 =	vmax.f32 v5, $0.0e+00;
	v4 =	vadd.f32 v4, v12;
	v10 =	vadd.f32 v10, v15;
	v12 =	vld [tilespmem:s29+$0x5470]  }
0x19d: {  	[tilespmem:s29+$0x400] =	vst v5;
	v5 =	vmax.f32 v6, $0.0e+00;
	v3 =	vadd.f32 v3, v11;
	v6 =	vadd.f32 v9, v14  }
0x19e: {  	[tilespmem:s29+$0x410] =	vst v5;
	v4 =	vmax.f32 v4, $0.0e+00;
	v2 =	vadd.f32 v2, v10;
	v5 =	vadd.f32 v8, v13  }
0x19f: {  	[tilespmem:s29+$0x420] =	vst v4;
	v3 =	vmax.f32 v3, $0.0e+00;
	v1 =	vadd.f32 v1, v6;
	v4 =	vadd.f32 v7, v17  }
0x1a0: {  	[tilespmem:s29+$0x430] =	vst v3;
	v2 =	vmax.f32 v2, $0.0e+00;
	v3 =	vadd.f32 v16, v5  }
0x1a1: {  	[tilespmem:s29+$0x440] =	vst v2;
	v1 =	vmax.f32 v1, $0.0e+00;
	v2 =	vadd.f32 v12, v4  }
0x1a2: {  	[tilespmem:s29+$0x450] =	vst v1;
	v1 =	vmax.f32 v3, $0.0e+00  }
0x1a3: {  	[tilespmem:s29+$0x460] =	vst v1;
	v1 =	vmax.f32 v2, $0.0e+00  }
0x1a4: {  	s3 =	simm.s32 $0x300;
	[tilespmem:s29+$0x470] =	vst v1  }
0x1a5: {  	[spmem:s2] =	stream.indirect.scatter.add.f32 [tilespmem:s18], [sflag:$0x7], $0x80, s3, s28, $0xb8;
	[tilespmem:$0x1B480] =	vst v63  }
0x1a6: {  	_ =	swait.ge [sflag:s16], $0x1400  }
0x1a7: {  	[sflag:s16] =	ssyncset.done $0x0  }
0x1a8: {  	[sflag:s16] =	ssyncadd.s32 $0xFFFFEC00  }
0x1a9: {  	_ =	swait.ge [sflag:s25], $0x28  }
0x1aa: {  	[sflag:s25] =	ssyncset.done $0x0  }
0x1ab: {  	[sflag:s25] =	ssyncadd.s32 $0xFFFFFFD8  }
0x1ac: {  	_ =	swait.ge [sflag:s26], $0x28  }
0x1ad: {  	[sflag:s26] =	ssyncset.done $0x0  }
0x1ae: {  	s3 =	simm.s32 $0x0;
	[sflag:s26] =	ssyncadd.s32 $0xFFFFFFD8  }
0x1af: {  	[tilespmem:s18], [sflag:$0x1] =	stream.indirect.gather [hbm4b:s1+s28], $0x80, s3, s28, $0xb8;
	[tilespmem:$0x1B480] =	vst v63  }
0x1b0: {  	s19 =	simm.s32 $0x2C00;
	s12 =	sshll.u32 s12, $0x4  }
0x1b1: {  	[tilespmem:s19], [sflag:$0x2] =	stream.indirect.gather [hbm4b:s5+s28], $0x80, s22, s28, $0xb8;
	[tilespmem:$0x1B480] =	vst v63  }
0x1b2: {  	s20 =	simm.s32 $0x5400;
	s12 =	sadd.s32 s6, s12;
	s29 =	rddreg [dreg:$0xd]  }
0x1b3: {  	[tilespmem:s20], [sflag:$0x3] =	stream.linear.gather [hbm4b:s12+s3], $0x1400, $0x38;
	[tilespmem:$0x1B480] =	vst v63  }
0x1b4: {  	s12 =	sadd.s32 s17, s29  }
0x1b5: {  	s12 =	sshrl.u32 s12, $0x3  }
0x1b6: {  	s30 =	sadd.s32 s7, s12  }
0x1b7: {  	[tilespmem:s23], [sflag:$0x4] =	stream.linear.gather [hbm4b:s30+s3], $0x28, $0x38;
	[tilespmem:$0x1B480] =	vst v63  }
0x1b8: {  	s12 =	sadd.s32 s8, s12  }
0x1b9: {  	[tilespmem:s24], [sflag:$0x5] =	stream.linear.gather [hbm4b:s12+s3], $0x28, $0x38;
	[tilespmem:$0x1B480] =	vst v63  }
0x1ba: {  	_ =	swait.ge [sflag:s11], $0x1400  }
0x1bb: {  	[sflag:s11] =	ssyncset.done $0x0  }
0x1bc: {  	[sflag:s11] =	ssyncadd.s32 $0xFFFFEC00  }
0x1bd: {  	_ =	swait.ge [sflag:s14], $0x1400  }
0x1be: {  	[sflag:s14] =	ssyncset.done $0x0  }
0x1bf: {  	[sflag:s14] =	ssyncadd.s32 $0xFFFFEC00  }
0x1c0: {  	_ =	swait.ge [sflag:s15], $0x1400  }
0x1c1: {  	[sflag:s15] =	ssyncset.done $0x0  }
0x1c2: {  	s12 =	simm.s32 $0x0;
	[sflag:s15] =	ssyncadd.s32 $0xFFFFEC00  }
0x1c3: {  	v5 =	vld [tilespmem:s12+$0x6800]  }
0x1c4: {  	v6 =	vld [tilespmem:s12+$0x6810]  }
0x1c5: {  	v4 =	vld [tilespmem:s12+$0x6820]  }
0x1c6: {  	v3 =	vld [tilespmem:s12+$0x6830]  }
0x1c7: {  	v2 =	vld [tilespmem:s12+$0x6840]  }
0x1c8: {  	v1 =	vld [tilespmem:s12+$0x6850]  }
0x1c9: {  	v13 =	vld [tilespmem:s12+$0x4000]  }
0x1ca: {  	v18 =	vld [tilespmem:s12+$0x4010]  }
0x1cb: {  	v12 =	vld [tilespmem:s12+$0x4020]  }
0x1cc: {  	v11 =	vld [tilespmem:s12+$0x4030]  }
0x1cd: {  	v10 =	vld [tilespmem:s12+$0x4040]  }
0x1ce: {  	v9 =	vld [tilespmem:s12+$0x4050]  }
0x1cf: {  	v8 =	vld [tilespmem:s12+$0x4060]  }
0x1d0: {  	v7 =	vld [tilespmem:s12+$0x4070]  }
0x1d1: {  	v19 =	vld [tilespmem:s12+$0x1800]  }
0x1d2: {  	v20 =	vld [tilespmem:s12+$0x1810]  }
0x1d3: {  	v17 =	vld [tilespmem:s12+$0x1820]  }
0x1d4: {  	v16 =	vld [tilespmem:s12+$0x1830]  }
0x1d5: {  	v15 =	vld [tilespmem:s12+$0x1840]  }
0x1d6: {  	v14 =	vld [tilespmem:s12+$0x1850];
	v19 =	vadd.f32 v13, v19  }
0x1d7: {  	s3 =	simm.s32 $0x200;
	v18 =	vadd.f32 v18, v20;
	v13 =	vld [tilespmem:s12+$0x1860]  }
.LBB2_12:
0x1d8: {  	p1 =	sne.s32 s3, $0x4E00;
	v5 =	vadd.f32 v5, v19;
	v12 =	vadd.f32 v12, v17;
	v17 =	vld [tilespmem:s12+$0x1870]  }
0x1d9: {  	v6 =	vadd.f32 v6, v18;
	v11 =	vadd.f32 v11, v16;
	v16 =	vld [tilespmem:s12+$0x6860]  }
0x1da: {  	s17 =	sshra.s32 s3, $0x2;
	v18 =	vmax.f32 v5, $0.0e+00;
	v4 =	vadd.f32 v4, v12;
	v10 =	vadd.f32 v10, v15;
	v12 =	vld [tilespmem:s12+$0x6870]  }
0x1db: {  	v5 =	vld [tilespmem:s17+$0x6800];
	[tilespmem:s12+$0x1800] =	vst v18;
	v15 =	vmax.f32 v6, $0.0e+00;
	v3 =	vadd.f32 v3, v11;
	v9 =	vadd.f32 v9, v14  }
0x1dc: {  	v6 =	vld [tilespmem:s17+$0x6810];
	[tilespmem:s12+$0x1810] =	vst v15;
	v11 =	vmax.f32 v4, $0.0e+00;
	v2 =	vadd.f32 v2, v10;
	v8 =	vadd.f32 v8, v13  }
0x1dd: {  	v4 =	vld [tilespmem:s17+$0x6820];
	[tilespmem:s12+$0x1820] =	vst v11;
	v10 =	vmax.f32 v3, $0.0e+00;
	v1 =	vadd.f32 v1, v9;
	v7 =	vadd.f32 v7, v17  }
0x1de: {  	v3 =	vld [tilespmem:s17+$0x6830];
	[tilespmem:s12+$0x1830] =	vst v10;
	v9 =	vmax.f32 v2, $0.0e+00;
	v8 =	vadd.f32 v16, v8  }
0x1df: {  	v2 =	vld [tilespmem:s17+$0x6840];
	[tilespmem:s12+$0x1840] =	vst v9;
	v9 =	vmax.f32 v1, $0.0e+00;
	v7 =	vadd.f32 v12, v7  }
0x1e0: {  	v1 =	vld [tilespmem:s17+$0x6850];
	[tilespmem:s12+$0x1850] =	vst v9;
	v8 =	vmax.f32 v8, $0.0e+00  }
0x1e1: {  	v13 =	vld [tilespmem:s17+$0x4000];
	[tilespmem:s12+$0x1860] =	vst v8;
	v7 =	vmax.f32 v7, $0.0e+00  }
0x1e2: {  	v18 =	vld [tilespmem:s17+$0x4010];
	[tilespmem:s12+$0x1870] =	vst v7;
	s12 =	smov.u32 s17  }
0x1e3: {  	v12 =	vld [tilespmem:s12+$0x4020]  }
0x1e4: {  	v11 =	vld [tilespmem:s12+$0x4030]  }
0x1e5: {  	v10 =	vld [tilespmem:s12+$0x4040]  }
0x1e6: {  	v9 =	vld [tilespmem:s12+$0x4050]  }
0x1e7: {  	v8 =	vld [tilespmem:s12+$0x4060]  }
0x1e8: {  	v7 =	vld [tilespmem:s12+$0x4070]  }
0x1e9: {  	v14 =	vld [tilespmem:s12+$0x1800]  }
0x1ea: {  	v20 =	vld [tilespmem:s12+$0x1810]  }
.Ltmp9:
0x1eb: {  	v17 =	vld [tilespmem:s12+$0x1820];
	(pc) =	sbr.rel @p1 .LBB2_12-.Ltmp9, $4  }
0x1ec: {  	v16 =	vld [tilespmem:s12+$0x1830]  }
0x1ed: {  	v15 =	vld [tilespmem:s12+$0x1840]  }
0x1ee: {  	v19 =	vadd.f32 v13, v14;
	v14 =	vld [tilespmem:s12+$0x1850]  }
0x1ef: {  	s3 =	sadd.s32 $0x200, s3;
	v18 =	vadd.f32 v18, v20;
	v13 =	vld [tilespmem:s12+$0x1860]  }
0x1f0: {  	v5 =	vadd.f32 v5, v19;
	v12 =	vadd.f32 v12, v17;
	v57 =	vld [tilespmem:s12+$0x1870]  }
0x1f1: {  	v58 =	vld [tilespmem:s12+$0x6860];
	v6 =	vadd.f32 v6, v18;
	v11 =	vadd.f32 v11, v16  }
0x1f2: {  	v59 =	vld [tilespmem:s12+$0x6870];
	v5 =	vmax.f32 v5, $0.0e+00;
	v4 =	vadd.f32 v4, v12;
	v10 =	vadd.f32 v10, v15  }
0x1f3: {  	[tilespmem:s12+$0x1800] =	vst v5;
	v60 =	vmax.f32 v6, $0.0e+00;
	v3 =	vadd.f32 v3, v11;
	v61 =	vadd.f32 v9, v14  }
0x1f4: {  	[tilespmem:s12+$0x1810] =	vst v60;
	v4 =	vmax.f32 v4, $0.0e+00;
	v2 =	vadd.f32 v2, v10;
	v62 =	vadd.f32 v8, v13  }
0x1f5: {  	[tilespmem:s12+$0x1820] =	vst v4;
	v3 =	vmax.f32 v3, $0.0e+00;
	v1 =	vadd.f32 v1, v61;
	v63 =	vadd.f32 v7, v57  }
0x1f6: {  	[tilespmem:s12+$0x1830] =	vst v3;
	v2 =	vmax.f32 v2, $0.0e+00;
	v3 =	vadd.f32 v58, v62  }
0x1f7: {  	[tilespmem:s12+$0x1840] =	vst v2;
	v1 =	vmax.f32 v1, $0.0e+00;
	v2 =	vadd.f32 v59, v63  }
0x1f8: {  	[tilespmem:s12+$0x1850] =	vst v1;
	v1 =	vmax.f32 v3, $0.0e+00  }
0x1f9: {  	[tilespmem:s12+$0x1860] =	vst v1;
	v1 =	vmax.f32 v2, $0.0e+00  }
.Ltmp10:
0x1fa: {  	s3 =	simm.s32 $0x380;
	[tilespmem:s12+$0x1870] =	vst v1;
	(pc) =	sbr.rel .LBB2_14-.Ltmp10, $4  }
0x1fb: {  	[spmem:s2] =	stream.indirect.scatter.add.f32 [tilespmem:s31], [sflag:$0x6], $0x80, s3, s28, $0xb8;
	[tilespmem:$0x1B480] =	vst v63  }
0x1fc: {  	_ =	swait.ge [sflag:s21], $0x1400  }
0x1fd: {  	[sflag:s21] =	ssyncset.done $0x0  }
0x1fe: {  	[sflag:s21] =	ssyncadd.s32 $0xFFFFEC00  }
.LBB2_16:
0x1ff: {  	_ =	sfence.sel $0x180000  }
0x200: {  	[bflag:$0x0] =	sbarrier.arrive $0xFFFF  }
0x201: {  	_ =	strace $0x90000047  }
0x202: {  	s0 =	stileid.u32;
	[bflag:$0x2] =	sbarrier.arrive $0xFFFF  }
0x203: {  	p0 =	sne.s32 s0, $0x0;
	s0 =	rddreg [dreg:$0x3]  }
0x204: {  	s0 =	sadd.s32 @!p0 $0x100000, s0  }
0x205: {  	[sflag:s0] =	ssyncadd.tile.s32 @!p0 $0x1;
	_ =	shalt  }
.Lfunc_end2:
_tile_overlayer_lowered:
.L_overlay_start_2:
0x206: {  	(tag) =	ssettag $0x2  }
0x207: {  	s0 =	rddreg [dreg:$0x0];
	s2 =	stileid.u32  }
0x208: {  	s1 =	rddreg [dreg:$0x1];
	p0 =	sne.s32 s2, $0x0  }
0x209: {  	s3 =	rddreg [dreg:$0x2];
	[bflag:$0x3] =	sbarrier.arrive $0xFFFF;
	s2 =	simm.s32 @!p0 $0x1C06  }
0x20a: {  	[timem:s3], [sflag:s2] =	dma.local @!p0 [hbm:s0], s1  }
0x20b: {  	s0 =	simm.s32 @!p0 $0x6  }
0x20c: {  	_ =	swait.ge @!p0 [sflag:s0], s1  }
0x20d: {  	s1 =	ssub.s32 @!p0 $0x0, s1;
	[sflag:s0] =	ssyncset.done @!p0 $0x0  }
0x20e: {  	[sflag:s0] =	ssyncadd.s32 @!p0 s1  }
0x20f: {  	[bflag:$0x3] =	sbarrier.arrive $0xFFFF  }
0x210: {  	_ =	shalt  }

</sc_bundles>
